<compile_context>
chip_gen: v7x
topology: tpu7x:2x2x1
jax: 0.10.2.dev20260603
libtpu: 0.0.44.dev20260713+nightly
codegen_flags: <defaults>
</compile_context>

<pallas_src>
import functools

import jax
import jax.numpy as jnp
from jax import lax
from jax.experimental import pallas as pl
from jax.experimental.pallas import tpu as pltpu
from jax.experimental.pallas import tpu_sc as plsc

B = 1024
S = 200
D = 64
N = B * S
NW = 32
PER_W = N // NW
C = 640
NCHUNK = PER_W // C
CB = C // 128
U = 4
EPS = 1e-6
CW = C * D
SEGOFF = S * D


def _rsqrt_vec(x):
    i = lax.bitcast_convert_type(x, jnp.int32)
    i = jnp.full((16,), jnp.int32(0x5F3759DF)) - lax.shift_right_logical(i, 1)
    y = lax.bitcast_convert_type(i, jnp.float32)
    h = x * 0.5
    for _ in range(3):
        y = y * (1.5 - h * y * y)
    return y


def _body(tok_idx, seg_idx, table, pos, segtab, gamma, beta, out,
          tok_a, tok_b, cid_a, cid_b, rows_a, rows_b,
          combo_v, segtab_v, gam_v, bet_v,
          sem_ga, sem_gb, sem_sa, sem_sb):
    wid = lax.axis_index("s") * 2 + lax.axis_index("c")
    wbase = wid * PER_W

    pltpu.sync_copy(pos, combo_v.at[pl.ds(SEGOFF, SEGOFF)])
    pltpu.sync_copy(segtab, segtab_v)
    pltpu.sync_copy(gamma, gam_v)
    pltpu.sync_copy(beta, bet_v)

    s0 = [segtab_v[pl.ds(16 * j, 16)] for j in range(4)]
    s1 = [segtab_v[pl.ds(D + 16 * j, 16)] for j in range(4)]
    gv = [gam_v[pl.ds(16 * j, 16)] for j in range(4)]
    bv = [bet_v[pl.ds(16 * j, 16)] for j in range(4)]

    def combo_body(p, _):
        o1 = pl.multiple_of(SEGOFF + p * D, 64)
        o0 = pl.multiple_of(p * D, 64)
        for j in range(4):
            pv = combo_v[pl.ds(o1 + 16 * j, 16)]
            combo_v[pl.ds(o0 + 16 * j, 16)] = pv + s0[j]
            combo_v[pl.ds(o1 + 16 * j, 16)] = pv + s1[j]
        return ()

    lax.fori_loop(0, S, combo_body, (), unroll=False)

    lane = lax.iota(jnp.int32, 16)
    dnums = lax.GatherDimensionNumbers(
        offset_dims=(), collapsed_slice_dims=(0,), start_index_map=(0,))
    perms = [
        lax.bitwise_xor(lane, jnp.full((16,), jnp.int32(m))).reshape(16, 1)
        for m in (8, 4, 2, 1)
    ]
    lane_j = [lane + 16 * j for j in range(4)]

    def allsum(v):
        for perm in perms:
            v = v + lax.gather(
                v, perm, dnums, (1,),
                mode=lax.GatherScatterMode.PROMISE_IN_BOUNDS)
        return v

    def stage_and_fire(k, tok_v, cid_v, rows_v, sem):
        base = pl.multiple_of(wbase + k * C, 128)
        pltpu.sync_copy(tok_idx.at[pl.ds(base, C)], tok_v)
        pltpu.sync_copy(seg_idx.at[pl.ds(base, C)], cid_v)
        cps = [
            pltpu.async_copy(
                table.at[tok_v.at[pl.ds(j * 128, 128)]],
                rows_v.at[pl.ds(j * 128, 128)],
                sem,
            )
            for j in range(CB)
        ]
        return cps

    def compute(k, cid_v, rows_vf, rows_v2):
        base = wbase + k * C

        def prep_body(i, _):
            off = pl.multiple_of(i * 16, 16)
            segv = cid_v[pl.ds(off, 16)]
            posv = lax.rem(jnp.full((16,), base + i * 16) + lane,
                           jnp.full((16,), S))
            cid_v[pl.ds(off, 16)] = (segv * SEGOFF + posv * D)
            return ()

        lax.fori_loop(0, C // 16, prep_body, (), unroll=False)

        def row_body(i, _):
            ri = jnp.full((16,), i * U, dtype=jnp.int32)
            for u in range(U):
                ru = ri + u
                cid = plsc.load_gather(cid_v, [ru])
                x = []
                for j in range(4):
                    t = plsc.load_gather(rows_vf, [ru, lane_j[j]])
                    cmb = plsc.load_gather(combo_v, [cid + lane_j[j]])
                    x.append(t + cmb)
                ssum = allsum((x[0] + x[1]) + (x[2] + x[3]))
                qsum = allsum(
                    (x[0] * x[0] + x[1] * x[1])
                    + (x[2] * x[2] + x[3] * x[3])
                )
                mb = ssum * (1.0 / D)
                var = qsum * (1.0 / D) - mb * mb
                rb_ = _rsqrt_vec(var + EPS)
                for j in range(4):
                    o = (x[j] - mb) * rb_ * gv[j] + bv[j]
                    plsc.store_scatter(rows_vf, [ru, lane_j[j]], o)
            return ()

        lax.fori_loop(0, C // U, row_body, (), unroll=False)

    def start_store(k, rows_v2, sem):
        base = pl.multiple_of(wbase + k * C, 128)
        return pltpu.make_async_copy(rows_v2, out.at[pl.ds(base, C)], sem)

    def wait_store(k, rows_v2, sem):
        base = pl.multiple_of(wbase + k * C, 128)
        pltpu.make_async_copy(rows_v2, out.at[pl.ds(base, C)], sem).wait()

    rows_a2 = rows_a
    rows_b2 = rows_b
    rows_af = rows_a
    rows_bf = rows_b

    cps = stage_and_fire(0, tok_a, cid_a, rows_a2, sem_ga)
    for cp in cps:
        cp.wait()

    def super_body(t, _):
        k0 = t * 2
        cpsb = stage_and_fire(k0 + 1, tok_b, cid_b, rows_b2, sem_gb)
        compute(k0, cid_a, rows_af, rows_a2)
        sa = start_store(k0, rows_a2, sem_sa)
        sa.start()
        for cp in cpsb:
            cp.wait()
        compute(k0 + 1, cid_b, rows_bf, rows_b2)
        sb = start_store(k0 + 1, rows_b2, sem_sb)
        sb.start()
        wait_store(k0, rows_a2, sem_sa)

        @pl.when(t < NCHUNK // 2 - 1)
        def _():
            cpsa = stage_and_fire(k0 + 2, tok_a, cid_a, rows_a2, sem_ga)
            for cp in cpsa:
                cp.wait()

        wait_store(k0 + 1, rows_b2, sem_sb)
        return ()

    lax.fori_loop(0, NCHUNK // 2, super_body, (), unroll=False)


def kernel(token_input, segment_input, token_table, segment_table, pos_table,
           gamma, beta):
    tok1d = token_input.reshape(N)
    seg1d = segment_input.reshape(N)
    pos1d = pos_table.reshape(S * D)
    seg1t = segment_table.reshape(2 * D)

    mesh = plsc.VectorSubcoreMesh(core_axis_name="c", subcore_axis_name="s")
    run = functools.partial(
        pl.kernel,
        mesh=mesh,
        compiler_params=pltpu.CompilerParams(
            use_tc_tiling_on_sc=False, needs_layout_passes=False),
        out_type=jax.ShapeDtypeStruct((N, D), jnp.float32),
        scratch_types=[
            pltpu.VMEM((C,), jnp.int32),
            pltpu.VMEM((C,), jnp.int32),
            pltpu.VMEM((C,), jnp.int32),
            pltpu.VMEM((C,), jnp.int32),
            pltpu.VMEM((C, D), jnp.float32),
            pltpu.VMEM((C, D), jnp.float32),
            pltpu.VMEM((2 * S * D,), jnp.float32),
            pltpu.VMEM((2 * D,), jnp.float32),
            pltpu.VMEM((D,), jnp.float32),
            pltpu.VMEM((D,), jnp.float32),
            pltpu.SemaphoreType.DMA,
            pltpu.SemaphoreType.DMA,
            pltpu.SemaphoreType.DMA,
            pltpu.SemaphoreType.DMA,
        ],
    )(_body)
    out = run(tok1d, seg1d, token_table, pos1d, seg1t, gamma, beta)
    return out.reshape(B, S, D)

# --- scband reference (transcript-rebuilt; emitter-appended) ---
"""Pipeline reference for scband-bertembedding-89404039234147 (READ-ONLY COPY).

The authoritative reference and input builder live on the scoring server;
editing this copy changes nothing except your own understanding.
"""

import jax, jax.numpy as jnp
import numpy as np

VOCAB = 1000000
MAXLEN = 200
EMBED_DIM = 64
BATCH = 1024
SEQ = 200
EPS = 1e-6


def setup_inputs(seed: int = 0) -> dict:
    key = jax.random.key(seed)
    k1, k2, k3, k4, k5 = jax.random.split(key, 5)
    token_input = jax.random.randint(k1, (BATCH, SEQ), 0, VOCAB, dtype=jnp.int32)
    segment_input = jax.random.randint(k2, (BATCH, SEQ), 0, 2, dtype=jnp.int32)
    token_table = jax.random.normal(k3, (VOCAB, EMBED_DIM), dtype=jnp.float32) * 0.02
    segment_table = jax.random.normal(k4, (2, EMBED_DIM), dtype=jnp.float32) * 0.02
    pos_table = jax.random.normal(k5, (MAXLEN, EMBED_DIM), dtype=jnp.float32) * 0.02
    gamma = jnp.ones((EMBED_DIM,), dtype=jnp.float32)
    beta = jnp.zeros((EMBED_DIM,), dtype=jnp.float32)
    return {
        "token_input": token_input,
        "segment_input": segment_input,
        "token_table": token_table,
        "segment_table": segment_table,
        "pos_table": pos_table,
        "gamma": gamma,
        "beta": beta,
    }


def _layernorm(x, gamma, beta, eps=EPS):
    mean = jnp.mean(x, axis=-1, keepdims=True)
    var = jnp.mean(jnp.square(x - mean), axis=-1, keepdims=True)
    return (x - mean) / jnp.sqrt(var + eps) * gamma + beta


def reference(token_input, segment_input, token_table, segment_table, pos_table, gamma, beta):
    # token + segment embeddings (gathers)
    x = jnp.take(token_table, token_input, axis=0) + jnp.take(segment_table, segment_input, axis=0)
    # position embeddings
    seqlen = token_input.shape[-1]
    positions = jnp.arange(seqlen)
    pos = jnp.take(pos_table, positions, axis=0)
    x = x + pos[None, :, :]
    # dropout is identity at inference
    return _layernorm(x, gamma, beta)

if __name__ == "__main__":
    import jax
    _d = setup_inputs()
    print(jax.jit(kernel)(*tuple(_d.values())))

</pallas_src>

<mosaic_0001>
#map = affine_map<(d0, d1) -> (0)>
#map1 = affine_map<(d0, d1) -> (0, 0)>
module attributes {stable_mosaic.version = 14 : i64} {
  func.func @_body(%arg0: i32, %arg1: i32, %arg2: memref<204800xi32, #tpu.memory_space<hbm>>, %arg3: memref<204800xi32, #tpu.memory_space<hbm>>, %arg4: memref<1000000x64xf32, #tpu.memory_space<hbm>>, %arg5: memref<12800xf32, #tpu.memory_space<hbm>>, %arg6: memref<128xf32, #tpu.memory_space<hbm>>, %arg7: memref<64xf32, #tpu.memory_space<hbm>>, %arg8: memref<64xf32, #tpu.memory_space<hbm>>, %arg9: memref<204800x64xf32, #tpu.memory_space<hbm>>, %arg10: memref<640xi32, #tpu.memory_space<vmem>>, %arg11: memref<640xi32, #tpu.memory_space<vmem>>, %arg12: memref<640xi32, #tpu.memory_space<vmem>>, %arg13: memref<640xi32, #tpu.memory_space<vmem>>, %arg14: memref<640x64xf32, #tpu.memory_space<vmem>>, %arg15: memref<640x64xf32, #tpu.memory_space<vmem>>, %arg16: memref<25600xf32, #tpu.memory_space<vmem>>, %arg17: memref<128xf32, #tpu.memory_space<vmem>>, %arg18: memref<64xf32, #tpu.memory_space<vmem>>, %arg19: memref<64xf32, #tpu.memory_space<vmem>>, %arg20: memref<!tpu.dma_semaphore, #tpu.memory_space<semaphore_mem>>, %arg21: memref<!tpu.dma_semaphore, #tpu.memory_space<semaphore_mem>>, %arg22: memref<!tpu.dma_semaphore, #tpu.memory_space<semaphore_mem>>, %arg23: memref<!tpu.dma_semaphore, #tpu.memory_space<semaphore_mem>>) attributes {dimension_semantics = [#tpu.dimension_semantics<core_parallel>, #tpu.dimension_semantics<subcore_parallel>], iteration_bounds = array<i64: 2, 16>, scalar_prefetch = 0 : i64, scratch_operands = 14 : i64, tpu.core_type = #tpu.core_type<sc_vector_subcore>, window_params = [{transform_indices = #map}, {transform_indices = #map}, {transform_indices = #map1}, {transform_indices = #map}, {transform_indices = #map}, {transform_indices = #map}, {transform_indices = #map}, {transform_indices = #map1}]} {
    %mul3A = arith.constant 2 : i32
    %mul3A_0 = arith.muli %arg1, %mul3A : i32
    %add3A = arith.addi %mul3A_0, %arg0 : i32
    %mul3A_1 = arith.constant 6400 : i32
    %mul3A_2 = arith.muli %add3A, %mul3A_1 : i32
    "tpu.region"() ({
      %run_scoped3A = tpu.sem_alloc : memref<!tpu.dma_semaphore, #tpu.memory_space<semaphore_mem>>
      %dma_start3A_148 = arith.constant 12800 : i32
      %dma_start3A_149 = tpu.memref_slice %arg16[%dma_start3A_148] : memref<25600xf32, #tpu.memory_space<vmem>> -> memref<12800xf32, #tpu.memory_space<vmem>>
      %dma_start3A_150 = arith.constant 12800 : i32
      %dma_start3A_151 = tpu.memref_slice %arg16[%dma_start3A_150] : memref<25600xf32, #tpu.memory_space<vmem>> -> memref<12800xf32, #tpu.memory_space<vmem>>
      tpu.enqueue_dma source(%arg5 : memref<12800xf32, #tpu.memory_space<hbm>>) target(%dma_start3A_151 : memref<12800xf32, #tpu.memory_space<vmem>>) target_semaphore(%run_scoped3A : memref<!tpu.dma_semaphore, #tpu.memory_space<semaphore_mem>>)
      %dma_wait3A_152 = arith.constant 12800 : i32
      %dma_wait3A_153 = tpu.memref_slice %arg16[%dma_wait3A_152] : memref<25600xf32, #tpu.memory_space<vmem>> -> memref<12800xf32, #tpu.memory_space<vmem>>
      %dma_wait3A_154 = arith.constant 12800 : i32
      %dma_wait3A_155 = tpu.memref_slice %arg16[%dma_wait3A_154] : memref<25600xf32, #tpu.memory_space<vmem>> -> memref<12800xf32, #tpu.memory_space<vmem>>
      tpu.wait_dma2 semaphore(%run_scoped3A : memref<!tpu.dma_semaphore, #tpu.memory_space<semaphore_mem>>) src(%arg5 : memref<12800xf32, #tpu.memory_space<hbm>>) dst(%dma_wait3A_155 : memref<12800xf32, #tpu.memory_space<vmem>>)
      tpu.yield
    }) : () -> ()
    "tpu.region"() ({
      %run_scoped3A = tpu.sem_alloc : memref<!tpu.dma_semaphore, #tpu.memory_space<semaphore_mem>>
      tpu.enqueue_dma source(%arg6 : memref<128xf32, #tpu.memory_space<hbm>>) target(%arg17 : memref<128xf32, #tpu.memory_space<vmem>>) target_semaphore(%run_scoped3A : memref<!tpu.dma_semaphore, #tpu.memory_space<semaphore_mem>>)
      tpu.wait_dma2 semaphore(%run_scoped3A : memref<!tpu.dma_semaphore, #tpu.memory_space<semaphore_mem>>) src(%arg6 : memref<128xf32, #tpu.memory_space<hbm>>) dst(%arg17 : memref<128xf32, #tpu.memory_space<vmem>>)
      tpu.yield
    }) : () -> ()
    "tpu.region"() ({
      %run_scoped3A = tpu.sem_alloc : memref<!tpu.dma_semaphore, #tpu.memory_space<semaphore_mem>>
      tpu.enqueue_dma source(%arg7 : memref<64xf32, #tpu.memory_space<hbm>>) target(%arg18 : memref<64xf32, #tpu.memory_space<vmem>>) target_semaphore(%run_scoped3A : memref<!tpu.dma_semaphore, #tpu.memory_space<semaphore_mem>>)
      tpu.wait_dma2 semaphore(%run_scoped3A : memref<!tpu.dma_semaphore, #tpu.memory_space<semaphore_mem>>) src(%arg7 : memref<64xf32, #tpu.memory_space<hbm>>) dst(%arg18 : memref<64xf32, #tpu.memory_space<vmem>>)
      tpu.yield
    }) : () -> ()
    "tpu.region"() ({
      %run_scoped3A = tpu.sem_alloc : memref<!tpu.dma_semaphore, #tpu.memory_space<semaphore_mem>>
      tpu.enqueue_dma source(%arg8 : memref<64xf32, #tpu.memory_space<hbm>>) target(%arg19 : memref<64xf32, #tpu.memory_space<vmem>>) target_semaphore(%run_scoped3A : memref<!tpu.dma_semaphore, #tpu.memory_space<semaphore_mem>>)
      tpu.wait_dma2 semaphore(%run_scoped3A : memref<!tpu.dma_semaphore, #tpu.memory_space<semaphore_mem>>) src(%arg8 : memref<64xf32, #tpu.memory_space<hbm>>) dst(%arg19 : memref<64xf32, #tpu.memory_space<vmem>>)
      tpu.yield
    }) : () -> ()
    %get3A = arith.constant 0 : index
    %get3A_3 = tpu.vector_load %arg17[%get3A] {strides = array<i32>} : memref<128xf32, #tpu.memory_space<vmem>>, vector<16xf32>,
    %get3A_4 = arith.constant 16 : index
    %get3A_5 = tpu.vector_load %arg17[%get3A_4] {strides = array<i32>} : memref<128xf32, #tpu.memory_space<vmem>>, vector<16xf32>,
    %get3A_6 = arith.constant 32 : index
    %get3A_7 = tpu.vector_load %arg17[%get3A_6] {strides = array<i32>} : memref<128xf32, #tpu.memory_space<vmem>>, vector<16xf32>,
    %get3A_8 = arith.constant 48 : index
    %get3A_9 = tpu.vector_load %arg17[%get3A_8] {strides = array<i32>} : memref<128xf32, #tpu.memory_space<vmem>>, vector<16xf32>,
    %get3A_10 = arith.constant 64 : index
    %get3A_11 = tpu.vector_load %arg17[%get3A_10] {strides = array<i32>} : memref<128xf32, #tpu.memory_space<vmem>>, vector<16xf32>,
    %get3A_12 = arith.constant 80 : index
    %get3A_13 = tpu.vector_load %arg17[%get3A_12] {strides = array<i32>} : memref<128xf32, #tpu.memory_space<vmem>>, vector<16xf32>,
    %get3A_14 = arith.constant 96 : index
    %get3A_15 = tpu.vector_load %arg17[%get3A_14] {strides = array<i32>} : memref<128xf32, #tpu.memory_space<vmem>>, vector<16xf32>,
    %get3A_16 = arith.constant 112 : index
    %get3A_17 = tpu.vector_load %arg17[%get3A_16] {strides = array<i32>} : memref<128xf32, #tpu.memory_space<vmem>>, vector<16xf32>,
    %get3A_18 = arith.constant 0 : index
    %get3A_19 = tpu.vector_load %arg18[%get3A_18] {strides = array<i32>} : memref<64xf32, #tpu.memory_space<vmem>>, vector<16xf32>,
    %get3A_20 = arith.constant 16 : index
    %get3A_21 = tpu.vector_load %arg18[%get3A_20] {strides = array<i32>} : memref<64xf32, #tpu.memory_space<vmem>>, vector<16xf32>,
    %get3A_22 = arith.constant 32 : index
    %get3A_23 = tpu.vector_load %arg18[%get3A_22] {strides = array<i32>} : memref<64xf32, #tpu.memory_space<vmem>>, vector<16xf32>,
    %get3A_24 = arith.constant 48 : index
    %get3A_25 = tpu.vector_load %arg18[%get3A_24] {strides = array<i32>} : memref<64xf32, #tpu.memory_space<vmem>>, vector<16xf32>,
    %get3A_26 = arith.constant 0 : index
    %get3A_27 = tpu.vector_load %arg19[%get3A_26] {strides = array<i32>} : memref<64xf32, #tpu.memory_space<vmem>>, vector<16xf32>,
    %get3A_28 = arith.constant 16 : index
    %get3A_29 = tpu.vector_load %arg19[%get3A_28] {strides = array<i32>} : memref<64xf32, #tpu.memory_space<vmem>>, vector<16xf32>,
    %get3A_30 = arith.constant 32 : index
    %get3A_31 = tpu.vector_load %arg19[%get3A_30] {strides = array<i32>} : memref<64xf32, #tpu.memory_space<vmem>>, vector<16xf32>,
    %get3A_32 = arith.constant 48 : index
    %get3A_33 = tpu.vector_load %arg19[%get3A_32] {strides = array<i32>} : memref<64xf32, #tpu.memory_space<vmem>>, vector<16xf32>,
    %scan3A = arith.constant 0 : i32
    %scan3A_34 = arith.constant 200 : i32
    %scan3A_35 = arith.addi %scan3A, %scan3A_34 : i32
    %scan3A_36 = arith.constant 1 : i32
    scf.for %scan3A_148 = %scan3A to %scan3A_35 step %scan3A_36  : i32 {
      %mul3A_149 = arith.constant 64 : i32
      %mul3A_150 = arith.muli %scan3A_148, %mul3A_149 : i32
      %add3A_151 = arith.constant 12800 : i32
      %add3A_152 = arith.addi %add3A_151, %mul3A_150 : i32
      %multiple_of3A_153 = tpu.assume_multiple %add3A_152, 64 : i32
      %mul3A_154 = arith.constant 64 : i32
      %mul3A_155 = arith.muli %scan3A_148, %mul3A_154 : i32
      %multiple_of3A_156 = tpu.assume_multiple %mul3A_155, 64 : i32
      %add3A_157 = arith.constant 0 : i32
      %add3A_158 = arith.addi %multiple_of3A_153, %add3A_157 : i32
      %get3A_159 = arith.index_cast %add3A_158 : i32 to index
      %get3A_160 = tpu.vector_load %arg16[%get3A_159] {strides = array<i32>} : memref<25600xf32, #tpu.memory_space<vmem>>, vector<16xf32>,
      %add3A_161 = arith.addf %get3A_160, %get3A_3 : vector<16xf32>
      %add3A_162 = arith.constant 0 : i32
      %add3A_163 = arith.addi %multiple_of3A_156, %add3A_162 : i32
      %swap3A = arith.index_cast %add3A_163 : i32 to index
      %swap3A_164 = tpu.vector_load %arg16[%swap3A] {strides = array<i32>} : memref<25600xf32, #tpu.memory_space<vmem>>, vector<16xf32>,
      tpu.vector_store %arg16[%swap3A], %add3A_161 {strides = array<i32>} : memref<25600xf32, #tpu.memory_space<vmem>>, vector<16xf32>,
      %add3A_165 = arith.addf %get3A_160, %get3A_11 : vector<16xf32>
      %add3A_166 = arith.constant 0 : i32
      %add3A_167 = arith.addi %multiple_of3A_153, %add3A_166 : i32
      %swap3A_168 = arith.index_cast %add3A_167 : i32 to index
      %swap3A_169 = tpu.vector_load %arg16[%swap3A_168] {strides = array<i32>} : memref<25600xf32, #tpu.memory_space<vmem>>, vector<16xf32>,
      tpu.vector_store %arg16[%swap3A_168], %add3A_165 {strides = array<i32>} : memref<25600xf32, #tpu.memory_space<vmem>>, vector<16xf32>,
      %add3A_170 = arith.constant 16 : i32
      %add3A_171 = arith.addi %multiple_of3A_153, %add3A_170 : i32
      %get3A_172 = arith.index_cast %add3A_171 : i32 to index
      %get3A_173 = tpu.vector_load %arg16[%get3A_172] {strides = array<i32>} : memref<25600xf32, #tpu.memory_space<vmem>>, vector<16xf32>,
      %add3A_174 = arith.addf %get3A_173, %get3A_5 : vector<16xf32>
      %add3A_175 = arith.constant 16 : i32
      %add3A_176 = arith.addi %multiple_of3A_156, %add3A_175 : i32
      %swap3A_177 = arith.index_cast %add3A_176 : i32 to index
      %swap3A_178 = tpu.vector_load %arg16[%swap3A_177] {strides = array<i32>} : memref<25600xf32, #tpu.memory_space<vmem>>, vector<16xf32>,
      tpu.vector_store %arg16[%swap3A_177], %add3A_174 {strides = array<i32>} : memref<25600xf32, #tpu.memory_space<vmem>>, vector<16xf32>,
      %add3A_179 = arith.addf %get3A_173, %get3A_13 : vector<16xf32>
      %add3A_180 = arith.constant 16 : i32
      %add3A_181 = arith.addi %multiple_of3A_153, %add3A_180 : i32
      %swap3A_182 = arith.index_cast %add3A_181 : i32 to index
      %swap3A_183 = tpu.vector_load %arg16[%swap3A_182] {strides = array<i32>} : memref<25600xf32, #tpu.memory_space<vmem>>, vector<16xf32>,
      tpu.vector_store %arg16[%swap3A_182], %add3A_179 {strides = array<i32>} : memref<25600xf32, #tpu.memory_space<vmem>>, vector<16xf32>,
      %add3A_184 = arith.constant 32 : i32
      %add3A_185 = arith.addi %multiple_of3A_153, %add3A_184 : i32
      %get3A_186 = arith.index_cast %add3A_185 : i32 to index
      %get3A_187 = tpu.vector_load %arg16[%get3A_186] {strides = array<i32>} : memref<25600xf32, #tpu.memory_space<vmem>>, vector<16xf32>,
      %add3A_188 = arith.addf %get3A_187, %get3A_7 : vector<16xf32>
      %add3A_189 = arith.constant 32 : i32
      %add3A_190 = arith.addi %multiple_of3A_156, %add3A_189 : i32
      %swap3A_191 = arith.index_cast %add3A_190 : i32 to index
      %swap3A_192 = tpu.vector_load %arg16[%swap3A_191] {strides = array<i32>} : memref<25600xf32, #tpu.memory_space<vmem>>, vector<16xf32>,
      tpu.vector_store %arg16[%swap3A_191], %add3A_188 {strides = array<i32>} : memref<25600xf32, #tpu.memory_space<vmem>>, vector<16xf32>,
      %add3A_193 = arith.addf %get3A_187, %get3A_15 : vector<16xf32>
      %add3A_194 = arith.constant 32 : i32
      %add3A_195 = arith.addi %multiple_of3A_153, %add3A_194 : i32
      %swap3A_196 = arith.index_cast %add3A_195 : i32 to index
      %swap3A_197 = tpu.vector_load %arg16[%swap3A_196] {strides = array<i32>} : memref<25600xf32, #tpu.memory_space<vmem>>, vector<16xf32>,
      tpu.vector_store %arg16[%swap3A_196], %add3A_193 {strides = array<i32>} : memref<25600xf32, #tpu.memory_space<vmem>>, vector<16xf32>,
      %add3A_198 = arith.constant 48 : i32
      %add3A_199 = arith.addi %multiple_of3A_153, %add3A_198 : i32
      %get3A_200 = arith.index_cast %add3A_199 : i32 to index
      %get3A_201 = tpu.vector_load %arg16[%get3A_200] {strides = array<i32>} : memref<25600xf32, #tpu.memory_space<vmem>>, vector<16xf32>,
      %add3A_202 = arith.addf %get3A_201, %get3A_9 : vector<16xf32>
      %add3A_203 = arith.constant 48 : i32
      %add3A_204 = arith.addi %multiple_of3A_156, %add3A_203 : i32
      %swap3A_205 = arith.index_cast %add3A_204 : i32 to index
      %swap3A_206 = tpu.vector_load %arg16[%swap3A_205] {strides = array<i32>} : memref<25600xf32, #tpu.memory_space<vmem>>, vector<16xf32>,
      tpu.vector_store %arg16[%swap3A_205], %add3A_202 {strides = array<i32>} : memref<25600xf32, #tpu.memory_space<vmem>>, vector<16xf32>,
      %add3A_207 = arith.addf %get3A_201, %get3A_17 : vector<16xf32>
      %add3A_208 = arith.constant 48 : i32
      %add3A_209 = arith.addi %multiple_of3A_153, %add3A_208 : i32
      %swap3A_210 = arith.index_cast %add3A_209 : i32 to index
      %swap3A_211 = tpu.vector_load %arg16[%swap3A_210] {strides = array<i32>} : memref<25600xf32, #tpu.memory_space<vmem>>, vector<16xf32>,
      tpu.vector_store %arg16[%swap3A_210], %add3A_207 {strides = array<i32>} : memref<25600xf32, #tpu.memory_space<vmem>>, vector<16xf32>,
    }
    %scan3A_37 = arith.constant 200 : i32
    %iota3A = tpu.iota {dimensions = array<i32: 0>} : vector<16xi32>
    %broadcast_in_dim3A = arith.constant 8 : i32
    %broadcast_in_dim3A_38 = vector.broadcast %broadcast_in_dim3A : i32 to vector<16xi32>
    %xor3A = arith.xori %iota3A, %broadcast_in_dim3A_38 : vector<16xi32>
    %reshape3A = vector.shape_cast %xor3A : vector<16xi32> to vector<16x1xi32>
    %broadcast_in_dim3A_39 = arith.constant 4 : i32
    %broadcast_in_dim3A_40 = vector.broadcast %broadcast_in_dim3A_39 : i32 to vector<16xi32>
    %xor3A_41 = arith.xori %iota3A, %broadcast_in_dim3A_40 : vector<16xi32>
    %reshape3A_42 = vector.shape_cast %xor3A_41 : vector<16xi32> to vector<16x1xi32>
    %broadcast_in_dim3A_43 = arith.constant 2 : i32
    %broadcast_in_dim3A_44 = vector.broadcast %broadcast_in_dim3A_43 : i32 to vector<16xi32>
    %xor3A_45 = arith.xori %iota3A, %broadcast_in_dim3A_44 : vector<16xi32>
    %reshape3A_46 = vector.shape_cast %xor3A_45 : vector<16xi32> to vector<16x1xi32>
    %broadcast_in_dim3A_47 = arith.constant 1 : i32
    %broadcast_in_dim3A_48 = vector.broadcast %broadcast_in_dim3A_47 : i32 to vector<16xi32>
    %xor3A_49 = arith.xori %iota3A, %broadcast_in_dim3A_48 : vector<16xi32>
    %reshape3A_50 = vector.shape_cast %xor3A_49 : vector<16xi32> to vector<16x1xi32>
    %add3A_51 = arith.constant 0 : i32
    %add3A_52 = vector.broadcast %add3A_51 : i32 to vector<16xi32>
    %add3A_53 = arith.addi %iota3A, %add3A_52 : vector<16xi32>
    %add3A_54 = arith.constant 16 : i32
    %add3A_55 = vector.broadcast %add3A_54 : i32 to vector<16xi32>
    %add3A_56 = arith.addi %iota3A, %add3A_55 : vector<16xi32>
    %add3A_57 = arith.constant 32 : i32
    %add3A_58 = vector.broadcast %add3A_57 : i32 to vector<16xi32>
    %add3A_59 = arith.addi %iota3A, %add3A_58 : vector<16xi32>
    %add3A_60 = arith.constant 48 : i32
    %add3A_61 = vector.broadcast %add3A_60 : i32 to vector<16xi32>
    %add3A_62 = arith.addi %iota3A, %add3A_61 : vector<16xi32>
    %add3A_63 = arith.constant 0 : i32
    %add3A_64 = arith.addi %mul3A_2, %add3A_63 : i32
    %multiple_of3A = tpu.assume_multiple %add3A_64, 128 : i32
    "tpu.region"() ({
      %run_scoped3A = tpu.sem_alloc : memref<!tpu.dma_semaphore, #tpu.memory_space<semaphore_mem>>
      %dma_start3A_148 = tpu.memref_slice %arg2[%multiple_of3A] : memref<204800xi32, #tpu.memory_space<hbm>> -> memref<640xi32, #tpu.memory_space<hbm>>
      %dma_start3A_149 = tpu.memref_slice %arg2[%multiple_of3A] : memref<204800xi32, #tpu.memory_space<hbm>> -> memref<640xi32, #tpu.memory_space<hbm>>
      tpu.enqueue_dma source(%dma_start3A_149 : memref<640xi32, #tpu.memory_space<hbm>>) target(%arg10 : memref<640xi32, #tpu.memory_space<vmem>>) target_semaphore(%run_scoped3A : memref<!tpu.dma_semaphore, #tpu.memory_space<semaphore_mem>>)
      %dma_wait3A_150 = tpu.memref_slice %arg2[%multiple_of3A] : memref<204800xi32, #tpu.memory_space<hbm>> -> memref<640xi32, #tpu.memory_space<hbm>>
      %dma_wait3A_151 = tpu.memref_slice %arg2[%multiple_of3A] : memref<204800xi32, #tpu.memory_space<hbm>> -> memref<640xi32, #tpu.memory_space<hbm>>
      tpu.wait_dma2 semaphore(%run_scoped3A : memref<!tpu.dma_semaphore, #tpu.memory_space<semaphore_mem>>) src(%dma_wait3A_151 : memref<640xi32, #tpu.memory_space<hbm>>) dst(%arg10 : memref<640xi32, #tpu.memory_space<vmem>>)
      tpu.yield
    }) : () -> ()
    "tpu.region"() ({
      %run_scoped3A = tpu.sem_alloc : memref<!tpu.dma_semaphore, #tpu.memory_space<semaphore_mem>>
      %dma_start3A_148 = tpu.memref_slice %arg3[%multiple_of3A] : memref<204800xi32, #tpu.memory_space<hbm>> -> memref<640xi32, #tpu.memory_space<hbm>>
      %dma_start3A_149 = tpu.memref_slice %arg3[%multiple_of3A] : memref<204800xi32, #tpu.memory_space<hbm>> -> memref<640xi32, #tpu.memory_space<hbm>>
      tpu.enqueue_dma source(%dma_start3A_149 : memref<640xi32, #tpu.memory_space<hbm>>) target(%arg12 : memref<640xi32, #tpu.memory_space<vmem>>) target_semaphore(%run_scoped3A : memref<!tpu.dma_semaphore, #tpu.memory_space<semaphore_mem>>)
      %dma_wait3A_150 = tpu.memref_slice %arg3[%multiple_of3A] : memref<204800xi32, #tpu.memory_space<hbm>> -> memref<640xi32, #tpu.memory_space<hbm>>
      %dma_wait3A_151 = tpu.memref_slice %arg3[%multiple_of3A] : memref<204800xi32, #tpu.memory_space<hbm>> -> memref<640xi32, #tpu.memory_space<hbm>>
      tpu.wait_dma2 semaphore(%run_scoped3A : memref<!tpu.dma_semaphore, #tpu.memory_space<semaphore_mem>>) src(%dma_wait3A_151 : memref<640xi32, #tpu.memory_space<hbm>>) dst(%arg12 : memref<640xi32, #tpu.memory_space<vmem>>)
      tpu.yield
    }) : () -> ()
    %dma_start3A = arith.constant 0 : i32
    %dma_start3A_65 = arith.constant 0 : i32
    %dma_start3A_66 = tpu.memref_slice %arg14[%dma_start3A, %dma_start3A_65] : memref<640x64xf32, #tpu.memory_space<vmem>> -> memref<128x64xf32, #tpu.memory_space<vmem>>
    %dma_start3A_67 = arith.constant 0 : i32
    %dma_start3A_68 = tpu.memref_slice %arg10[%dma_start3A_67] : memref<640xi32, #tpu.memory_space<vmem>> -> memref<128xi32, #tpu.memory_space<vmem>>
    %dma_start3A_69 = arith.constant 0 : i32
    %dma_start3A_70 = arith.constant 0 : i32
    %dma_start3A_71 = tpu.memref_slice %arg4[%dma_start3A_69, %dma_start3A_70] : memref<1000000x64xf32, #tpu.memory_space<hbm>> -> memref<1000000x64xf32, #tpu.memory_space<hbm>>
    tpu.enqueue_indirect_dma source(%dma_start3A_71 : memref<1000000x64xf32, #tpu.memory_space<hbm>>) target(%dma_start3A_66 : memref<128x64xf32, #tpu.memory_space<vmem>>) offsets(%dma_start3A_68 : memref<128xi32, #tpu.memory_space<vmem>>) semaphore(%arg20 : memref<!tpu.dma_semaphore, #tpu.memory_space<semaphore_mem>>)
    %dma_start3A_72 = arith.constant 128 : i32
    %dma_start3A_73 = arith.constant 0 : i32
    %dma_start3A_74 = tpu.memref_slice %arg14[%dma_start3A_72, %dma_start3A_73] : memref<640x64xf32, #tpu.memory_space<vmem>> -> memref<128x64xf32, #tpu.memory_space<vmem>>
    %dma_start3A_75 = arith.constant 128 : i32
    %dma_start3A_76 = tpu.memref_slice %arg10[%dma_start3A_75] : memref<640xi32, #tpu.memory_space<vmem>> -> memref<128xi32, #tpu.memory_space<vmem>>
    %dma_start3A_77 = arith.constant 0 : i32
    %dma_start3A_78 = arith.constant 0 : i32
    %dma_start3A_79 = tpu.memref_slice %arg4[%dma_start3A_77, %dma_start3A_78] : memref<1000000x64xf32, #tpu.memory_space<hbm>> -> memref<1000000x64xf32, #tpu.memory_space<hbm>>
    tpu.enqueue_indirect_dma source(%dma_start3A_79 : memref<1000000x64xf32, #tpu.memory_space<hbm>>) target(%dma_start3A_74 : memref<128x64xf32, #tpu.memory_space<vmem>>) offsets(%dma_start3A_76 : memref<128xi32, #tpu.memory_space<vmem>>) semaphore(%arg20 : memref<!tpu.dma_semaphore, #tpu.memory_space<semaphore_mem>>)
    %dma_start3A_80 = arith.constant 256 : i32
    %dma_start3A_81 = arith.constant 0 : i32
    %dma_start3A_82 = tpu.memref_slice %arg14[%dma_start3A_80, %dma_start3A_81] : memref<640x64xf32, #tpu.memory_space<vmem>> -> memref<128x64xf32, #tpu.memory_space<vmem>>
    %dma_start3A_83 = arith.constant 256 : i32
    %dma_start3A_84 = tpu.memref_slice %arg10[%dma_start3A_83] : memref<640xi32, #tpu.memory_space<vmem>> -> memref<128xi32, #tpu.memory_space<vmem>>
    %dma_start3A_85 = arith.constant 0 : i32
    %dma_start3A_86 = arith.constant 0 : i32
    %dma_start3A_87 = tpu.memref_slice %arg4[%dma_start3A_85, %dma_start3A_86] : memref<1000000x64xf32, #tpu.memory_space<hbm>> -> memref<1000000x64xf32, #tpu.memory_space<hbm>>
    tpu.enqueue_indirect_dma source(%dma_start3A_87 : memref<1000000x64xf32, #tpu.memory_space<hbm>>) target(%dma_start3A_82 : memref<128x64xf32, #tpu.memory_space<vmem>>) offsets(%dma_start3A_84 : memref<128xi32, #tpu.memory_space<vmem>>) semaphore(%arg20 : memref<!tpu.dma_semaphore, #tpu.memory_space<semaphore_mem>>)
    %dma_start3A_88 = arith.constant 384 : i32
    %dma_start3A_89 = arith.constant 0 : i32
    %dma_start3A_90 = tpu.memref_slice %arg14[%dma_start3A_88, %dma_start3A_89] : memref<640x64xf32, #tpu.memory_space<vmem>> -> memref<128x64xf32, #tpu.memory_space<vmem>>
    %dma_start3A_91 = arith.constant 384 : i32
    %dma_start3A_92 = tpu.memref_slice %arg10[%dma_start3A_91] : memref<640xi32, #tpu.memory_space<vmem>> -> memref<128xi32, #tpu.memory_space<vmem>>
    %dma_start3A_93 = arith.constant 0 : i32
    %dma_start3A_94 = arith.constant 0 : i32
    %dma_start3A_95 = tpu.memref_slice %arg4[%dma_start3A_93, %dma_start3A_94] : memref<1000000x64xf32, #tpu.memory_space<hbm>> -> memref<1000000x64xf32, #tpu.memory_space<hbm>>
    tpu.enqueue_indirect_dma source(%dma_start3A_95 : memref<1000000x64xf32, #tpu.memory_space<hbm>>) target(%dma_start3A_90 : memref<128x64xf32, #tpu.memory_space<vmem>>) offsets(%dma_start3A_92 : memref<128xi32, #tpu.memory_space<vmem>>) semaphore(%arg20 : memref<!tpu.dma_semaphore, #tpu.memory_space<semaphore_mem>>)
    %dma_start3A_96 = arith.constant 512 : i32
    %dma_start3A_97 = arith.constant 0 : i32
    %dma_start3A_98 = tpu.memref_slice %arg14[%dma_start3A_96, %dma_start3A_97] : memref<640x64xf32, #tpu.memory_space<vmem>> -> memref<128x64xf32, #tpu.memory_space<vmem>>
    %dma_start3A_99 = arith.constant 512 : i32
    %dma_start3A_100 = tpu.memref_slice %arg10[%dma_start3A_99] : memref<640xi32, #tpu.memory_space<vmem>> -> memref<128xi32, #tpu.memory_space<vmem>>
    %dma_start3A_101 = arith.constant 0 : i32
    %dma_start3A_102 = arith.constant 0 : i32
    %dma_start3A_103 = tpu.memref_slice %arg4[%dma_start3A_101, %dma_start3A_102] : memref<1000000x64xf32, #tpu.memory_space<hbm>> -> memref<1000000x64xf32, #tpu.memory_space<hbm>>
    tpu.enqueue_indirect_dma source(%dma_start3A_103 : memref<1000000x64xf32, #tpu.memory_space<hbm>>) target(%dma_start3A_98 : memref<128x64xf32, #tpu.memory_space<vmem>>) offsets(%dma_start3A_100 : memref<128xi32, #tpu.memory_space<vmem>>) semaphore(%arg20 : memref<!tpu.dma_semaphore, #tpu.memory_space<semaphore_mem>>)
    %dma_wait3A = arith.constant 0 : i32
    %dma_wait3A_104 = arith.constant 0 : i32
    %dma_wait3A_105 = tpu.memref_slice %arg14[%dma_wait3A, %dma_wait3A_104] : memref<640x64xf32, #tpu.memory_space<vmem>> -> memref<128x64xf32, #tpu.memory_space<vmem>>
    %dma_wait3A_106 = arith.constant 0 : i32
    %dma_wait3A_107 = tpu.memref_slice %arg10[%dma_wait3A_106] : memref<640xi32, #tpu.memory_space<vmem>> -> memref<128xi32, #tpu.memory_space<vmem>>
    %dma_wait3A_108 = arith.constant 0 : i32
    %dma_wait3A_109 = arith.constant 0 : i32
    %dma_wait3A_110 = tpu.memref_slice %arg4[%dma_wait3A_108, %dma_wait3A_109] : memref<1000000x64xf32, #tpu.memory_space<hbm>> -> memref<1000000x64xf32, #tpu.memory_space<hbm>>
    tpu.wait_indirect_dma semaphore(%arg20 : memref<!tpu.dma_semaphore, #tpu.memory_space<semaphore_mem>>) src(%dma_wait3A_110 : memref<1000000x64xf32, #tpu.memory_space<hbm>>) dst(%dma_wait3A_105 : memref<128x64xf32, #tpu.memory_space<vmem>>)
    %dma_wait3A_111 = arith.constant 128 : i32
    %dma_wait3A_112 = arith.constant 0 : i32
    %dma_wait3A_113 = tpu.memref_slice %arg14[%dma_wait3A_111, %dma_wait3A_112] : memref<640x64xf32, #tpu.memory_space<vmem>> -> memref<128x64xf32, #tpu.memory_space<vmem>>
    %dma_wait3A_114 = arith.constant 128 : i32
    %dma_wait3A_115 = tpu.memref_slice %arg10[%dma_wait3A_114] : memref<640xi32, #tpu.memory_space<vmem>> -> memref<128xi32, #tpu.memory_space<vmem>>
    %dma_wait3A_116 = arith.constant 0 : i32
    %dma_wait3A_117 = arith.constant 0 : i32
    %dma_wait3A_118 = tpu.memref_slice %arg4[%dma_wait3A_116, %dma_wait3A_117] : memref<1000000x64xf32, #tpu.memory_space<hbm>> -> memref<1000000x64xf32, #tpu.memory_space<hbm>>
    tpu.wait_indirect_dma semaphore(%arg20 : memref<!tpu.dma_semaphore, #tpu.memory_space<semaphore_mem>>) src(%dma_wait3A_118 : memref<1000000x64xf32, #tpu.memory_space<hbm>>) dst(%dma_wait3A_113 : memref<128x64xf32, #tpu.memory_space<vmem>>)
    %dma_wait3A_119 = arith.constant 256 : i32
    %dma_wait3A_120 = arith.constant 0 : i32
    %dma_wait3A_121 = tpu.memref_slice %arg14[%dma_wait3A_119, %dma_wait3A_120] : memref<640x64xf32, #tpu.memory_space<vmem>> -> memref<128x64xf32, #tpu.memory_space<vmem>>
    %dma_wait3A_122 = arith.constant 256 : i32
    %dma_wait3A_123 = tpu.memref_slice %arg10[%dma_wait3A_122] : memref<640xi32, #tpu.memory_space<vmem>> -> memref<128xi32, #tpu.memory_space<vmem>>
    %dma_wait3A_124 = arith.constant 0 : i32
    %dma_wait3A_125 = arith.constant 0 : i32
    %dma_wait3A_126 = tpu.memref_slice %arg4[%dma_wait3A_124, %dma_wait3A_125] : memref<1000000x64xf32, #tpu.memory_space<hbm>> -> memref<1000000x64xf32, #tpu.memory_space<hbm>>
    tpu.wait_indirect_dma semaphore(%arg20 : memref<!tpu.dma_semaphore, #tpu.memory_space<semaphore_mem>>) src(%dma_wait3A_126 : memref<1000000x64xf32, #tpu.memory_space<hbm>>) dst(%dma_wait3A_121 : memref<128x64xf32, #tpu.memory_space<vmem>>)
    %dma_wait3A_127 = arith.constant 384 : i32
    %dma_wait3A_128 = arith.constant 0 : i32
    %dma_wait3A_129 = tpu.memref_slice %arg14[%dma_wait3A_127, %dma_wait3A_128] : memref<640x64xf32, #tpu.memory_space<vmem>> -> memref<128x64xf32, #tpu.memory_space<vmem>>
    %dma_wait3A_130 = arith.constant 384 : i32
    %dma_wait3A_131 = tpu.memref_slice %arg10[%dma_wait3A_130] : memref<640xi32, #tpu.memory_space<vmem>> -> memref<128xi32, #tpu.memory_space<vmem>>
    %dma_wait3A_132 = arith.constant 0 : i32
    %dma_wait3A_133 = arith.constant 0 : i32
    %dma_wait3A_134 = tpu.memref_slice %arg4[%dma_wait3A_132, %dma_wait3A_133] : memref<1000000x64xf32, #tpu.memory_space<hbm>> -> memref<1000000x64xf32, #tpu.memory_space<hbm>>
    tpu.wait_indirect_dma semaphore(%arg20 : memref<!tpu.dma_semaphore, #tpu.memory_space<semaphore_mem>>) src(%dma_wait3A_134 : memref<1000000x64xf32, #tpu.memory_space<hbm>>) dst(%dma_wait3A_129 : memref<128x64xf32, #tpu.memory_space<vmem>>)
    %dma_wait3A_135 = arith.constant 512 : i32
    %dma_wait3A_136 = arith.constant 0 : i32
    %dma_wait3A_137 = tpu.memref_slice %arg14[%dma_wait3A_135, %dma_wait3A_136] : memref<640x64xf32, #tpu.memory_space<vmem>> -> memref<128x64xf32, #tpu.memory_space<vmem>>
    %dma_wait3A_138 = arith.constant 512 : i32
    %dma_wait3A_139 = tpu.memref_slice %arg10[%dma_wait3A_138] : memref<640xi32, #tpu.memory_space<vmem>> -> memref<128xi32, #tpu.memory_space<vmem>>
    %dma_wait3A_140 = arith.constant 0 : i32
    %dma_wait3A_141 = arith.constant 0 : i32
    %dma_wait3A_142 = tpu.memref_slice %arg4[%dma_wait3A_140, %dma_wait3A_141] : memref<1000000x64xf32, #tpu.memory_space<hbm>> -> memref<1000000x64xf32, #tpu.memory_space<hbm>>
    tpu.wait_indirect_dma semaphore(%arg20 : memref<!tpu.dma_semaphore, #tpu.memory_space<semaphore_mem>>) src(%dma_wait3A_142 : memref<1000000x64xf32, #tpu.memory_space<hbm>>) dst(%dma_wait3A_137 : memref<128x64xf32, #tpu.memory_space<vmem>>)
    %scan3A_143 = arith.constant 0 : i32
    %scan3A_144 = arith.constant 5 : i32
    %scan3A_145 = arith.addi %scan3A_143, %scan3A_144 : i32
    %scan3A_146 = arith.constant 1 : i32
    scf.for %scan3A_148 = %scan3A_143 to %scan3A_145 step %scan3A_146  : i32 {
      %mul3A_149 = arith.constant 2 : i32
      %mul3A_150 = arith.muli %scan3A_148, %mul3A_149 : i32
      %add3A_151 = arith.constant 1 : i32
      %add3A_152 = arith.addi %mul3A_150, %add3A_151 : i32
      %mul3A_153 = arith.constant 640 : i32
      %mul3A_154 = arith.muli %add3A_152, %mul3A_153 : i32
      %add3A_155 = arith.addi %mul3A_2, %mul3A_154 : i32
      %multiple_of3A_156 = tpu.assume_multiple %add3A_155, 128 : i32
      "tpu.region"() ({
        %run_scoped3A = tpu.sem_alloc : memref<!tpu.dma_semaphore, #tpu.memory_space<semaphore_mem>>
        %dma_start3A_303 = tpu.memref_slice %arg2[%multiple_of3A_156] : memref<204800xi32, #tpu.memory_space<hbm>> -> memref<640xi32, #tpu.memory_space<hbm>>
        %dma_start3A_304 = tpu.memref_slice %arg2[%multiple_of3A_156] : memref<204800xi32, #tpu.memory_space<hbm>> -> memref<640xi32, #tpu.memory_space<hbm>>
        tpu.enqueue_dma source(%dma_start3A_304 : memref<640xi32, #tpu.memory_space<hbm>>) target(%arg11 : memref<640xi32, #tpu.memory_space<vmem>>) target_semaphore(%run_scoped3A : memref<!tpu.dma_semaphore, #tpu.memory_space<semaphore_mem>>)
        %dma_wait3A_305 = tpu.memref_slice %arg2[%multiple_of3A_156] : memref<204800xi32, #tpu.memory_space<hbm>> -> memref<640xi32, #tpu.memory_space<hbm>>
        %dma_wait3A_306 = tpu.memref_slice %arg2[%multiple_of3A_156] : memref<204800xi32, #tpu.memory_space<hbm>> -> memref<640xi32, #tpu.memory_space<hbm>>
        tpu.wait_dma2 semaphore(%run_scoped3A : memref<!tpu.dma_semaphore, #tpu.memory_space<semaphore_mem>>) src(%dma_wait3A_306 : memref<640xi32, #tpu.memory_space<hbm>>) dst(%arg11 : memref<640xi32, #tpu.memory_space<vmem>>)
        tpu.yield
      }) : () -> ()
      "tpu.region"() ({
        %run_scoped3A = tpu.sem_alloc : memref<!tpu.dma_semaphore, #tpu.memory_space<semaphore_mem>>
        %dma_start3A_303 = tpu.memref_slice %arg3[%multiple_of3A_156] : memref<204800xi32, #tpu.memory_space<hbm>> -> memref<640xi32, #tpu.memory_space<hbm>>
        %dma_start3A_304 = tpu.memref_slice %arg3[%multiple_of3A_156] : memref<204800xi32, #tpu.memory_space<hbm>> -> memref<640xi32, #tpu.memory_space<hbm>>
        tpu.enqueue_dma source(%dma_start3A_304 : memref<640xi32, #tpu.memory_space<hbm>>) target(%arg13 : memref<640xi32, #tpu.memory_space<vmem>>) target_semaphore(%run_scoped3A : memref<!tpu.dma_semaphore, #tpu.memory_space<semaphore_mem>>)
        %dma_wait3A_305 = tpu.memref_slice %arg3[%multiple_of3A_156] : memref<204800xi32, #tpu.memory_space<hbm>> -> memref<640xi32, #tpu.memory_space<hbm>>
        %dma_wait3A_306 = tpu.memref_slice %arg3[%multiple_of3A_156] : memref<204800xi32, #tpu.memory_space<hbm>> -> memref<640xi32, #tpu.memory_space<hbm>>
        tpu.wait_dma2 semaphore(%run_scoped3A : memref<!tpu.dma_semaphore, #tpu.memory_space<semaphore_mem>>) src(%dma_wait3A_306 : memref<640xi32, #tpu.memory_space<hbm>>) dst(%arg13 : memref<640xi32, #tpu.memory_space<vmem>>)
        tpu.yield
      }) : () -> ()
      %dma_start3A_157 = arith.constant 0 : i32
      %dma_start3A_158 = arith.constant 0 : i32
      %dma_start3A_159 = tpu.memref_slice %arg15[%dma_start3A_157, %dma_start3A_158] : memref<640x64xf32, #tpu.memory_space<vmem>> -> memref<128x64xf32, #tpu.memory_space<vmem>>
      %dma_start3A_160 = arith.constant 0 : i32
      %dma_start3A_161 = tpu.memref_slice %arg11[%dma_start3A_160] : memref<640xi32, #tpu.memory_space<vmem>> -> memref<128xi32, #tpu.memory_space<vmem>>
      %dma_start3A_162 = arith.constant 0 : i32
      %dma_start3A_163 = arith.constant 0 : i32
      %dma_start3A_164 = tpu.memref_slice %arg4[%dma_start3A_162, %dma_start3A_163] : memref<1000000x64xf32, #tpu.memory_space<hbm>> -> memref<1000000x64xf32, #tpu.memory_space<hbm>>
      tpu.enqueue_indirect_dma source(%dma_start3A_164 : memref<1000000x64xf32, #tpu.memory_space<hbm>>) target(%dma_start3A_159 : memref<128x64xf32, #tpu.memory_space<vmem>>) offsets(%dma_start3A_161 : memref<128xi32, #tpu.memory_space<vmem>>) semaphore(%arg21 : memref<!tpu.dma_semaphore, #tpu.memory_space<semaphore_mem>>)
      %dma_start3A_165 = arith.constant 128 : i32
      %dma_start3A_166 = arith.constant 0 : i32
      %dma_start3A_167 = tpu.memref_slice %arg15[%dma_start3A_165, %dma_start3A_166] : memref<640x64xf32, #tpu.memory_space<vmem>> -> memref<128x64xf32, #tpu.memory_space<vmem>>
      %dma_start3A_168 = arith.constant 128 : i32
      %dma_start3A_169 = tpu.memref_slice %arg11[%dma_start3A_168] : memref<640xi32, #tpu.memory_space<vmem>> -> memref<128xi32, #tpu.memory_space<vmem>>
      %dma_start3A_170 = arith.constant 0 : i32
      %dma_start3A_171 = arith.constant 0 : i32
      %dma_start3A_172 = tpu.memref_slice %arg4[%dma_start3A_170, %dma_start3A_171] : memref<1000000x64xf32, #tpu.memory_space<hbm>> -> memref<1000000x64xf32, #tpu.memory_space<hbm>>
      tpu.enqueue_indirect_dma source(%dma_start3A_172 : memref<1000000x64xf32, #tpu.memory_space<hbm>>) target(%dma_start3A_167 : memref<128x64xf32, #tpu.memory_space<vmem>>) offsets(%dma_start3A_169 : memref<128xi32, #tpu.memory_space<vmem>>) semaphore(%arg21 : memref<!tpu.dma_semaphore, #tpu.memory_space<semaphore_mem>>)
      %dma_start3A_173 = arith.constant 256 : i32
      %dma_start3A_174 = arith.constant 0 : i32
      %dma_start3A_175 = tpu.memref_slice %arg15[%dma_start3A_173, %dma_start3A_174] : memref<640x64xf32, #tpu.memory_space<vmem>> -> memref<128x64xf32, #tpu.memory_space<vmem>>
      %dma_start3A_176 = arith.constant 256 : i32
      %dma_start3A_177 = tpu.memref_slice %arg11[%dma_start3A_176] : memref<640xi32, #tpu.memory_space<vmem>> -> memref<128xi32, #tpu.memory_space<vmem>>
      %dma_start3A_178 = arith.constant 0 : i32
      %dma_start3A_179 = arith.constant 0 : i32
      %dma_start3A_180 = tpu.memref_slice %arg4[%dma_start3A_178, %dma_start3A_179] : memref<1000000x64xf32, #tpu.memory_space<hbm>> -> memref<1000000x64xf32, #tpu.memory_space<hbm>>
      tpu.enqueue_indirect_dma source(%dma_start3A_180 : memref<1000000x64xf32, #tpu.memory_space<hbm>>) target(%dma_start3A_175 : memref<128x64xf32, #tpu.memory_space<vmem>>) offsets(%dma_start3A_177 : memref<128xi32, #tpu.memory_space<vmem>>) semaphore(%arg21 : memref<!tpu.dma_semaphore, #tpu.memory_space<semaphore_mem>>)
      %dma_start3A_181 = arith.constant 384 : i32
      %dma_start3A_182 = arith.constant 0 : i32
      %dma_start3A_183 = tpu.memref_slice %arg15[%dma_start3A_181, %dma_start3A_182] : memref<640x64xf32, #tpu.memory_space<vmem>> -> memref<128x64xf32, #tpu.memory_space<vmem>>
      %dma_start3A_184 = arith.constant 384 : i32
      %dma_start3A_185 = tpu.memref_slice %arg11[%dma_start3A_184] : memref<640xi32, #tpu.memory_space<vmem>> -> memref<128xi32, #tpu.memory_space<vmem>>
      %dma_start3A_186 = arith.constant 0 : i32
      %dma_start3A_187 = arith.constant 0 : i32
      %dma_start3A_188 = tpu.memref_slice %arg4[%dma_start3A_186, %dma_start3A_187] : memref<1000000x64xf32, #tpu.memory_space<hbm>> -> memref<1000000x64xf32, #tpu.memory_space<hbm>>
      tpu.enqueue_indirect_dma source(%dma_start3A_188 : memref<1000000x64xf32, #tpu.memory_space<hbm>>) target(%dma_start3A_183 : memref<128x64xf32, #tpu.memory_space<vmem>>) offsets(%dma_start3A_185 : memref<128xi32, #tpu.memory_space<vmem>>) semaphore(%arg21 : memref<!tpu.dma_semaphore, #tpu.memory_space<semaphore_mem>>)
      %dma_start3A_189 = arith.constant 512 : i32
      %dma_start3A_190 = arith.constant 0 : i32
      %dma_start3A_191 = tpu.memref_slice %arg15[%dma_start3A_189, %dma_start3A_190] : memref<640x64xf32, #tpu.memory_space<vmem>> -> memref<128x64xf32, #tpu.memory_space<vmem>>
      %dma_start3A_192 = arith.constant 512 : i32
      %dma_start3A_193 = tpu.memref_slice %arg11[%dma_start3A_192] : memref<640xi32, #tpu.memory_space<vmem>> -> memref<128xi32, #tpu.memory_space<vmem>>
      %dma_start3A_194 = arith.constant 0 : i32
      %dma_start3A_195 = arith.constant 0 : i32
      %dma_start3A_196 = tpu.memref_slice %arg4[%dma_start3A_194, %dma_start3A_195] : memref<1000000x64xf32, #tpu.memory_space<hbm>> -> memref<1000000x64xf32, #tpu.memory_space<hbm>>
      tpu.enqueue_indirect_dma source(%dma_start3A_196 : memref<1000000x64xf32, #tpu.memory_space<hbm>>) target(%dma_start3A_191 : memref<128x64xf32, #tpu.memory_space<vmem>>) offsets(%dma_start3A_193 : memref<128xi32, #tpu.memory_space<vmem>>) semaphore(%arg21 : memref<!tpu.dma_semaphore, #tpu.memory_space<semaphore_mem>>)
      %mul3A_197 = arith.constant 640 : i32
      %mul3A_198 = arith.muli %mul3A_150, %mul3A_197 : i32
      %add3A_199 = arith.addi %mul3A_2, %mul3A_198 : i32
      %scan3A_200 = arith.constant 0 : i32
      %scan3A_201 = arith.constant 40 : i32
      %scan3A_202 = arith.addi %scan3A_200, %scan3A_201 : i32
      %scan3A_203 = arith.constant 1 : i32
      scf.for %scan3A_303 = %scan3A_200 to %scan3A_202 step %scan3A_203  : i32 {
        %mul3A_304 = arith.constant 16 : i32
        %mul3A_305 = arith.muli %scan3A_303, %mul3A_304 : i32
        %multiple_of3A_306 = tpu.assume_multiple %mul3A_305, 16 : i32
        %get3A_307 = arith.index_cast %multiple_of3A_306 : i32 to index
        %get3A_308 = tpu.vector_load %arg12[%get3A_307] {strides = array<i32>} : memref<640xi32, #tpu.memory_space<vmem>>, vector<16xi32>,
        %mul3A_309 = arith.constant 16 : i32
        %mul3A_310 = arith.muli %scan3A_303, %mul3A_309 : i32
        %add3A_311 = arith.addi %add3A_199, %mul3A_310 : i32
        %broadcast_in_dim3A_312 = vector.broadcast %add3A_311 : i32 to vector<16xi32>
        %add3A_313 = arith.addi %broadcast_in_dim3A_312, %iota3A : vector<16xi32>
        %broadcast_in_dim3A_314 = arith.constant 200 : i32
        %broadcast_in_dim3A_315 = vector.broadcast %broadcast_in_dim3A_314 : i32 to vector<16xi32>
        %rem3A = arith.remsi %add3A_313, %broadcast_in_dim3A_315 : vector<16xi32>
        %mul3A_316 = arith.constant 12800 : i32
        %mul3A_317 = vector.broadcast %mul3A_316 : i32 to vector<16xi32>
        %mul3A_318 = arith.muli %get3A_308, %mul3A_317 : vector<16xi32>
        %mul3A_319 = arith.constant 64 : i32
        %mul3A_320 = vector.broadcast %mul3A_319 : i32 to vector<16xi32>
        %mul3A_321 = arith.muli %rem3A, %mul3A_320 : vector<16xi32>
        %add3A_322 = arith.addi %mul3A_318, %mul3A_321 : vector<16xi32>
        %swap3A = arith.index_cast %multiple_of3A_306 : i32 to index
        %swap3A_323 = tpu.vector_load %arg12[%swap3A] {strides = array<i32>} : memref<640xi32, #tpu.memory_space<vmem>>, vector<16xi32>,
        tpu.vector_store %arg12[%swap3A], %add3A_322 {strides = array<i32>} : memref<640xi32, #tpu.memory_space<vmem>>, vector<16xi32>,
      }
      %scan3A_204 = arith.constant 40 : i32
      %scan3A_205 = arith.constant 0 : i32
      %scan3A_206 = arith.constant 160 : i32
      %scan3A_207 = arith.addi %scan3A_205, %scan3A_206 : i32
      %scan3A_208 = arith.constant 1 : i32
      scf.for %scan3A_303 = %scan3A_205 to %scan3A_207 step %scan3A_208  : i32 {
        %mul3A_304 = arith.constant 4 : i32
        %mul3A_305 = arith.muli %scan3A_303, %mul3A_304 : i32
        %broadcast_in_dim3A_306 = vector.broadcast %mul3A_305 : i32 to vector<16xi32>
        %add3A_307 = arith.constant 0 : i32
        %add3A_308 = vector.broadcast %add3A_307 : i32 to vector<16xi32>
        %add3A_309 = arith.addi %broadcast_in_dim3A_306, %add3A_308 : vector<16xi32>
        %gather3A = tpu.vector_load_idx %arg12[%add3A_309] : memref<640xi32, #tpu.memory_space<vmem>>[vector<16xi32>], vector<16xi32>,
        %gather3A_310 = tpu.vector_load_idx %arg14[%add3A_309, %add3A_53] : memref<640x64xf32, #tpu.memory_space<vmem>>[vector<16xi32>, vector<16xi32>], vector<16xf32>,
        %add3A_311 = arith.addi %gather3A, %add3A_53 : vector<16xi32>
        %gather3A_312 = tpu.vector_load_idx %arg16[%add3A_311] : memref<25600xf32, #tpu.memory_space<vmem>>[vector<16xi32>], vector<16xf32>,
        %add3A_313 = arith.addf %gather3A_310, %gather3A_312 : vector<16xf32>
        %gather3A_314 = tpu.vector_load_idx %arg14[%add3A_309, %add3A_56] : memref<640x64xf32, #tpu.memory_space<vmem>>[vector<16xi32>, vector<16xi32>], vector<16xf32>,
        %add3A_315 = arith.addi %gather3A, %add3A_56 : vector<16xi32>
        %gather3A_316 = tpu.vector_load_idx %arg16[%add3A_315] : memref<25600xf32, #tpu.memory_space<vmem>>[vector<16xi32>], vector<16xf32>,
        %add3A_317 = arith.addf %gather3A_314, %gather3A_316 : vector<16xf32>
        %gather3A_318 = tpu.vector_load_idx %arg14[%add3A_309, %add3A_59] : memref<640x64xf32, #tpu.memory_space<vmem>>[vector<16xi32>, vector<16xi32>], vector<16xf32>,
        %add3A_319 = arith.addi %gather3A, %add3A_59 : vector<16xi32>
        %gather3A_320 = tpu.vector_load_idx %arg16[%add3A_319] : memref<25600xf32, #tpu.memory_space<vmem>>[vector<16xi32>], vector<16xf32>,
        %add3A_321 = arith.addf %gather3A_318, %gather3A_320 : vector<16xf32>
        %gather3A_322 = tpu.vector_load_idx %arg14[%add3A_309, %add3A_62] : memref<640x64xf32, #tpu.memory_space<vmem>>[vector<16xi32>, vector<16xi32>], vector<16xf32>,
        %add3A_323 = arith.addi %gather3A, %add3A_62 : vector<16xi32>
        %gather3A_324 = tpu.vector_load_idx %arg16[%add3A_323] : memref<25600xf32, #tpu.memory_space<vmem>>[vector<16xi32>], vector<16xf32>,
        %add3A_325 = arith.addf %gather3A_322, %gather3A_324 : vector<16xf32>
        %add3A_326 = arith.addf %add3A_313, %add3A_317 : vector<16xf32>
        %add3A_327 = arith.addf %add3A_321, %add3A_325 : vector<16xf32>
        %add3A_328 = arith.addf %add3A_326, %add3A_327 : vector<16xf32>
        %gather3A_329 = vector.shape_cast %reshape3A : vector<16x1xi32> to vector<16xi32>
        %gather3A_330 = tpu.dynamic_gather %add3A_328[%gather3A_329] in [0] : vector<16xf32>, vector<16xi32> -> vector<16xf32>
        %add3A_331 = arith.addf %add3A_328, %gather3A_330 : vector<16xf32>
        %gather3A_332 = vector.shape_cast %reshape3A_42 : vector<16x1xi32> to vector<16xi32>
        %gather3A_333 = tpu.dynamic_gather %add3A_331[%gather3A_332] in [0] : vector<16xf32>, vector<16xi32> -> vector<16xf32>
        %add3A_334 = arith.addf %add3A_331, %gather3A_333 : vector<16xf32>
        %gather3A_335 = vector.shape_cast %reshape3A_46 : vector<16x1xi32> to vector<16xi32>
        %gather3A_336 = tpu.dynamic_gather %add3A_334[%gather3A_335] in [0] : vector<16xf32>, vector<16xi32> -> vector<16xf32>
        %add3A_337 = arith.addf %add3A_334, %gather3A_336 : vector<16xf32>
        %gather3A_338 = vector.shape_cast %reshape3A_50 : vector<16x1xi32> to vector<16xi32>
        %gather3A_339 = tpu.dynamic_gather %add3A_337[%gather3A_338] in [0] : vector<16xf32>, vector<16xi32> -> vector<16xf32>
        %add3A_340 = arith.addf %add3A_337, %gather3A_339 : vector<16xf32>
        %mul3A_341 = arith.mulf %add3A_313, %add3A_313 : vector<16xf32>
        %mul3A_342 = arith.mulf %add3A_317, %add3A_317 : vector<16xf32>
        %add3A_343 = arith.addf %mul3A_341, %mul3A_342 : vector<16xf32>
        %mul3A_344 = arith.mulf %add3A_321, %add3A_321 : vector<16xf32>
        %mul3A_345 = arith.mulf %add3A_325, %add3A_325 : vector<16xf32>
        %add3A_346 = arith.addf %mul3A_344, %mul3A_345 : vector<16xf32>
        %add3A_347 = arith.addf %add3A_343, %add3A_346 : vector<16xf32>
        %gather3A_348 = vector.shape_cast %reshape3A : vector<16x1xi32> to vector<16xi32>
        %gather3A_349 = tpu.dynamic_gather %add3A_347[%gather3A_348] in [0] : vector<16xf32>, vector<16xi32> -> vector<16xf32>
        %add3A_350 = arith.addf %add3A_347, %gather3A_349 : vector<16xf32>
        %gather3A_351 = vector.shape_cast %reshape3A_42 : vector<16x1xi32> to vector<16xi32>
        %gather3A_352 = tpu.dynamic_gather %add3A_350[%gather3A_351] in [0] : vector<16xf32>, vector<16xi32> -> vector<16xf32>
        %add3A_353 = arith.addf %add3A_350, %gather3A_352 : vector<16xf32>
        %gather3A_354 = vector.shape_cast %reshape3A_46 : vector<16x1xi32> to vector<16xi32>
        %gather3A_355 = tpu.dynamic_gather %add3A_353[%gather3A_354] in [0] : vector<16xf32>, vector<16xi32> -> vector<16xf32>
        %add3A_356 = arith.addf %add3A_353, %gather3A_355 : vector<16xf32>
        %gather3A_357 = vector.shape_cast %reshape3A_50 : vector<16x1xi32> to vector<16xi32>
        %gather3A_358 = tpu.dynamic_gather %add3A_356[%gather3A_357] in [0] : vector<16xf32>, vector<16xi32> -> vector<16xf32>
        %add3A_359 = arith.addf %add3A_356, %gather3A_358 : vector<16xf32>
        %mul3A_360 = arith.constant 1.562500e-02 : f32
        %mul3A_361 = vector.broadcast %mul3A_360 : f32 to vector<16xf32>
        %mul3A_362 = arith.mulf %add3A_340, %mul3A_361 : vector<16xf32>
        %mul3A_363 = arith.constant 1.562500e-02 : f32
        %mul3A_364 = vector.broadcast %mul3A_363 : f32 to vector<16xf32>
        %mul3A_365 = arith.mulf %add3A_359, %mul3A_364 : vector<16xf32>
        %mul3A_366 = arith.mulf %mul3A_362, %mul3A_362 : vector<16xf32>
        %sub3A = arith.subf %mul3A_365, %mul3A_366 : vector<16xf32>
        %add3A_367 = arith.constant 9.99999997E-7 : f32
        %add3A_368 = vector.broadcast %add3A_367 : f32 to vector<16xf32>
        %add3A_369 = arith.addf %sub3A, %add3A_368 : vector<16xf32>
        %bitcast_convert_type3A = tpu.bitcast %add3A_369 : vector<16xf32> -> vector<16xi32>
        %broadcast_in_dim3A_370 = arith.constant 1597463007 : i32
        %broadcast_in_dim3A_371 = vector.broadcast %broadcast_in_dim3A_370 : i32 to vector<16xi32>
        %shift_right_logical3A = arith.constant 1 : i32
        %shift_right_logical3A_372 = vector.broadcast %shift_right_logical3A : i32 to vector<16xi32>
        %shift_right_logical3A_373 = arith.shrui %bitcast_convert_type3A, %shift_right_logical3A_372 : vector<16xi32>
        %sub3A_374 = arith.subi %broadcast_in_dim3A_371, %shift_right_logical3A_373 : vector<16xi32>
        %bitcast_convert_type3A_375 = tpu.bitcast %sub3A_374 : vector<16xi32> -> vector<16xf32>
        %mul3A_376 = arith.constant 5.000000e-01 : f32
        %mul3A_377 = vector.broadcast %mul3A_376 : f32 to vector<16xf32>
        %mul3A_378 = arith.mulf %add3A_369, %mul3A_377 : vector<16xf32>
        %mul3A_379 = arith.mulf %mul3A_378, %bitcast_convert_type3A_375 : vector<16xf32>
        %mul3A_380 = arith.mulf %mul3A_379, %bitcast_convert_type3A_375 : vector<16xf32>
        %sub3A_381 = arith.constant 1.500000e+00 : f32
        %sub3A_382 = vector.broadcast %sub3A_381 : f32 to vector<16xf32>
        %sub3A_383 = arith.subf %sub3A_382, %mul3A_380 : vector<16xf32>
        %mul3A_384 = arith.mulf %bitcast_convert_type3A_375, %sub3A_383 : vector<16xf32>
        %mul3A_385 = arith.mulf %mul3A_378, %mul3A_384 : vector<16xf32>
        %mul3A_386 = arith.mulf %mul3A_385, %mul3A_384 : vector<16xf32>
        %sub3A_387 = arith.constant 1.500000e+00 : f32
        %sub3A_388 = vector.broadcast %sub3A_387 : f32 to vector<16xf32>
        %sub3A_389 = arith.subf %sub3A_388, %mul3A_386 : vector<16xf32>
        %mul3A_390 = arith.mulf %mul3A_384, %sub3A_389 : vector<16xf32>
        %mul3A_391 = arith.mulf %mul3A_378, %mul3A_390 : vector<16xf32>
        %mul3A_392 = arith.mulf %mul3A_391, %mul3A_390 : vector<16xf32>
        %sub3A_393 = arith.constant 1.500000e+00 : f32
        %sub3A_394 = vector.broadcast %sub3A_393 : f32 to vector<16xf32>
        %sub3A_395 = arith.subf %sub3A_394, %mul3A_392 : vector<16xf32>
        %mul3A_396 = arith.mulf %mul3A_390, %sub3A_395 : vector<16xf32>
        %sub3A_397 = arith.subf %add3A_313, %mul3A_362 : vector<16xf32>
        %mul3A_398 = arith.mulf %sub3A_397, %mul3A_396 : vector<16xf32>
        %mul3A_399 = arith.mulf %mul3A_398, %get3A_19 : vector<16xf32>
        %add3A_400 = arith.addf %mul3A_399, %get3A_27 : vector<16xf32>
        tpu.vector_store_idx %arg14[%add3A_309, %add3A_53], %add3A_400 : memref<640x64xf32, #tpu.memory_space<vmem>>[vector<16xi32>, vector<16xi32>], vector<16xf32>,
        %sub3A_401 = arith.subf %add3A_317, %mul3A_362 : vector<16xf32>
        %mul3A_402 = arith.mulf %sub3A_401, %mul3A_396 : vector<16xf32>
        %mul3A_403 = arith.mulf %mul3A_402, %get3A_21 : vector<16xf32>
        %add3A_404 = arith.addf %mul3A_403, %get3A_29 : vector<16xf32>
        tpu.vector_store_idx %arg14[%add3A_309, %add3A_56], %add3A_404 : memref<640x64xf32, #tpu.memory_space<vmem>>[vector<16xi32>, vector<16xi32>], vector<16xf32>,
        %sub3A_405 = arith.subf %add3A_321, %mul3A_362 : vector<16xf32>
        %mul3A_406 = arith.mulf %sub3A_405, %mul3A_396 : vector<16xf32>
        %mul3A_407 = arith.mulf %mul3A_406, %get3A_23 : vector<16xf32>
        %add3A_408 = arith.addf %mul3A_407, %get3A_31 : vector<16xf32>
        tpu.vector_store_idx %arg14[%add3A_309, %add3A_59], %add3A_408 : memref<640x64xf32, #tpu.memory_space<vmem>>[vector<16xi32>, vector<16xi32>], vector<16xf32>,
        %sub3A_409 = arith.subf %add3A_325, %mul3A_362 : vector<16xf32>
        %mul3A_410 = arith.mulf %sub3A_409, %mul3A_396 : vector<16xf32>
        %mul3A_411 = arith.mulf %mul3A_410, %get3A_25 : vector<16xf32>
        %add3A_412 = arith.addf %mul3A_411, %get3A_33 : vector<16xf32>
        tpu.vector_store_idx %arg14[%add3A_309, %add3A_62], %add3A_412 : memref<640x64xf32, #tpu.memory_space<vmem>>[vector<16xi32>, vector<16xi32>], vector<16xf32>,
        %add3A_413 = arith.constant 1 : i32
        %add3A_414 = vector.broadcast %add3A_413 : i32 to vector<16xi32>
        %add3A_415 = arith.addi %broadcast_in_dim3A_306, %add3A_414 : vector<16xi32>
        %gather3A_416 = tpu.vector_load_idx %arg12[%add3A_415] : memref<640xi32, #tpu.memory_space<vmem>>[vector<16xi32>], vector<16xi32>,
        %gather3A_417 = tpu.vector_load_idx %arg14[%add3A_415, %add3A_53] : memref<640x64xf32, #tpu.memory_space<vmem>>[vector<16xi32>, vector<16xi32>], vector<16xf32>,
        %add3A_418 = arith.addi %gather3A_416, %add3A_53 : vector<16xi32>
        %gather3A_419 = tpu.vector_load_idx %arg16[%add3A_418] : memref<25600xf32, #tpu.memory_space<vmem>>[vector<16xi32>], vector<16xf32>,
        %add3A_420 = arith.addf %gather3A_417, %gather3A_419 : vector<16xf32>
        %gather3A_421 = tpu.vector_load_idx %arg14[%add3A_415, %add3A_56] : memref<640x64xf32, #tpu.memory_space<vmem>>[vector<16xi32>, vector<16xi32>], vector<16xf32>,
        %add3A_422 = arith.addi %gather3A_416, %add3A_56 : vector<16xi32>
        %gather3A_423 = tpu.vector_load_idx %arg16[%add3A_422] : memref<25600xf32, #tpu.memory_space<vmem>>[vector<16xi32>], vector<16xf32>,
        %add3A_424 = arith.addf %gather3A_421, %gather3A_423 : vector<16xf32>
        %gather3A_425 = tpu.vector_load_idx %arg14[%add3A_415, %add3A_59] : memref<640x64xf32, #tpu.memory_space<vmem>>[vector<16xi32>, vector<16xi32>], vector<16xf32>,
        %add3A_426 = arith.addi %gather3A_416, %add3A_59 : vector<16xi32>
        %gather3A_427 = tpu.vector_load_idx %arg16[%add3A_426] : memref<25600xf32, #tpu.memory_space<vmem>>[vector<16xi32>], vector<16xf32>,
        %add3A_428 = arith.addf %gather3A_425, %gather3A_427 : vector<16xf32>
        %gather3A_429 = tpu.vector_load_idx %arg14[%add3A_415, %add3A_62] : memref<640x64xf32, #tpu.memory_space<vmem>>[vector<16xi32>, vector<16xi32>], vector<16xf32>,
        %add3A_430 = arith.addi %gather3A_416, %add3A_62 : vector<16xi32>
        %gather3A_431 = tpu.vector_load_idx %arg16[%add3A_430] : memref<25600xf32, #tpu.memory_space<vmem>>[vector<16xi32>], vector<16xf32>,
        %add3A_432 = arith.addf %gather3A_429, %gather3A_431 : vector<16xf32>
        %add3A_433 = arith.addf %add3A_420, %add3A_424 : vector<16xf32>
        %add3A_434 = arith.addf %add3A_428, %add3A_432 : vector<16xf32>
        %add3A_435 = arith.addf %add3A_433, %add3A_434 : vector<16xf32>
        %gather3A_436 = vector.shape_cast %reshape3A : vector<16x1xi32> to vector<16xi32>
        %gather3A_437 = tpu.dynamic_gather %add3A_435[%gather3A_436] in [0] : vector<16xf32>, vector<16xi32> -> vector<16xf32>
        %add3A_438 = arith.addf %add3A_435, %gather3A_437 : vector<16xf32>
        %gather3A_439 = vector.shape_cast %reshape3A_42 : vector<16x1xi32> to vector<16xi32>
        %gather3A_440 = tpu.dynamic_gather %add3A_438[%gather3A_439] in [0] : vector<16xf32>, vector<16xi32> -> vector<16xf32>
        %add3A_441 = arith.addf %add3A_438, %gather3A_440 : vector<16xf32>
        %gather3A_442 = vector.shape_cast %reshape3A_46 : vector<16x1xi32> to vector<16xi32>
        %gather3A_443 = tpu.dynamic_gather %add3A_441[%gather3A_442] in [0] : vector<16xf32>, vector<16xi32> -> vector<16xf32>
        %add3A_444 = arith.addf %add3A_441, %gather3A_443 : vector<16xf32>
        %gather3A_445 = vector.shape_cast %reshape3A_50 : vector<16x1xi32> to vector<16xi32>
        %gather3A_446 = tpu.dynamic_gather %add3A_444[%gather3A_445] in [0] : vector<16xf32>, vector<16xi32> -> vector<16xf32>
        %add3A_447 = arith.addf %add3A_444, %gather3A_446 : vector<16xf32>
        %mul3A_448 = arith.mulf %add3A_420, %add3A_420 : vector<16xf32>
        %mul3A_449 = arith.mulf %add3A_424, %add3A_424 : vector<16xf32>
        %add3A_450 = arith.addf %mul3A_448, %mul3A_449 : vector<16xf32>
        %mul3A_451 = arith.mulf %add3A_428, %add3A_428 : vector<16xf32>
        %mul3A_452 = arith.mulf %add3A_432, %add3A_432 : vector<16xf32>
        %add3A_453 = arith.addf %mul3A_451, %mul3A_452 : vector<16xf32>
        %add3A_454 = arith.addf %add3A_450, %add3A_453 : vector<16xf32>
        %gather3A_455 = vector.shape_cast %reshape3A : vector<16x1xi32> to vector<16xi32>
        %gather3A_456 = tpu.dynamic_gather %add3A_454[%gather3A_455] in [0] : vector<16xf32>, vector<16xi32> -> vector<16xf32>
        %add3A_457 = arith.addf %add3A_454, %gather3A_456 : vector<16xf32>
        %gather3A_458 = vector.shape_cast %reshape3A_42 : vector<16x1xi32> to vector<16xi32>
        %gather3A_459 = tpu.dynamic_gather %add3A_457[%gather3A_458] in [0] : vector<16xf32>, vector<16xi32> -> vector<16xf32>
        %add3A_460 = arith.addf %add3A_457, %gather3A_459 : vector<16xf32>
        %gather3A_461 = vector.shape_cast %reshape3A_46 : vector<16x1xi32> to vector<16xi32>
        %gather3A_462 = tpu.dynamic_gather %add3A_460[%gather3A_461] in [0] : vector<16xf32>, vector<16xi32> -> vector<16xf32>
        %add3A_463 = arith.addf %add3A_460, %gather3A_462 : vector<16xf32>
        %gather3A_464 = vector.shape_cast %reshape3A_50 : vector<16x1xi32> to vector<16xi32>
        %gather3A_465 = tpu.dynamic_gather %add3A_463[%gather3A_464] in [0] : vector<16xf32>, vector<16xi32> -> vector<16xf32>
        %add3A_466 = arith.addf %add3A_463, %gather3A_465 : vector<16xf32>
        %mul3A_467 = arith.constant 1.562500e-02 : f32
        %mul3A_468 = vector.broadcast %mul3A_467 : f32 to vector<16xf32>
        %mul3A_469 = arith.mulf %add3A_447, %mul3A_468 : vector<16xf32>
        %mul3A_470 = arith.constant 1.562500e-02 : f32
        %mul3A_471 = vector.broadcast %mul3A_470 : f32 to vector<16xf32>
        %mul3A_472 = arith.mulf %add3A_466, %mul3A_471 : vector<16xf32>
        %mul3A_473 = arith.mulf %mul3A_469, %mul3A_469 : vector<16xf32>
        %sub3A_474 = arith.subf %mul3A_472, %mul3A_473 : vector<16xf32>
        %add3A_475 = arith.constant 9.99999997E-7 : f32
        %add3A_476 = vector.broadcast %add3A_475 : f32 to vector<16xf32>
        %add3A_477 = arith.addf %sub3A_474, %add3A_476 : vector<16xf32>
        %bitcast_convert_type3A_478 = tpu.bitcast %add3A_477 : vector<16xf32> -> vector<16xi32>
        %broadcast_in_dim3A_479 = arith.constant 1597463007 : i32
        %broadcast_in_dim3A_480 = vector.broadcast %broadcast_in_dim3A_479 : i32 to vector<16xi32>
        %shift_right_logical3A_481 = arith.constant 1 : i32
        %shift_right_logical3A_482 = vector.broadcast %shift_right_logical3A_481 : i32 to vector<16xi32>
        %shift_right_logical3A_483 = arith.shrui %bitcast_convert_type3A_478, %shift_right_logical3A_482 : vector<16xi32>
        %sub3A_484 = arith.subi %broadcast_in_dim3A_480, %shift_right_logical3A_483 : vector<16xi32>
        %bitcast_convert_type3A_485 = tpu.bitcast %sub3A_484 : vector<16xi32> -> vector<16xf32>
        %mul3A_486 = arith.constant 5.000000e-01 : f32
        %mul3A_487 = vector.broadcast %mul3A_486 : f32 to vector<16xf32>
        %mul3A_488 = arith.mulf %add3A_477, %mul3A_487 : vector<16xf32>
        %mul3A_489 = arith.mulf %mul3A_488, %bitcast_convert_type3A_485 : vector<16xf32>
        %mul3A_490 = arith.mulf %mul3A_489, %bitcast_convert_type3A_485 : vector<16xf32>
        %sub3A_491 = arith.constant 1.500000e+00 : f32
        %sub3A_492 = vector.broadcast %sub3A_491 : f32 to vector<16xf32>
        %sub3A_493 = arith.subf %sub3A_492, %mul3A_490 : vector<16xf32>
        %mul3A_494 = arith.mulf %bitcast_convert_type3A_485, %sub3A_493 : vector<16xf32>
        %mul3A_495 = arith.mulf %mul3A_488, %mul3A_494 : vector<16xf32>
        %mul3A_496 = arith.mulf %mul3A_495, %mul3A_494 : vector<16xf32>
        %sub3A_497 = arith.constant 1.500000e+00 : f32
        %sub3A_498 = vector.broadcast %sub3A_497 : f32 to vector<16xf32>
        %sub3A_499 = arith.subf %sub3A_498, %mul3A_496 : vector<16xf32>
        %mul3A_500 = arith.mulf %mul3A_494, %sub3A_499 : vector<16xf32>
        %mul3A_501 = arith.mulf %mul3A_488, %mul3A_500 : vector<16xf32>
        %mul3A_502 = arith.mulf %mul3A_501, %mul3A_500 : vector<16xf32>
        %sub3A_503 = arith.constant 1.500000e+00 : f32
        %sub3A_504 = vector.broadcast %sub3A_503 : f32 to vector<16xf32>
        %sub3A_505 = arith.subf %sub3A_504, %mul3A_502 : vector<16xf32>
        %mul3A_506 = arith.mulf %mul3A_500, %sub3A_505 : vector<16xf32>
        %sub3A_507 = arith.subf %add3A_420, %mul3A_469 : vector<16xf32>
        %mul3A_508 = arith.mulf %sub3A_507, %mul3A_506 : vector<16xf32>
        %mul3A_509 = arith.mulf %mul3A_508, %get3A_19 : vector<16xf32>
        %add3A_510 = arith.addf %mul3A_509, %get3A_27 : vector<16xf32>
        tpu.vector_store_idx %arg14[%add3A_415, %add3A_53], %add3A_510 : memref<640x64xf32, #tpu.memory_space<vmem>>[vector<16xi32>, vector<16xi32>], vector<16xf32>,
        %sub3A_511 = arith.subf %add3A_424, %mul3A_469 : vector<16xf32>
        %mul3A_512 = arith.mulf %sub3A_511, %mul3A_506 : vector<16xf32>
        %mul3A_513 = arith.mulf %mul3A_512, %get3A_21 : vector<16xf32>
        %add3A_514 = arith.addf %mul3A_513, %get3A_29 : vector<16xf32>
        tpu.vector_store_idx %arg14[%add3A_415, %add3A_56], %add3A_514 : memref<640x64xf32, #tpu.memory_space<vmem>>[vector<16xi32>, vector<16xi32>], vector<16xf32>,
        %sub3A_515 = arith.subf %add3A_428, %mul3A_469 : vector<16xf32>
        %mul3A_516 = arith.mulf %sub3A_515, %mul3A_506 : vector<16xf32>
        %mul3A_517 = arith.mulf %mul3A_516, %get3A_23 : vector<16xf32>
        %add3A_518 = arith.addf %mul3A_517, %get3A_31 : vector<16xf32>
        tpu.vector_store_idx %arg14[%add3A_415, %add3A_59], %add3A_518 : memref<640x64xf32, #tpu.memory_space<vmem>>[vector<16xi32>, vector<16xi32>], vector<16xf32>,
        %sub3A_519 = arith.subf %add3A_432, %mul3A_469 : vector<16xf32>
        %mul3A_520 = arith.mulf %sub3A_519, %mul3A_506 : vector<16xf32>
        %mul3A_521 = arith.mulf %mul3A_520, %get3A_25 : vector<16xf32>
        %add3A_522 = arith.addf %mul3A_521, %get3A_33 : vector<16xf32>
        tpu.vector_store_idx %arg14[%add3A_415, %add3A_62], %add3A_522 : memref<640x64xf32, #tpu.memory_space<vmem>>[vector<16xi32>, vector<16xi32>], vector<16xf32>,
        %add3A_523 = arith.constant 2 : i32
        %add3A_524 = vector.broadcast %add3A_523 : i32 to vector<16xi32>
        %add3A_525 = arith.addi %broadcast_in_dim3A_306, %add3A_524 : vector<16xi32>
        %gather3A_526 = tpu.vector_load_idx %arg12[%add3A_525] : memref<640xi32, #tpu.memory_space<vmem>>[vector<16xi32>], vector<16xi32>,
        %gather3A_527 = tpu.vector_load_idx %arg14[%add3A_525, %add3A_53] : memref<640x64xf32, #tpu.memory_space<vmem>>[vector<16xi32>, vector<16xi32>], vector<16xf32>,
        %add3A_528 = arith.addi %gather3A_526, %add3A_53 : vector<16xi32>
        %gather3A_529 = tpu.vector_load_idx %arg16[%add3A_528] : memref<25600xf32, #tpu.memory_space<vmem>>[vector<16xi32>], vector<16xf32>,
        %add3A_530 = arith.addf %gather3A_527, %gather3A_529 : vector<16xf32>
        %gather3A_531 = tpu.vector_load_idx %arg14[%add3A_525, %add3A_56] : memref<640x64xf32, #tpu.memory_space<vmem>>[vector<16xi32>, vector<16xi32>], vector<16xf32>,
        %add3A_532 = arith.addi %gather3A_526, %add3A_56 : vector<16xi32>
        %gather3A_533 = tpu.vector_load_idx %arg16[%add3A_532] : memref<25600xf32, #tpu.memory_space<vmem>>[vector<16xi32>], vector<16xf32>,
        %add3A_534 = arith.addf %gather3A_531, %gather3A_533 : vector<16xf32>
        %gather3A_535 = tpu.vector_load_idx %arg14[%add3A_525, %add3A_59] : memref<640x64xf32, #tpu.memory_space<vmem>>[vector<16xi32>, vector<16xi32>], vector<16xf32>,
        %add3A_536 = arith.addi %gather3A_526, %add3A_59 : vector<16xi32>
        %gather3A_537 = tpu.vector_load_idx %arg16[%add3A_536] : memref<25600xf32, #tpu.memory_space<vmem>>[vector<16xi32>], vector<16xf32>,
        %add3A_538 = arith.addf %gather3A_535, %gather3A_537 : vector<16xf32>
        %gather3A_539 = tpu.vector_load_idx %arg14[%add3A_525, %add3A_62] : memref<640x64xf32, #tpu.memory_space<vmem>>[vector<16xi32>, vector<16xi32>], vector<16xf32>,
        %add3A_540 = arith.addi %gather3A_526, %add3A_62 : vector<16xi32>
        %gather3A_541 = tpu.vector_load_idx %arg16[%add3A_540] : memref<25600xf32, #tpu.memory_space<vmem>>[vector<16xi32>], vector<16xf32>,
        %add3A_542 = arith.addf %gather3A_539, %gather3A_541 : vector<16xf32>
        %add3A_543 = arith.addf %add3A_530, %add3A_534 : vector<16xf32>
        %add3A_544 = arith.addf %add3A_538, %add3A_542 : vector<16xf32>
        %add3A_545 = arith.addf %add3A_543, %add3A_544 : vector<16xf32>
        %gather3A_546 = vector.shape_cast %reshape3A : vector<16x1xi32> to vector<16xi32>
        %gather3A_547 = tpu.dynamic_gather %add3A_545[%gather3A_546] in [0] : vector<16xf32>, vector<16xi32> -> vector<16xf32>
        %add3A_548 = arith.addf %add3A_545, %gather3A_547 : vector<16xf32>
        %gather3A_549 = vector.shape_cast %reshape3A_42 : vector<16x1xi32> to vector<16xi32>
        %gather3A_550 = tpu.dynamic_gather %add3A_548[%gather3A_549] in [0] : vector<16xf32>, vector<16xi32> -> vector<16xf32>
        %add3A_551 = arith.addf %add3A_548, %gather3A_550 : vector<16xf32>
        %gather3A_552 = vector.shape_cast %reshape3A_46 : vector<16x1xi32> to vector<16xi32>
        %gather3A_553 = tpu.dynamic_gather %add3A_551[%gather3A_552] in [0] : vector<16xf32>, vector<16xi32> -> vector<16xf32>
        %add3A_554 = arith.addf %add3A_551, %gather3A_553 : vector<16xf32>
        %gather3A_555 = vector.shape_cast %reshape3A_50 : vector<16x1xi32> to vector<16xi32>
        %gather3A_556 = tpu.dynamic_gather %add3A_554[%gather3A_555] in [0] : vector<16xf32>, vector<16xi32> -> vector<16xf32>
        %add3A_557 = arith.addf %add3A_554, %gather3A_556 : vector<16xf32>
        %mul3A_558 = arith.mulf %add3A_530, %add3A_530 : vector<16xf32>
        %mul3A_559 = arith.mulf %add3A_534, %add3A_534 : vector<16xf32>
        %add3A_560 = arith.addf %mul3A_558, %mul3A_559 : vector<16xf32>
        %mul3A_561 = arith.mulf %add3A_538, %add3A_538 : vector<16xf32>
        %mul3A_562 = arith.mulf %add3A_542, %add3A_542 : vector<16xf32>
        %add3A_563 = arith.addf %mul3A_561, %mul3A_562 : vector<16xf32>
        %add3A_564 = arith.addf %add3A_560, %add3A_563 : vector<16xf32>
        %gather3A_565 = vector.shape_cast %reshape3A : vector<16x1xi32> to vector<16xi32>
        %gather3A_566 = tpu.dynamic_gather %add3A_564[%gather3A_565] in [0] : vector<16xf32>, vector<16xi32> -> vector<16xf32>
        %add3A_567 = arith.addf %add3A_564, %gather3A_566 : vector<16xf32>
        %gather3A_568 = vector.shape_cast %reshape3A_42 : vector<16x1xi32> to vector<16xi32>
        %gather3A_569 = tpu.dynamic_gather %add3A_567[%gather3A_568] in [0] : vector<16xf32>, vector<16xi32> -> vector<16xf32>
        %add3A_570 = arith.addf %add3A_567, %gather3A_569 : vector<16xf32>
        %gather3A_571 = vector.shape_cast %reshape3A_46 : vector<16x1xi32> to vector<16xi32>
        %gather3A_572 = tpu.dynamic_gather %add3A_570[%gather3A_571] in [0] : vector<16xf32>, vector<16xi32> -> vector<16xf32>
        %add3A_573 = arith.addf %add3A_570, %gather3A_572 : vector<16xf32>
        %gather3A_574 = vector.shape_cast %reshape3A_50 : vector<16x1xi32> to vector<16xi32>
        %gather3A_575 = tpu.dynamic_gather %add3A_573[%gather3A_574] in [0] : vector<16xf32>, vector<16xi32> -> vector<16xf32>
        %add3A_576 = arith.addf %add3A_573, %gather3A_575 : vector<16xf32>
        %mul3A_577 = arith.constant 1.562500e-02 : f32
        %mul3A_578 = vector.broadcast %mul3A_577 : f32 to vector<16xf32>
        %mul3A_579 = arith.mulf %add3A_557, %mul3A_578 : vector<16xf32>
        %mul3A_580 = arith.constant 1.562500e-02 : f32
        %mul3A_581 = vector.broadcast %mul3A_580 : f32 to vector<16xf32>
        %mul3A_582 = arith.mulf %add3A_576, %mul3A_581 : vector<16xf32>
        %mul3A_583 = arith.mulf %mul3A_579, %mul3A_579 : vector<16xf32>
        %sub3A_584 = arith.subf %mul3A_582, %mul3A_583 : vector<16xf32>
        %add3A_585 = arith.constant 9.99999997E-7 : f32
        %add3A_586 = vector.broadcast %add3A_585 : f32 to vector<16xf32>
        %add3A_587 = arith.addf %sub3A_584, %add3A_586 : vector<16xf32>
        %bitcast_convert_type3A_588 = tpu.bitcast %add3A_587 : vector<16xf32> -> vector<16xi32>
        %broadcast_in_dim3A_589 = arith.constant 1597463007 : i32
        %broadcast_in_dim3A_590 = vector.broadcast %broadcast_in_dim3A_589 : i32 to vector<16xi32>
        %shift_right_logical3A_591 = arith.constant 1 : i32
        %shift_right_logical3A_592 = vector.broadcast %shift_right_logical3A_591 : i32 to vector<16xi32>
        %shift_right_logical3A_593 = arith.shrui %bitcast_convert_type3A_588, %shift_right_logical3A_592 : vector<16xi32>
        %sub3A_594 = arith.subi %broadcast_in_dim3A_590, %shift_right_logical3A_593 : vector<16xi32>
        %bitcast_convert_type3A_595 = tpu.bitcast %sub3A_594 : vector<16xi32> -> vector<16xf32>
        %mul3A_596 = arith.constant 5.000000e-01 : f32
        %mul3A_597 = vector.broadcast %mul3A_596 : f32 to vector<16xf32>
        %mul3A_598 = arith.mulf %add3A_587, %mul3A_597 : vector<16xf32>
        %mul3A_599 = arith.mulf %mul3A_598, %bitcast_convert_type3A_595 : vector<16xf32>
        %mul3A_600 = arith.mulf %mul3A_599, %bitcast_convert_type3A_595 : vector<16xf32>
        %sub3A_601 = arith.constant 1.500000e+00 : f32
        %sub3A_602 = vector.broadcast %sub3A_601 : f32 to vector<16xf32>
        %sub3A_603 = arith.subf %sub3A_602, %mul3A_600 : vector<16xf32>
        %mul3A_604 = arith.mulf %bitcast_convert_type3A_595, %sub3A_603 : vector<16xf32>
        %mul3A_605 = arith.mulf %mul3A_598, %mul3A_604 : vector<16xf32>
        %mul3A_606 = arith.mulf %mul3A_605, %mul3A_604 : vector<16xf32>
        %sub3A_607 = arith.constant 1.500000e+00 : f32
        %sub3A_608 = vector.broadcast %sub3A_607 : f32 to vector<16xf32>
        %sub3A_609 = arith.subf %sub3A_608, %mul3A_606 : vector<16xf32>
        %mul3A_610 = arith.mulf %mul3A_604, %sub3A_609 : vector<16xf32>
        %mul3A_611 = arith.mulf %mul3A_598, %mul3A_610 : vector<16xf32>
        %mul3A_612 = arith.mulf %mul3A_611, %mul3A_610 : vector<16xf32>
        %sub3A_613 = arith.constant 1.500000e+00 : f32
        %sub3A_614 = vector.broadcast %sub3A_613 : f32 to vector<16xf32>
        %sub3A_615 = arith.subf %sub3A_614, %mul3A_612 : vector<16xf32>
        %mul3A_616 = arith.mulf %mul3A_610, %sub3A_615 : vector<16xf32>
        %sub3A_617 = arith.subf %add3A_530, %mul3A_579 : vector<16xf32>
        %mul3A_618 = arith.mulf %sub3A_617, %mul3A_616 : vector<16xf32>
        %mul3A_619 = arith.mulf %mul3A_618, %get3A_19 : vector<16xf32>
        %add3A_620 = arith.addf %mul3A_619, %get3A_27 : vector<16xf32>
        tpu.vector_store_idx %arg14[%add3A_525, %add3A_53], %add3A_620 : memref<640x64xf32, #tpu.memory_space<vmem>>[vector<16xi32>, vector<16xi32>], vector<16xf32>,
        %sub3A_621 = arith.subf %add3A_534, %mul3A_579 : vector<16xf32>
        %mul3A_622 = arith.mulf %sub3A_621, %mul3A_616 : vector<16xf32>
        %mul3A_623 = arith.mulf %mul3A_622, %get3A_21 : vector<16xf32>
        %add3A_624 = arith.addf %mul3A_623, %get3A_29 : vector<16xf32>
        tpu.vector_store_idx %arg14[%add3A_525, %add3A_56], %add3A_624 : memref<640x64xf32, #tpu.memory_space<vmem>>[vector<16xi32>, vector<16xi32>], vector<16xf32>,
        %sub3A_625 = arith.subf %add3A_538, %mul3A_579 : vector<16xf32>
        %mul3A_626 = arith.mulf %sub3A_625, %mul3A_616 : vector<16xf32>
        %mul3A_627 = arith.mulf %mul3A_626, %get3A_23 : vector<16xf32>
        %add3A_628 = arith.addf %mul3A_627, %get3A_31 : vector<16xf32>
        tpu.vector_store_idx %arg14[%add3A_525, %add3A_59], %add3A_628 : memref<640x64xf32, #tpu.memory_space<vmem>>[vector<16xi32>, vector<16xi32>], vector<16xf32>,
        %sub3A_629 = arith.subf %add3A_542, %mul3A_579 : vector<16xf32>
        %mul3A_630 = arith.mulf %sub3A_629, %mul3A_616 : vector<16xf32>
        %mul3A_631 = arith.mulf %mul3A_630, %get3A_25 : vector<16xf32>
        %add3A_632 = arith.addf %mul3A_631, %get3A_33 : vector<16xf32>
        tpu.vector_store_idx %arg14[%add3A_525, %add3A_62], %add3A_632 : memref<640x64xf32, #tpu.memory_space<vmem>>[vector<16xi32>, vector<16xi32>], vector<16xf32>,
        %add3A_633 = arith.constant 3 : i32
        %add3A_634 = vector.broadcast %add3A_633 : i32 to vector<16xi32>
        %add3A_635 = arith.addi %broadcast_in_dim3A_306, %add3A_634 : vector<16xi32>
        %gather3A_636 = tpu.vector_load_idx %arg12[%add3A_635] : memref<640xi32, #tpu.memory_space<vmem>>[vector<16xi32>], vector<16xi32>,
        %gather3A_637 = tpu.vector_load_idx %arg14[%add3A_635, %add3A_53] : memref<640x64xf32, #tpu.memory_space<vmem>>[vector<16xi32>, vector<16xi32>], vector<16xf32>,
        %add3A_638 = arith.addi %gather3A_636, %add3A_53 : vector<16xi32>
        %gather3A_639 = tpu.vector_load_idx %arg16[%add3A_638] : memref<25600xf32, #tpu.memory_space<vmem>>[vector<16xi32>], vector<16xf32>,
        %add3A_640 = arith.addf %gather3A_637, %gather3A_639 : vector<16xf32>
        %gather3A_641 = tpu.vector_load_idx %arg14[%add3A_635, %add3A_56] : memref<640x64xf32, #tpu.memory_space<vmem>>[vector<16xi32>, vector<16xi32>], vector<16xf32>,
        %add3A_642 = arith.addi %gather3A_636, %add3A_56 : vector<16xi32>
        %gather3A_643 = tpu.vector_load_idx %arg16[%add3A_642] : memref<25600xf32, #tpu.memory_space<vmem>>[vector<16xi32>], vector<16xf32>,
        %add3A_644 = arith.addf %gather3A_641, %gather3A_643 : vector<16xf32>
        %gather3A_645 = tpu.vector_load_idx %arg14[%add3A_635, %add3A_59] : memref<640x64xf32, #tpu.memory_space<vmem>>[vector<16xi32>, vector<16xi32>], vector<16xf32>,
        %add3A_646 = arith.addi %gather3A_636, %add3A_59 : vector<16xi32>
        %gather3A_647 = tpu.vector_load_idx %arg16[%add3A_646] : memref<25600xf32, #tpu.memory_space<vmem>>[vector<16xi32>], vector<16xf32>,
        %add3A_648 = arith.addf %gather3A_645, %gather3A_647 : vector<16xf32>
        %gather3A_649 = tpu.vector_load_idx %arg14[%add3A_635, %add3A_62] : memref<640x64xf32, #tpu.memory_space<vmem>>[vector<16xi32>, vector<16xi32>], vector<16xf32>,
        %add3A_650 = arith.addi %gather3A_636, %add3A_62 : vector<16xi32>
        %gather3A_651 = tpu.vector_load_idx %arg16[%add3A_650] : memref<25600xf32, #tpu.memory_space<vmem>>[vector<16xi32>], vector<16xf32>,
        %add3A_652 = arith.addf %gather3A_649, %gather3A_651 : vector<16xf32>
        %add3A_653 = arith.addf %add3A_640, %add3A_644 : vector<16xf32>
        %add3A_654 = arith.addf %add3A_648, %add3A_652 : vector<16xf32>
        %add3A_655 = arith.addf %add3A_653, %add3A_654 : vector<16xf32>
        %gather3A_656 = vector.shape_cast %reshape3A : vector<16x1xi32> to vector<16xi32>
        %gather3A_657 = tpu.dynamic_gather %add3A_655[%gather3A_656] in [0] : vector<16xf32>, vector<16xi32> -> vector<16xf32>
        %add3A_658 = arith.addf %add3A_655, %gather3A_657 : vector<16xf32>
        %gather3A_659 = vector.shape_cast %reshape3A_42 : vector<16x1xi32> to vector<16xi32>
        %gather3A_660 = tpu.dynamic_gather %add3A_658[%gather3A_659] in [0] : vector<16xf32>, vector<16xi32> -> vector<16xf32>
        %add3A_661 = arith.addf %add3A_658, %gather3A_660 : vector<16xf32>
        %gather3A_662 = vector.shape_cast %reshape3A_46 : vector<16x1xi32> to vector<16xi32>
        %gather3A_663 = tpu.dynamic_gather %add3A_661[%gather3A_662] in [0] : vector<16xf32>, vector<16xi32> -> vector<16xf32>
        %add3A_664 = arith.addf %add3A_661, %gather3A_663 : vector<16xf32>
        %gather3A_665 = vector.shape_cast %reshape3A_50 : vector<16x1xi32> to vector<16xi32>
        %gather3A_666 = tpu.dynamic_gather %add3A_664[%gather3A_665] in [0] : vector<16xf32>, vector<16xi32> -> vector<16xf32>
        %add3A_667 = arith.addf %add3A_664, %gather3A_666 : vector<16xf32>
        %mul3A_668 = arith.mulf %add3A_640, %add3A_640 : vector<16xf32>
        %mul3A_669 = arith.mulf %add3A_644, %add3A_644 : vector<16xf32>
        %add3A_670 = arith.addf %mul3A_668, %mul3A_669 : vector<16xf32>
        %mul3A_671 = arith.mulf %add3A_648, %add3A_648 : vector<16xf32>
        %mul3A_672 = arith.mulf %add3A_652, %add3A_652 : vector<16xf32>
        %add3A_673 = arith.addf %mul3A_671, %mul3A_672 : vector<16xf32>
        %add3A_674 = arith.addf %add3A_670, %add3A_673 : vector<16xf32>
        %gather3A_675 = vector.shape_cast %reshape3A : vector<16x1xi32> to vector<16xi32>
        %gather3A_676 = tpu.dynamic_gather %add3A_674[%gather3A_675] in [0] : vector<16xf32>, vector<16xi32> -> vector<16xf32>
        %add3A_677 = arith.addf %add3A_674, %gather3A_676 : vector<16xf32>
        %gather3A_678 = vector.shape_cast %reshape3A_42 : vector<16x1xi32> to vector<16xi32>
        %gather3A_679 = tpu.dynamic_gather %add3A_677[%gather3A_678] in [0] : vector<16xf32>, vector<16xi32> -> vector<16xf32>
        %add3A_680 = arith.addf %add3A_677, %gather3A_679 : vector<16xf32>
        %gather3A_681 = vector.shape_cast %reshape3A_46 : vector<16x1xi32> to vector<16xi32>
        %gather3A_682 = tpu.dynamic_gather %add3A_680[%gather3A_681] in [0] : vector<16xf32>, vector<16xi32> -> vector<16xf32>
        %add3A_683 = arith.addf %add3A_680, %gather3A_682 : vector<16xf32>
        %gather3A_684 = vector.shape_cast %reshape3A_50 : vector<16x1xi32> to vector<16xi32>
        %gather3A_685 = tpu.dynamic_gather %add3A_683[%gather3A_684] in [0] : vector<16xf32>, vector<16xi32> -> vector<16xf32>
        %add3A_686 = arith.addf %add3A_683, %gather3A_685 : vector<16xf32>
        %mul3A_687 = arith.constant 1.562500e-02 : f32
        %mul3A_688 = vector.broadcast %mul3A_687 : f32 to vector<16xf32>
        %mul3A_689 = arith.mulf %add3A_667, %mul3A_688 : vector<16xf32>
        %mul3A_690 = arith.constant 1.562500e-02 : f32
        %mul3A_691 = vector.broadcast %mul3A_690 : f32 to vector<16xf32>
        %mul3A_692 = arith.mulf %add3A_686, %mul3A_691 : vector<16xf32>
        %mul3A_693 = arith.mulf %mul3A_689, %mul3A_689 : vector<16xf32>
        %sub3A_694 = arith.subf %mul3A_692, %mul3A_693 : vector<16xf32>
        %add3A_695 = arith.constant 9.99999997E-7 : f32
        %add3A_696 = vector.broadcast %add3A_695 : f32 to vector<16xf32>
        %add3A_697 = arith.addf %sub3A_694, %add3A_696 : vector<16xf32>
        %bitcast_convert_type3A_698 = tpu.bitcast %add3A_697 : vector<16xf32> -> vector<16xi32>
        %broadcast_in_dim3A_699 = arith.constant 1597463007 : i32
        %broadcast_in_dim3A_700 = vector.broadcast %broadcast_in_dim3A_699 : i32 to vector<16xi32>
        %shift_right_logical3A_701 = arith.constant 1 : i32
        %shift_right_logical3A_702 = vector.broadcast %shift_right_logical3A_701 : i32 to vector<16xi32>
        %shift_right_logical3A_703 = arith.shrui %bitcast_convert_type3A_698, %shift_right_logical3A_702 : vector<16xi32>
        %sub3A_704 = arith.subi %broadcast_in_dim3A_700, %shift_right_logical3A_703 : vector<16xi32>
        %bitcast_convert_type3A_705 = tpu.bitcast %sub3A_704 : vector<16xi32> -> vector<16xf32>
        %mul3A_706 = arith.constant 5.000000e-01 : f32
        %mul3A_707 = vector.broadcast %mul3A_706 : f32 to vector<16xf32>
        %mul3A_708 = arith.mulf %add3A_697, %mul3A_707 : vector<16xf32>
        %mul3A_709 = arith.mulf %mul3A_708, %bitcast_convert_type3A_705 : vector<16xf32>
        %mul3A_710 = arith.mulf %mul3A_709, %bitcast_convert_type3A_705 : vector<16xf32>
        %sub3A_711 = arith.constant 1.500000e+00 : f32
        %sub3A_712 = vector.broadcast %sub3A_711 : f32 to vector<16xf32>
        %sub3A_713 = arith.subf %sub3A_712, %mul3A_710 : vector<16xf32>
        %mul3A_714 = arith.mulf %bitcast_convert_type3A_705, %sub3A_713 : vector<16xf32>
        %mul3A_715 = arith.mulf %mul3A_708, %mul3A_714 : vector<16xf32>
        %mul3A_716 = arith.mulf %mul3A_715, %mul3A_714 : vector<16xf32>
        %sub3A_717 = arith.constant 1.500000e+00 : f32
        %sub3A_718 = vector.broadcast %sub3A_717 : f32 to vector<16xf32>
        %sub3A_719 = arith.subf %sub3A_718, %mul3A_716 : vector<16xf32>
        %mul3A_720 = arith.mulf %mul3A_714, %sub3A_719 : vector<16xf32>
        %mul3A_721 = arith.mulf %mul3A_708, %mul3A_720 : vector<16xf32>
        %mul3A_722 = arith.mulf %mul3A_721, %mul3A_720 : vector<16xf32>
        %sub3A_723 = arith.constant 1.500000e+00 : f32
        %sub3A_724 = vector.broadcast %sub3A_723 : f32 to vector<16xf32>
        %sub3A_725 = arith.subf %sub3A_724, %mul3A_722 : vector<16xf32>
        %mul3A_726 = arith.mulf %mul3A_720, %sub3A_725 : vector<16xf32>
        %sub3A_727 = arith.subf %add3A_640, %mul3A_689 : vector<16xf32>
        %mul3A_728 = arith.mulf %sub3A_727, %mul3A_726 : vector<16xf32>
        %mul3A_729 = arith.mulf %mul3A_728, %get3A_19 : vector<16xf32>
        %add3A_730 = arith.addf %mul3A_729, %get3A_27 : vector<16xf32>
        tpu.vector_store_idx %arg14[%add3A_635, %add3A_53], %add3A_730 : memref<640x64xf32, #tpu.memory_space<vmem>>[vector<16xi32>, vector<16xi32>], vector<16xf32>,
        %sub3A_731 = arith.subf %add3A_644, %mul3A_689 : vector<16xf32>
        %mul3A_732 = arith.mulf %sub3A_731, %mul3A_726 : vector<16xf32>
        %mul3A_733 = arith.mulf %mul3A_732, %get3A_21 : vector<16xf32>
        %add3A_734 = arith.addf %mul3A_733, %get3A_29 : vector<16xf32>
        tpu.vector_store_idx %arg14[%add3A_635, %add3A_56], %add3A_734 : memref<640x64xf32, #tpu.memory_space<vmem>>[vector<16xi32>, vector<16xi32>], vector<16xf32>,
        %sub3A_735 = arith.subf %add3A_648, %mul3A_689 : vector<16xf32>
        %mul3A_736 = arith.mulf %sub3A_735, %mul3A_726 : vector<16xf32>
        %mul3A_737 = arith.mulf %mul3A_736, %get3A_23 : vector<16xf32>
        %add3A_738 = arith.addf %mul3A_737, %get3A_31 : vector<16xf32>
        tpu.vector_store_idx %arg14[%add3A_635, %add3A_59], %add3A_738 : memref<640x64xf32, #tpu.memory_space<vmem>>[vector<16xi32>, vector<16xi32>], vector<16xf32>,
        %sub3A_739 = arith.subf %add3A_652, %mul3A_689 : vector<16xf32>
        %mul3A_740 = arith.mulf %sub3A_739, %mul3A_726 : vector<16xf32>
        %mul3A_741 = arith.mulf %mul3A_740, %get3A_25 : vector<16xf32>
        %add3A_742 = arith.addf %mul3A_741, %get3A_33 : vector<16xf32>
        tpu.vector_store_idx %arg14[%add3A_635, %add3A_62], %add3A_742 : memref<640x64xf32, #tpu.memory_space<vmem>>[vector<16xi32>, vector<16xi32>], vector<16xf32>,
      }
      %scan3A_209 = arith.constant 160 : i32
      %mul3A_210 = arith.constant 640 : i32
      %mul3A_211 = arith.muli %mul3A_150, %mul3A_210 : i32
      %add3A_212 = arith.addi %mul3A_2, %mul3A_211 : i32
      %multiple_of3A_213 = tpu.assume_multiple %add3A_212, 128 : i32
      %dma_start3A_214 = arith.constant 0 : i32
      %dma_start3A_215 = tpu.memref_slice %arg9[%multiple_of3A_213, %dma_start3A_214] : memref<204800x64xf32, #tpu.memory_space<hbm>> -> memref<640x64xf32, #tpu.memory_space<hbm>>
      %dma_start3A_216 = arith.constant 0 : i32
      %dma_start3A_217 = tpu.memref_slice %arg9[%multiple_of3A_213, %dma_start3A_216] : memref<204800x64xf32, #tpu.memory_space<hbm>> -> memref<640x64xf32, #tpu.memory_space<hbm>>
      tpu.enqueue_dma source(%arg14 : memref<640x64xf32, #tpu.memory_space<vmem>>) target(%dma_start3A_217 : memref<640x64xf32, #tpu.memory_space<hbm>>) target_semaphore(%arg22 : memref<!tpu.dma_semaphore, #tpu.memory_space<semaphore_mem>>)
      %dma_wait3A_218 = arith.constant 0 : i32
      %dma_wait3A_219 = arith.constant 0 : i32
      %dma_wait3A_220 = tpu.memref_slice %arg15[%dma_wait3A_218, %dma_wait3A_219] : memref<640x64xf32, #tpu.memory_space<vmem>> -> memref<128x64xf32, #tpu.memory_space<vmem>>
      %dma_wait3A_221 = arith.constant 0 : i32
      %dma_wait3A_222 = tpu.memref_slice %arg11[%dma_wait3A_221] : memref<640xi32, #tpu.memory_space<vmem>> -> memref<128xi32, #tpu.memory_space<vmem>>
      %dma_wait3A_223 = arith.constant 0 : i32
      %dma_wait3A_224 = arith.constant 0 : i32
      %dma_wait3A_225 = tpu.memref_slice %arg4[%dma_wait3A_223, %dma_wait3A_224] : memref<1000000x64xf32, #tpu.memory_space<hbm>> -> memref<1000000x64xf32, #tpu.memory_space<hbm>>
      tpu.wait_indirect_dma semaphore(%arg21 : memref<!tpu.dma_semaphore, #tpu.memory_space<semaphore_mem>>) src(%dma_wait3A_225 : memref<1000000x64xf32, #tpu.memory_space<hbm>>) dst(%dma_wait3A_220 : memref<128x64xf32, #tpu.memory_space<vmem>>)
      %dma_wait3A_226 = arith.constant 128 : i32
      %dma_wait3A_227 = arith.constant 0 : i32
      %dma_wait3A_228 = tpu.memref_slice %arg15[%dma_wait3A_226, %dma_wait3A_227] : memref<640x64xf32, #tpu.memory_space<vmem>> -> memref<128x64xf32, #tpu.memory_space<vmem>>
      %dma_wait3A_229 = arith.constant 128 : i32
      %dma_wait3A_230 = tpu.memref_slice %arg11[%dma_wait3A_229] : memref<640xi32, #tpu.memory_space<vmem>> -> memref<128xi32, #tpu.memory_space<vmem>>
      %dma_wait3A_231 = arith.constant 0 : i32
      %dma_wait3A_232 = arith.constant 0 : i32
      %dma_wait3A_233 = tpu.memref_slice %arg4[%dma_wait3A_231, %dma_wait3A_232] : memref<1000000x64xf32, #tpu.memory_space<hbm>> -> memref<1000000x64xf32, #tpu.memory_space<hbm>>
      tpu.wait_indirect_dma semaphore(%arg21 : memref<!tpu.dma_semaphore, #tpu.memory_space<semaphore_mem>>) src(%dma_wait3A_233 : memref<1000000x64xf32, #tpu.memory_space<hbm>>) dst(%dma_wait3A_228 : memref<128x64xf32, #tpu.memory_space<vmem>>)
      %dma_wait3A_234 = arith.constant 256 : i32
      %dma_wait3A_235 = arith.constant 0 : i32
      %dma_wait3A_236 = tpu.memref_slice %arg15[%dma_wait3A_234, %dma_wait3A_235] : memref<640x64xf32, #tpu.memory_space<vmem>> -> memref<128x64xf32, #tpu.memory_space<vmem>>
      %dma_wait3A_237 = arith.constant 256 : i32
      %dma_wait3A_238 = tpu.memref_slice %arg11[%dma_wait3A_237] : memref<640xi32, #tpu.memory_space<vmem>> -> memref<128xi32, #tpu.memory_space<vmem>>
      %dma_wait3A_239 = arith.constant 0 : i32
      %dma_wait3A_240 = arith.constant 0 : i32
      %dma_wait3A_241 = tpu.memref_slice %arg4[%dma_wait3A_239, %dma_wait3A_240] : memref<1000000x64xf32, #tpu.memory_space<hbm>> -> memref<1000000x64xf32, #tpu.memory_space<hbm>>
      tpu.wait_indirect_dma semaphore(%arg21 : memref<!tpu.dma_semaphore, #tpu.memory_space<semaphore_mem>>) src(%dma_wait3A_241 : memref<1000000x64xf32, #tpu.memory_space<hbm>>) dst(%dma_wait3A_236 : memref<128x64xf32, #tpu.memory_space<vmem>>)
      %dma_wait3A_242 = arith.constant 384 : i32
      %dma_wait3A_243 = arith.constant 0 : i32
      %dma_wait3A_244 = tpu.memref_slice %arg15[%dma_wait3A_242, %dma_wait3A_243] : memref<640x64xf32, #tpu.memory_space<vmem>> -> memref<128x64xf32, #tpu.memory_space<vmem>>
      %dma_wait3A_245 = arith.constant 384 : i32
      %dma_wait3A_246 = tpu.memref_slice %arg11[%dma_wait3A_245] : memref<640xi32, #tpu.memory_space<vmem>> -> memref<128xi32, #tpu.memory_space<vmem>>
      %dma_wait3A_247 = arith.constant 0 : i32
      %dma_wait3A_248 = arith.constant 0 : i32
      %dma_wait3A_249 = tpu.memref_slice %arg4[%dma_wait3A_247, %dma_wait3A_248] : memref<1000000x64xf32, #tpu.memory_space<hbm>> -> memref<1000000x64xf32, #tpu.memory_space<hbm>>
      tpu.wait_indirect_dma semaphore(%arg21 : memref<!tpu.dma_semaphore, #tpu.memory_space<semaphore_mem>>) src(%dma_wait3A_249 : memref<1000000x64xf32, #tpu.memory_space<hbm>>) dst(%dma_wait3A_244 : memref<128x64xf32, #tpu.memory_space<vmem>>)
      %dma_wait3A_250 = arith.constant 512 : i32
      %dma_wait3A_251 = arith.constant 0 : i32
      %dma_wait3A_252 = tpu.memref_slice %arg15[%dma_wait3A_250, %dma_wait3A_251] : memref<640x64xf32, #tpu.memory_space<vmem>> -> memref<128x64xf32, #tpu.memory_space<vmem>>
      %dma_wait3A_253 = arith.constant 512 : i32
      %dma_wait3A_254 = tpu.memref_slice %arg11[%dma_wait3A_253] : memref<640xi32, #tpu.memory_space<vmem>> -> memref<128xi32, #tpu.memory_space<vmem>>
      %dma_wait3A_255 = arith.constant 0 : i32
      %dma_wait3A_256 = arith.constant 0 : i32
      %dma_wait3A_257 = tpu.memref_slice %arg4[%dma_wait3A_255, %dma_wait3A_256] : memref<1000000x64xf32, #tpu.memory_space<hbm>> -> memref<1000000x64xf32, #tpu.memory_space<hbm>>
      tpu.wait_indirect_dma semaphore(%arg21 : memref<!tpu.dma_semaphore, #tpu.memory_space<semaphore_mem>>) src(%dma_wait3A_257 : memref<1000000x64xf32, #tpu.memory_space<hbm>>) dst(%dma_wait3A_252 : memref<128x64xf32, #tpu.memory_space<vmem>>)
      %add3A_258 = arith.constant 1 : i32
      %add3A_259 = arith.addi %mul3A_150, %add3A_258 : i32
      %mul3A_260 = arith.constant 640 : i32
      %mul3A_261 = arith.muli %add3A_259, %mul3A_260 : i32
      %add3A_262 = arith.addi %mul3A_2, %mul3A_261 : i32
      %scan3A_263 = arith.constant 0 : i32
      %scan3A_264 = arith.constant 40 : i32
      %scan3A_265 = arith.addi %scan3A_263, %scan3A_264 : i32
      %scan3A_266 = arith.constant 1 : i32
      scf.for %scan3A_303 = %scan3A_263 to %scan3A_265 step %scan3A_266  : i32 {
        %mul3A_304 = arith.constant 16 : i32
        %mul3A_305 = arith.muli %scan3A_303, %mul3A_304 : i32
        %multiple_of3A_306 = tpu.assume_multiple %mul3A_305, 16 : i32
        %get3A_307 = arith.index_cast %multiple_of3A_306 : i32 to index
        %get3A_308 = tpu.vector_load %arg13[%get3A_307] {strides = array<i32>} : memref<640xi32, #tpu.memory_space<vmem>>, vector<16xi32>,
        %mul3A_309 = arith.constant 16 : i32
        %mul3A_310 = arith.muli %scan3A_303, %mul3A_309 : i32
        %add3A_311 = arith.addi %add3A_262, %mul3A_310 : i32
        %broadcast_in_dim3A_312 = vector.broadcast %add3A_311 : i32 to vector<16xi32>
        %add3A_313 = arith.addi %broadcast_in_dim3A_312, %iota3A : vector<16xi32>
        %broadcast_in_dim3A_314 = arith.constant 200 : i32
        %broadcast_in_dim3A_315 = vector.broadcast %broadcast_in_dim3A_314 : i32 to vector<16xi32>
        %rem3A = arith.remsi %add3A_313, %broadcast_in_dim3A_315 : vector<16xi32>
        %mul3A_316 = arith.constant 12800 : i32
        %mul3A_317 = vector.broadcast %mul3A_316 : i32 to vector<16xi32>
        %mul3A_318 = arith.muli %get3A_308, %mul3A_317 : vector<16xi32>
        %mul3A_319 = arith.constant 64 : i32
        %mul3A_320 = vector.broadcast %mul3A_319 : i32 to vector<16xi32>
        %mul3A_321 = arith.muli %rem3A, %mul3A_320 : vector<16xi32>
        %add3A_322 = arith.addi %mul3A_318, %mul3A_321 : vector<16xi32>
        %swap3A = arith.index_cast %multiple_of3A_306 : i32 to index
        %swap3A_323 = tpu.vector_load %arg13[%swap3A] {strides = array<i32>} : memref<640xi32, #tpu.memory_space<vmem>>, vector<16xi32>,
        tpu.vector_store %arg13[%swap3A], %add3A_322 {strides = array<i32>} : memref<640xi32, #tpu.memory_space<vmem>>, vector<16xi32>,
      }
      %scan3A_267 = arith.constant 40 : i32
      %scan3A_268 = arith.constant 0 : i32
      %scan3A_269 = arith.constant 160 : i32
      %scan3A_270 = arith.addi %scan3A_268, %scan3A_269 : i32
      %scan3A_271 = arith.constant 1 : i32
      scf.for %scan3A_303 = %scan3A_268 to %scan3A_270 step %scan3A_271  : i32 {
        %mul3A_304 = arith.constant 4 : i32
        %mul3A_305 = arith.muli %scan3A_303, %mul3A_304 : i32
        %broadcast_in_dim3A_306 = vector.broadcast %mul3A_305 : i32 to vector<16xi32>
        %add3A_307 = arith.constant 0 : i32
        %add3A_308 = vector.broadcast %add3A_307 : i32 to vector<16xi32>
        %add3A_309 = arith.addi %broadcast_in_dim3A_306, %add3A_308 : vector<16xi32>
        %gather3A = tpu.vector_load_idx %arg13[%add3A_309] : memref<640xi32, #tpu.memory_space<vmem>>[vector<16xi32>], vector<16xi32>,
        %gather3A_310 = tpu.vector_load_idx %arg15[%add3A_309, %add3A_53] : memref<640x64xf32, #tpu.memory_space<vmem>>[vector<16xi32>, vector<16xi32>], vector<16xf32>,
        %add3A_311 = arith.addi %gather3A, %add3A_53 : vector<16xi32>
        %gather3A_312 = tpu.vector_load_idx %arg16[%add3A_311] : memref<25600xf32, #tpu.memory_space<vmem>>[vector<16xi32>], vector<16xf32>,
        %add3A_313 = arith.addf %gather3A_310, %gather3A_312 : vector<16xf32>
        %gather3A_314 = tpu.vector_load_idx %arg15[%add3A_309, %add3A_56] : memref<640x64xf32, #tpu.memory_space<vmem>>[vector<16xi32>, vector<16xi32>], vector<16xf32>,
        %add3A_315 = arith.addi %gather3A, %add3A_56 : vector<16xi32>
        %gather3A_316 = tpu.vector_load_idx %arg16[%add3A_315] : memref<25600xf32, #tpu.memory_space<vmem>>[vector<16xi32>], vector<16xf32>,
        %add3A_317 = arith.addf %gather3A_314, %gather3A_316 : vector<16xf32>
        %gather3A_318 = tpu.vector_load_idx %arg15[%add3A_309, %add3A_59] : memref<640x64xf32, #tpu.memory_space<vmem>>[vector<16xi32>, vector<16xi32>], vector<16xf32>,
        %add3A_319 = arith.addi %gather3A, %add3A_59 : vector<16xi32>
        %gather3A_320 = tpu.vector_load_idx %arg16[%add3A_319] : memref<25600xf32, #tpu.memory_space<vmem>>[vector<16xi32>], vector<16xf32>,
        %add3A_321 = arith.addf %gather3A_318, %gather3A_320 : vector<16xf32>
        %gather3A_322 = tpu.vector_load_idx %arg15[%add3A_309, %add3A_62] : memref<640x64xf32, #tpu.memory_space<vmem>>[vector<16xi32>, vector<16xi32>], vector<16xf32>,
        %add3A_323 = arith.addi %gather3A, %add3A_62 : vector<16xi32>
        %gather3A_324 = tpu.vector_load_idx %arg16[%add3A_323] : memref<25600xf32, #tpu.memory_space<vmem>>[vector<16xi32>], vector<16xf32>,
        %add3A_325 = arith.addf %gather3A_322, %gather3A_324 : vector<16xf32>
        %add3A_326 = arith.addf %add3A_313, %add3A_317 : vector<16xf32>
        %add3A_327 = arith.addf %add3A_321, %add3A_325 : vector<16xf32>
        %add3A_328 = arith.addf %add3A_326, %add3A_327 : vector<16xf32>
        %gather3A_329 = vector.shape_cast %reshape3A : vector<16x1xi32> to vector<16xi32>
        %gather3A_330 = tpu.dynamic_gather %add3A_328[%gather3A_329] in [0] : vector<16xf32>, vector<16xi32> -> vector<16xf32>
        %add3A_331 = arith.addf %add3A_328, %gather3A_330 : vector<16xf32>
        %gather3A_332 = vector.shape_cast %reshape3A_42 : vector<16x1xi32> to vector<16xi32>
        %gather3A_333 = tpu.dynamic_gather %add3A_331[%gather3A_332] in [0] : vector<16xf32>, vector<16xi32> -> vector<16xf32>
        %add3A_334 = arith.addf %add3A_331, %gather3A_333 : vector<16xf32>
        %gather3A_335 = vector.shape_cast %reshape3A_46 : vector<16x1xi32> to vector<16xi32>
        %gather3A_336 = tpu.dynamic_gather %add3A_334[%gather3A_335] in [0] : vector<16xf32>, vector<16xi32> -> vector<16xf32>
        %add3A_337 = arith.addf %add3A_334, %gather3A_336 : vector<16xf32>
        %gather3A_338 = vector.shape_cast %reshape3A_50 : vector<16x1xi32> to vector<16xi32>
        %gather3A_339 = tpu.dynamic_gather %add3A_337[%gather3A_338] in [0] : vector<16xf32>, vector<16xi32> -> vector<16xf32>
        %add3A_340 = arith.addf %add3A_337, %gather3A_339 : vector<16xf32>
        %mul3A_341 = arith.mulf %add3A_313, %add3A_313 : vector<16xf32>
        %mul3A_342 = arith.mulf %add3A_317, %add3A_317 : vector<16xf32>
        %add3A_343 = arith.addf %mul3A_341, %mul3A_342 : vector<16xf32>
        %mul3A_344 = arith.mulf %add3A_321, %add3A_321 : vector<16xf32>
        %mul3A_345 = arith.mulf %add3A_325, %add3A_325 : vector<16xf32>
        %add3A_346 = arith.addf %mul3A_344, %mul3A_345 : vector<16xf32>
        %add3A_347 = arith.addf %add3A_343, %add3A_346 : vector<16xf32>
        %gather3A_348 = vector.shape_cast %reshape3A : vector<16x1xi32> to vector<16xi32>
        %gather3A_349 = tpu.dynamic_gather %add3A_347[%gather3A_348] in [0] : vector<16xf32>, vector<16xi32> -> vector<16xf32>
        %add3A_350 = arith.addf %add3A_347, %gather3A_349 : vector<16xf32>
        %gather3A_351 = vector.shape_cast %reshape3A_42 : vector<16x1xi32> to vector<16xi32>
        %gather3A_352 = tpu.dynamic_gather %add3A_350[%gather3A_351] in [0] : vector<16xf32>, vector<16xi32> -> vector<16xf32>
        %add3A_353 = arith.addf %add3A_350, %gather3A_352 : vector<16xf32>
        %gather3A_354 = vector.shape_cast %reshape3A_46 : vector<16x1xi32> to vector<16xi32>
        %gather3A_355 = tpu.dynamic_gather %add3A_353[%gather3A_354] in [0] : vector<16xf32>, vector<16xi32> -> vector<16xf32>
        %add3A_356 = arith.addf %add3A_353, %gather3A_355 : vector<16xf32>
        %gather3A_357 = vector.shape_cast %reshape3A_50 : vector<16x1xi32> to vector<16xi32>
        %gather3A_358 = tpu.dynamic_gather %add3A_356[%gather3A_357] in [0] : vector<16xf32>, vector<16xi32> -> vector<16xf32>
        %add3A_359 = arith.addf %add3A_356, %gather3A_358 : vector<16xf32>
        %mul3A_360 = arith.constant 1.562500e-02 : f32
        %mul3A_361 = vector.broadcast %mul3A_360 : f32 to vector<16xf32>
        %mul3A_362 = arith.mulf %add3A_340, %mul3A_361 : vector<16xf32>
        %mul3A_363 = arith.constant 1.562500e-02 : f32
        %mul3A_364 = vector.broadcast %mul3A_363 : f32 to vector<16xf32>
        %mul3A_365 = arith.mulf %add3A_359, %mul3A_364 : vector<16xf32>
        %mul3A_366 = arith.mulf %mul3A_362, %mul3A_362 : vector<16xf32>
        %sub3A = arith.subf %mul3A_365, %mul3A_366 : vector<16xf32>
        %add3A_367 = arith.constant 9.99999997E-7 : f32
        %add3A_368 = vector.broadcast %add3A_367 : f32 to vector<16xf32>
        %add3A_369 = arith.addf %sub3A, %add3A_368 : vector<16xf32>
        %bitcast_convert_type3A = tpu.bitcast %add3A_369 : vector<16xf32> -> vector<16xi32>
        %broadcast_in_dim3A_370 = arith.constant 1597463007 : i32
        %broadcast_in_dim3A_371 = vector.broadcast %broadcast_in_dim3A_370 : i32 to vector<16xi32>
        %shift_right_logical3A = arith.constant 1 : i32
        %shift_right_logical3A_372 = vector.broadcast %shift_right_logical3A : i32 to vector<16xi32>
        %shift_right_logical3A_373 = arith.shrui %bitcast_convert_type3A, %shift_right_logical3A_372 : vector<16xi32>
        %sub3A_374 = arith.subi %broadcast_in_dim3A_371, %shift_right_logical3A_373 : vector<16xi32>
        %bitcast_convert_type3A_375 = tpu.bitcast %sub3A_374 : vector<16xi32> -> vector<16xf32>
        %mul3A_376 = arith.constant 5.000000e-01 : f32
        %mul3A_377 = vector.broadcast %mul3A_376 : f32 to vector<16xf32>
        %mul3A_378 = arith.mulf %add3A_369, %mul3A_377 : vector<16xf32>
        %mul3A_379 = arith.mulf %mul3A_378, %bitcast_convert_type3A_375 : vector<16xf32>
        %mul3A_380 = arith.mulf %mul3A_379, %bitcast_convert_type3A_375 : vector<16xf32>
        %sub3A_381 = arith.constant 1.500000e+00 : f32
        %sub3A_382 = vector.broadcast %sub3A_381 : f32 to vector<16xf32>
        %sub3A_383 = arith.subf %sub3A_382, %mul3A_380 : vector<16xf32>
        %mul3A_384 = arith.mulf %bitcast_convert_type3A_375, %sub3A_383 : vector<16xf32>
        %mul3A_385 = arith.mulf %mul3A_378, %mul3A_384 : vector<16xf32>
        %mul3A_386 = arith.mulf %mul3A_385, %mul3A_384 : vector<16xf32>
        %sub3A_387 = arith.constant 1.500000e+00 : f32
        %sub3A_388 = vector.broadcast %sub3A_387 : f32 to vector<16xf32>
        %sub3A_389 = arith.subf %sub3A_388, %mul3A_386 : vector<16xf32>
        %mul3A_390 = arith.mulf %mul3A_384, %sub3A_389 : vector<16xf32>
        %mul3A_391 = arith.mulf %mul3A_378, %mul3A_390 : vector<16xf32>
        %mul3A_392 = arith.mulf %mul3A_391, %mul3A_390 : vector<16xf32>
        %sub3A_393 = arith.constant 1.500000e+00 : f32
        %sub3A_394 = vector.broadcast %sub3A_393 : f32 to vector<16xf32>
        %sub3A_395 = arith.subf %sub3A_394, %mul3A_392 : vector<16xf32>
        %mul3A_396 = arith.mulf %mul3A_390, %sub3A_395 : vector<16xf32>
        %sub3A_397 = arith.subf %add3A_313, %mul3A_362 : vector<16xf32>
        %mul3A_398 = arith.mulf %sub3A_397, %mul3A_396 : vector<16xf32>
        %mul3A_399 = arith.mulf %mul3A_398, %get3A_19 : vector<16xf32>
        %add3A_400 = arith.addf %mul3A_399, %get3A_27 : vector<16xf32>
        tpu.vector_store_idx %arg15[%add3A_309, %add3A_53], %add3A_400 : memref<640x64xf32, #tpu.memory_space<vmem>>[vector<16xi32>, vector<16xi32>], vector<16xf32>,
        %sub3A_401 = arith.subf %add3A_317, %mul3A_362 : vector<16xf32>
        %mul3A_402 = arith.mulf %sub3A_401, %mul3A_396 : vector<16xf32>
        %mul3A_403 = arith.mulf %mul3A_402, %get3A_21 : vector<16xf32>
        %add3A_404 = arith.addf %mul3A_403, %get3A_29 : vector<16xf32>
        tpu.vector_store_idx %arg15[%add3A_309, %add3A_56], %add3A_404 : memref<640x64xf32, #tpu.memory_space<vmem>>[vector<16xi32>, vector<16xi32>], vector<16xf32>,
        %sub3A_405 = arith.subf %add3A_321, %mul3A_362 : vector<16xf32>
        %mul3A_406 = arith.mulf %sub3A_405, %mul3A_396 : vector<16xf32>
        %mul3A_407 = arith.mulf %mul3A_406, %get3A_23 : vector<16xf32>
        %add3A_408 = arith.addf %mul3A_407, %get3A_31 : vector<16xf32>
        tpu.vector_store_idx %arg15[%add3A_309, %add3A_59], %add3A_408 : memref<640x64xf32, #tpu.memory_space<vmem>>[vector<16xi32>, vector<16xi32>], vector<16xf32>,
        %sub3A_409 = arith.subf %add3A_325, %mul3A_362 : vector<16xf32>
        %mul3A_410 = arith.mulf %sub3A_409, %mul3A_396 : vector<16xf32>
        %mul3A_411 = arith.mulf %mul3A_410, %get3A_25 : vector<16xf32>
        %add3A_412 = arith.addf %mul3A_411, %get3A_33 : vector<16xf32>
        tpu.vector_store_idx %arg15[%add3A_309, %add3A_62], %add3A_412 : memref<640x64xf32, #tpu.memory_space<vmem>>[vector<16xi32>, vector<16xi32>], vector<16xf32>,
        %add3A_413 = arith.constant 1 : i32
        %add3A_414 = vector.broadcast %add3A_413 : i32 to vector<16xi32>
        %add3A_415 = arith.addi %broadcast_in_dim3A_306, %add3A_414 : vector<16xi32>
        %gather3A_416 = tpu.vector_load_idx %arg13[%add3A_415] : memref<640xi32, #tpu.memory_space<vmem>>[vector<16xi32>], vector<16xi32>,
        %gather3A_417 = tpu.vector_load_idx %arg15[%add3A_415, %add3A_53] : memref<640x64xf32, #tpu.memory_space<vmem>>[vector<16xi32>, vector<16xi32>], vector<16xf32>,
        %add3A_418 = arith.addi %gather3A_416, %add3A_53 : vector<16xi32>
        %gather3A_419 = tpu.vector_load_idx %arg16[%add3A_418] : memref<25600xf32, #tpu.memory_space<vmem>>[vector<16xi32>], vector<16xf32>,
        %add3A_420 = arith.addf %gather3A_417, %gather3A_419 : vector<16xf32>
        %gather3A_421 = tpu.vector_load_idx %arg15[%add3A_415, %add3A_56] : memref<640x64xf32, #tpu.memory_space<vmem>>[vector<16xi32>, vector<16xi32>], vector<16xf32>,
        %add3A_422 = arith.addi %gather3A_416, %add3A_56 : vector<16xi32>
        %gather3A_423 = tpu.vector_load_idx %arg16[%add3A_422] : memref<25600xf32, #tpu.memory_space<vmem>>[vector<16xi32>], vector<16xf32>,
        %add3A_424 = arith.addf %gather3A_421, %gather3A_423 : vector<16xf32>
        %gather3A_425 = tpu.vector_load_idx %arg15[%add3A_415, %add3A_59] : memref<640x64xf32, #tpu.memory_space<vmem>>[vector<16xi32>, vector<16xi32>], vector<16xf32>,
        %add3A_426 = arith.addi %gather3A_416, %add3A_59 : vector<16xi32>
        %gather3A_427 = tpu.vector_load_idx %arg16[%add3A_426] : memref<25600xf32, #tpu.memory_space<vmem>>[vector<16xi32>], vector<16xf32>,
        %add3A_428 = arith.addf %gather3A_425, %gather3A_427 : vector<16xf32>
        %gather3A_429 = tpu.vector_load_idx %arg15[%add3A_415, %add3A_62] : memref<640x64xf32, #tpu.memory_space<vmem>>[vector<16xi32>, vector<16xi32>], vector<16xf32>,
        %add3A_430 = arith.addi %gather3A_416, %add3A_62 : vector<16xi32>
        %gather3A_431 = tpu.vector_load_idx %arg16[%add3A_430] : memref<25600xf32, #tpu.memory_space<vmem>>[vector<16xi32>], vector<16xf32>,
        %add3A_432 = arith.addf %gather3A_429, %gather3A_431 : vector<16xf32>
        %add3A_433 = arith.addf %add3A_420, %add3A_424 : vector<16xf32>
        %add3A_434 = arith.addf %add3A_428, %add3A_432 : vector<16xf32>
        %add3A_435 = arith.addf %add3A_433, %add3A_434 : vector<16xf32>
        %gather3A_436 = vector.shape_cast %reshape3A : vector<16x1xi32> to vector<16xi32>
        %gather3A_437 = tpu.dynamic_gather %add3A_435[%gather3A_436] in [0] : vector<16xf32>, vector<16xi32> -> vector<16xf32>
        %add3A_438 = arith.addf %add3A_435, %gather3A_437 : vector<16xf32>
        %gather3A_439 = vector.shape_cast %reshape3A_42 : vector<16x1xi32> to vector<16xi32>
        %gather3A_440 = tpu.dynamic_gather %add3A_438[%gather3A_439] in [0] : vector<16xf32>, vector<16xi32> -> vector<16xf32>
        %add3A_441 = arith.addf %add3A_438, %gather3A_440 : vector<16xf32>
        %gather3A_442 = vector.shape_cast %reshape3A_46 : vector<16x1xi32> to vector<16xi32>
        %gather3A_443 = tpu.dynamic_gather %add3A_441[%gather3A_442] in [0] : vector<16xf32>, vector<16xi32> -> vector<16xf32>
        %add3A_444 = arith.addf %add3A_441, %gather3A_443 : vector<16xf32>
        %gather3A_445 = vector.shape_cast %reshape3A_50 : vector<16x1xi32> to vector<16xi32>
        %gather3A_446 = tpu.dynamic_gather %add3A_444[%gather3A_445] in [0] : vector<16xf32>, vector<16xi32> -> vector<16xf32>
        %add3A_447 = arith.addf %add3A_444, %gather3A_446 : vector<16xf32>
        %mul3A_448 = arith.mulf %add3A_420, %add3A_420 : vector<16xf32>
        %mul3A_449 = arith.mulf %add3A_424, %add3A_424 : vector<16xf32>
        %add3A_450 = arith.addf %mul3A_448, %mul3A_449 : vector<16xf32>
        %mul3A_451 = arith.mulf %add3A_428, %add3A_428 : vector<16xf32>
        %mul3A_452 = arith.mulf %add3A_432, %add3A_432 : vector<16xf32>
        %add3A_453 = arith.addf %mul3A_451, %mul3A_452 : vector<16xf32>
        %add3A_454 = arith.addf %add3A_450, %add3A_453 : vector<16xf32>
        %gather3A_455 = vector.shape_cast %reshape3A : vector<16x1xi32> to vector<16xi32>
        %gather3A_456 = tpu.dynamic_gather %add3A_454[%gather3A_455] in [0] : vector<16xf32>, vector<16xi32> -> vector<16xf32>
        %add3A_457 = arith.addf %add3A_454, %gather3A_456 : vector<16xf32>
        %gather3A_458 = vector.shape_cast %reshape3A_42 : vector<16x1xi32> to vector<16xi32>
        %gather3A_459 = tpu.dynamic_gather %add3A_457[%gather3A_458] in [0] : vector<16xf32>, vector<16xi32> -> vector<16xf32>
        %add3A_460 = arith.addf %add3A_457, %gather3A_459 : vector<16xf32>
        %gather3A_461 = vector.shape_cast %reshape3A_46 : vector<16x1xi32> to vector<16xi32>
        %gather3A_462 = tpu.dynamic_gather %add3A_460[%gather3A_461] in [0] : vector<16xf32>, vector<16xi32> -> vector<16xf32>
        %add3A_463 = arith.addf %add3A_460, %gather3A_462 : vector<16xf32>
        %gather3A_464 = vector.shape_cast %reshape3A_50 : vector<16x1xi32> to vector<16xi32>
        %gather3A_465 = tpu.dynamic_gather %add3A_463[%gather3A_464] in [0] : vector<16xf32>, vector<16xi32> -> vector<16xf32>
        %add3A_466 = arith.addf %add3A_463, %gather3A_465 : vector<16xf32>
        %mul3A_467 = arith.constant 1.562500e-02 : f32
        %mul3A_468 = vector.broadcast %mul3A_467 : f32 to vector<16xf32>
        %mul3A_469 = arith.mulf %add3A_447, %mul3A_468 : vector<16xf32>
        %mul3A_470 = arith.constant 1.562500e-02 : f32
        %mul3A_471 = vector.broadcast %mul3A_470 : f32 to vector<16xf32>
        %mul3A_472 = arith.mulf %add3A_466, %mul3A_471 : vector<16xf32>
        %mul3A_473 = arith.mulf %mul3A_469, %mul3A_469 : vector<16xf32>
        %sub3A_474 = arith.subf %mul3A_472, %mul3A_473 : vector<16xf32>
        %add3A_475 = arith.constant 9.99999997E-7 : f32
        %add3A_476 = vector.broadcast %add3A_475 : f32 to vector<16xf32>
        %add3A_477 = arith.addf %sub3A_474, %add3A_476 : vector<16xf32>
        %bitcast_convert_type3A_478 = tpu.bitcast %add3A_477 : vector<16xf32> -> vector<16xi32>
        %broadcast_in_dim3A_479 = arith.constant 1597463007 : i32
        %broadcast_in_dim3A_480 = vector.broadcast %broadcast_in_dim3A_479 : i32 to vector<16xi32>
        %shift_right_logical3A_481 = arith.constant 1 : i32
        %shift_right_logical3A_482 = vector.broadcast %shift_right_logical3A_481 : i32 to vector<16xi32>
        %shift_right_logical3A_483 = arith.shrui %bitcast_convert_type3A_478, %shift_right_logical3A_482 : vector<16xi32>
        %sub3A_484 = arith.subi %broadcast_in_dim3A_480, %shift_right_logical3A_483 : vector<16xi32>
        %bitcast_convert_type3A_485 = tpu.bitcast %sub3A_484 : vector<16xi32> -> vector<16xf32>
        %mul3A_486 = arith.constant 5.000000e-01 : f32
        %mul3A_487 = vector.broadcast %mul3A_486 : f32 to vector<16xf32>
        %mul3A_488 = arith.mulf %add3A_477, %mul3A_487 : vector<16xf32>
        %mul3A_489 = arith.mulf %mul3A_488, %bitcast_convert_type3A_485 : vector<16xf32>
        %mul3A_490 = arith.mulf %mul3A_489, %bitcast_convert_type3A_485 : vector<16xf32>
        %sub3A_491 = arith.constant 1.500000e+00 : f32
        %sub3A_492 = vector.broadcast %sub3A_491 : f32 to vector<16xf32>
        %sub3A_493 = arith.subf %sub3A_492, %mul3A_490 : vector<16xf32>
        %mul3A_494 = arith.mulf %bitcast_convert_type3A_485, %sub3A_493 : vector<16xf32>
        %mul3A_495 = arith.mulf %mul3A_488, %mul3A_494 : vector<16xf32>
        %mul3A_496 = arith.mulf %mul3A_495, %mul3A_494 : vector<16xf32>
        %sub3A_497 = arith.constant 1.500000e+00 : f32
        %sub3A_498 = vector.broadcast %sub3A_497 : f32 to vector<16xf32>
        %sub3A_499 = arith.subf %sub3A_498, %mul3A_496 : vector<16xf32>
        %mul3A_500 = arith.mulf %mul3A_494, %sub3A_499 : vector<16xf32>
        %mul3A_501 = arith.mulf %mul3A_488, %mul3A_500 : vector<16xf32>
        %mul3A_502 = arith.mulf %mul3A_501, %mul3A_500 : vector<16xf32>
        %sub3A_503 = arith.constant 1.500000e+00 : f32
        %sub3A_504 = vector.broadcast %sub3A_503 : f32 to vector<16xf32>
        %sub3A_505 = arith.subf %sub3A_504, %mul3A_502 : vector<16xf32>
        %mul3A_506 = arith.mulf %mul3A_500, %sub3A_505 : vector<16xf32>
        %sub3A_507 = arith.subf %add3A_420, %mul3A_469 : vector<16xf32>
        %mul3A_508 = arith.mulf %sub3A_507, %mul3A_506 : vector<16xf32>
        %mul3A_509 = arith.mulf %mul3A_508, %get3A_19 : vector<16xf32>
        %add3A_510 = arith.addf %mul3A_509, %get3A_27 : vector<16xf32>
        tpu.vector_store_idx %arg15[%add3A_415, %add3A_53], %add3A_510 : memref<640x64xf32, #tpu.memory_space<vmem>>[vector<16xi32>, vector<16xi32>], vector<16xf32>,
        %sub3A_511 = arith.subf %add3A_424, %mul3A_469 : vector<16xf32>
        %mul3A_512 = arith.mulf %sub3A_511, %mul3A_506 : vector<16xf32>
        %mul3A_513 = arith.mulf %mul3A_512, %get3A_21 : vector<16xf32>
        %add3A_514 = arith.addf %mul3A_513, %get3A_29 : vector<16xf32>
        tpu.vector_store_idx %arg15[%add3A_415, %add3A_56], %add3A_514 : memref<640x64xf32, #tpu.memory_space<vmem>>[vector<16xi32>, vector<16xi32>], vector<16xf32>,
        %sub3A_515 = arith.subf %add3A_428, %mul3A_469 : vector<16xf32>
        %mul3A_516 = arith.mulf %sub3A_515, %mul3A_506 : vector<16xf32>
        %mul3A_517 = arith.mulf %mul3A_516, %get3A_23 : vector<16xf32>
        %add3A_518 = arith.addf %mul3A_517, %get3A_31 : vector<16xf32>
        tpu.vector_store_idx %arg15[%add3A_415, %add3A_59], %add3A_518 : memref<640x64xf32, #tpu.memory_space<vmem>>[vector<16xi32>, vector<16xi32>], vector<16xf32>,
        %sub3A_519 = arith.subf %add3A_432, %mul3A_469 : vector<16xf32>
        %mul3A_520 = arith.mulf %sub3A_519, %mul3A_506 : vector<16xf32>
        %mul3A_521 = arith.mulf %mul3A_520, %get3A_25 : vector<16xf32>
        %add3A_522 = arith.addf %mul3A_521, %get3A_33 : vector<16xf32>
        tpu.vector_store_idx %arg15[%add3A_415, %add3A_62], %add3A_522 : memref<640x64xf32, #tpu.memory_space<vmem>>[vector<16xi32>, vector<16xi32>], vector<16xf32>,
        %add3A_523 = arith.constant 2 : i32
        %add3A_524 = vector.broadcast %add3A_523 : i32 to vector<16xi32>
        %add3A_525 = arith.addi %broadcast_in_dim3A_306, %add3A_524 : vector<16xi32>
        %gather3A_526 = tpu.vector_load_idx %arg13[%add3A_525] : memref<640xi32, #tpu.memory_space<vmem>>[vector<16xi32>], vector<16xi32>,
        %gather3A_527 = tpu.vector_load_idx %arg15[%add3A_525, %add3A_53] : memref<640x64xf32, #tpu.memory_space<vmem>>[vector<16xi32>, vector<16xi32>], vector<16xf32>,
        %add3A_528 = arith.addi %gather3A_526, %add3A_53 : vector<16xi32>
        %gather3A_529 = tpu.vector_load_idx %arg16[%add3A_528] : memref<25600xf32, #tpu.memory_space<vmem>>[vector<16xi32>], vector<16xf32>,
        %add3A_530 = arith.addf %gather3A_527, %gather3A_529 : vector<16xf32>
        %gather3A_531 = tpu.vector_load_idx %arg15[%add3A_525, %add3A_56] : memref<640x64xf32, #tpu.memory_space<vmem>>[vector<16xi32>, vector<16xi32>], vector<16xf32>,
        %add3A_532 = arith.addi %gather3A_526, %add3A_56 : vector<16xi32>
        %gather3A_533 = tpu.vector_load_idx %arg16[%add3A_532] : memref<25600xf32, #tpu.memory_space<vmem>>[vector<16xi32>], vector<16xf32>,
        %add3A_534 = arith.addf %gather3A_531, %gather3A_533 : vector<16xf32>
        %gather3A_535 = tpu.vector_load_idx %arg15[%add3A_525, %add3A_59] : memref<640x64xf32, #tpu.memory_space<vmem>>[vector<16xi32>, vector<16xi32>], vector<16xf32>,
        %add3A_536 = arith.addi %gather3A_526, %add3A_59 : vector<16xi32>
        %gather3A_537 = tpu.vector_load_idx %arg16[%add3A_536] : memref<25600xf32, #tpu.memory_space<vmem>>[vector<16xi32>], vector<16xf32>,
        %add3A_538 = arith.addf %gather3A_535, %gather3A_537 : vector<16xf32>
        %gather3A_539 = tpu.vector_load_idx %arg15[%add3A_525, %add3A_62] : memref<640x64xf32, #tpu.memory_space<vmem>>[vector<16xi32>, vector<16xi32>], vector<16xf32>,
        %add3A_540 = arith.addi %gather3A_526, %add3A_62 : vector<16xi32>
        %gather3A_541 = tpu.vector_load_idx %arg16[%add3A_540] : memref<25600xf32, #tpu.memory_space<vmem>>[vector<16xi32>], vector<16xf32>,
        %add3A_542 = arith.addf %gather3A_539, %gather3A_541 : vector<16xf32>
        %add3A_543 = arith.addf %add3A_530, %add3A_534 : vector<16xf32>
        %add3A_544 = arith.addf %add3A_538, %add3A_542 : vector<16xf32>
        %add3A_545 = arith.addf %add3A_543, %add3A_544 : vector<16xf32>
        %gather3A_546 = vector.shape_cast %reshape3A : vector<16x1xi32> to vector<16xi32>
        %gather3A_547 = tpu.dynamic_gather %add3A_545[%gather3A_546] in [0] : vector<16xf32>, vector<16xi32> -> vector<16xf32>
        %add3A_548 = arith.addf %add3A_545, %gather3A_547 : vector<16xf32>
        %gather3A_549 = vector.shape_cast %reshape3A_42 : vector<16x1xi32> to vector<16xi32>
        %gather3A_550 = tpu.dynamic_gather %add3A_548[%gather3A_549] in [0] : vector<16xf32>, vector<16xi32> -> vector<16xf32>
        %add3A_551 = arith.addf %add3A_548, %gather3A_550 : vector<16xf32>
        %gather3A_552 = vector.shape_cast %reshape3A_46 : vector<16x1xi32> to vector<16xi32>
        %gather3A_553 = tpu.dynamic_gather %add3A_551[%gather3A_552] in [0] : vector<16xf32>, vector<16xi32> -> vector<16xf32>
        %add3A_554 = arith.addf %add3A_551, %gather3A_553 : vector<16xf32>
        %gather3A_555 = vector.shape_cast %reshape3A_50 : vector<16x1xi32> to vector<16xi32>
        %gather3A_556 = tpu.dynamic_gather %add3A_554[%gather3A_555] in [0] : vector<16xf32>, vector<16xi32> -> vector<16xf32>
        %add3A_557 = arith.addf %add3A_554, %gather3A_556 : vector<16xf32>
        %mul3A_558 = arith.mulf %add3A_530, %add3A_530 : vector<16xf32>
        %mul3A_559 = arith.mulf %add3A_534, %add3A_534 : vector<16xf32>
        %add3A_560 = arith.addf %mul3A_558, %mul3A_559 : vector<16xf32>
        %mul3A_561 = arith.mulf %add3A_538, %add3A_538 : vector<16xf32>
        %mul3A_562 = arith.mulf %add3A_542, %add3A_542 : vector<16xf32>
        %add3A_563 = arith.addf %mul3A_561, %mul3A_562 : vector<16xf32>
        %add3A_564 = arith.addf %add3A_560, %add3A_563 : vector<16xf32>
        %gather3A_565 = vector.shape_cast %reshape3A : vector<16x1xi32> to vector<16xi32>
        %gather3A_566 = tpu.dynamic_gather %add3A_564[%gather3A_565] in [0] : vector<16xf32>, vector<16xi32> -> vector<16xf32>
        %add3A_567 = arith.addf %add3A_564, %gather3A_566 : vector<16xf32>
        %gather3A_568 = vector.shape_cast %reshape3A_42 : vector<16x1xi32> to vector<16xi32>
        %gather3A_569 = tpu.dynamic_gather %add3A_567[%gather3A_568] in [0] : vector<16xf32>, vector<16xi32> -> vector<16xf32>
        %add3A_570 = arith.addf %add3A_567, %gather3A_569 : vector<16xf32>
        %gather3A_571 = vector.shape_cast %reshape3A_46 : vector<16x1xi32> to vector<16xi32>
        %gather3A_572 = tpu.dynamic_gather %add3A_570[%gather3A_571] in [0] : vector<16xf32>, vector<16xi32> -> vector<16xf32>
        %add3A_573 = arith.addf %add3A_570, %gather3A_572 : vector<16xf32>
        %gather3A_574 = vector.shape_cast %reshape3A_50 : vector<16x1xi32> to vector<16xi32>
        %gather3A_575 = tpu.dynamic_gather %add3A_573[%gather3A_574] in [0] : vector<16xf32>, vector<16xi32> -> vector<16xf32>
        %add3A_576 = arith.addf %add3A_573, %gather3A_575 : vector<16xf32>
        %mul3A_577 = arith.constant 1.562500e-02 : f32
        %mul3A_578 = vector.broadcast %mul3A_577 : f32 to vector<16xf32>
        %mul3A_579 = arith.mulf %add3A_557, %mul3A_578 : vector<16xf32>
        %mul3A_580 = arith.constant 1.562500e-02 : f32
        %mul3A_581 = vector.broadcast %mul3A_580 : f32 to vector<16xf32>
        %mul3A_582 = arith.mulf %add3A_576, %mul3A_581 : vector<16xf32>
        %mul3A_583 = arith.mulf %mul3A_579, %mul3A_579 : vector<16xf32>
        %sub3A_584 = arith.subf %mul3A_582, %mul3A_583 : vector<16xf32>
        %add3A_585 = arith.constant 9.99999997E-7 : f32
        %add3A_586 = vector.broadcast %add3A_585 : f32 to vector<16xf32>
        %add3A_587 = arith.addf %sub3A_584, %add3A_586 : vector<16xf32>
        %bitcast_convert_type3A_588 = tpu.bitcast %add3A_587 : vector<16xf32> -> vector<16xi32>
        %broadcast_in_dim3A_589 = arith.constant 1597463007 : i32
        %broadcast_in_dim3A_590 = vector.broadcast %broadcast_in_dim3A_589 : i32 to vector<16xi32>
        %shift_right_logical3A_591 = arith.constant 1 : i32
        %shift_right_logical3A_592 = vector.broadcast %shift_right_logical3A_591 : i32 to vector<16xi32>
        %shift_right_logical3A_593 = arith.shrui %bitcast_convert_type3A_588, %shift_right_logical3A_592 : vector<16xi32>
        %sub3A_594 = arith.subi %broadcast_in_dim3A_590, %shift_right_logical3A_593 : vector<16xi32>
        %bitcast_convert_type3A_595 = tpu.bitcast %sub3A_594 : vector<16xi32> -> vector<16xf32>
        %mul3A_596 = arith.constant 5.000000e-01 : f32
        %mul3A_597 = vector.broadcast %mul3A_596 : f32 to vector<16xf32>
        %mul3A_598 = arith.mulf %add3A_587, %mul3A_597 : vector<16xf32>
        %mul3A_599 = arith.mulf %mul3A_598, %bitcast_convert_type3A_595 : vector<16xf32>
        %mul3A_600 = arith.mulf %mul3A_599, %bitcast_convert_type3A_595 : vector<16xf32>
        %sub3A_601 = arith.constant 1.500000e+00 : f32
        %sub3A_602 = vector.broadcast %sub3A_601 : f32 to vector<16xf32>
        %sub3A_603 = arith.subf %sub3A_602, %mul3A_600 : vector<16xf32>
        %mul3A_604 = arith.mulf %bitcast_convert_type3A_595, %sub3A_603 : vector<16xf32>
        %mul3A_605 = arith.mulf %mul3A_598, %mul3A_604 : vector<16xf32>
        %mul3A_606 = arith.mulf %mul3A_605, %mul3A_604 : vector<16xf32>
        %sub3A_607 = arith.constant 1.500000e+00 : f32
        %sub3A_608 = vector.broadcast %sub3A_607 : f32 to vector<16xf32>
        %sub3A_609 = arith.subf %sub3A_608, %mul3A_606 : vector<16xf32>
        %mul3A_610 = arith.mulf %mul3A_604, %sub3A_609 : vector<16xf32>
        %mul3A_611 = arith.mulf %mul3A_598, %mul3A_610 : vector<16xf32>
        %mul3A_612 = arith.mulf %mul3A_611, %mul3A_610 : vector<16xf32>
        %sub3A_613 = arith.constant 1.500000e+00 : f32
        %sub3A_614 = vector.broadcast %sub3A_613 : f32 to vector<16xf32>
        %sub3A_615 = arith.subf %sub3A_614, %mul3A_612 : vector<16xf32>
        %mul3A_616 = arith.mulf %mul3A_610, %sub3A_615 : vector<16xf32>
        %sub3A_617 = arith.subf %add3A_530, %mul3A_579 : vector<16xf32>
        %mul3A_618 = arith.mulf %sub3A_617, %mul3A_616 : vector<16xf32>
        %mul3A_619 = arith.mulf %mul3A_618, %get3A_19 : vector<16xf32>
        %add3A_620 = arith.addf %mul3A_619, %get3A_27 : vector<16xf32>
        tpu.vector_store_idx %arg15[%add3A_525, %add3A_53], %add3A_620 : memref<640x64xf32, #tpu.memory_space<vmem>>[vector<16xi32>, vector<16xi32>], vector<16xf32>,
        %sub3A_621 = arith.subf %add3A_534, %mul3A_579 : vector<16xf32>
        %mul3A_622 = arith.mulf %sub3A_621, %mul3A_616 : vector<16xf32>
        %mul3A_623 = arith.mulf %mul3A_622, %get3A_21 : vector<16xf32>
        %add3A_624 = arith.addf %mul3A_623, %get3A_29 : vector<16xf32>
        tpu.vector_store_idx %arg15[%add3A_525, %add3A_56], %add3A_624 : memref<640x64xf32, #tpu.memory_space<vmem>>[vector<16xi32>, vector<16xi32>], vector<16xf32>,
        %sub3A_625 = arith.subf %add3A_538, %mul3A_579 : vector<16xf32>
        %mul3A_626 = arith.mulf %sub3A_625, %mul3A_616 : vector<16xf32>
        %mul3A_627 = arith.mulf %mul3A_626, %get3A_23 : vector<16xf32>
        %add3A_628 = arith.addf %mul3A_627, %get3A_31 : vector<16xf32>
        tpu.vector_store_idx %arg15[%add3A_525, %add3A_59], %add3A_628 : memref<640x64xf32, #tpu.memory_space<vmem>>[vector<16xi32>, vector<16xi32>], vector<16xf32>,
        %sub3A_629 = arith.subf %add3A_542, %mul3A_579 : vector<16xf32>
        %mul3A_630 = arith.mulf %sub3A_629, %mul3A_616 : vector<16xf32>
        %mul3A_631 = arith.mulf %mul3A_630, %get3A_25 : vector<16xf32>
        %add3A_632 = arith.addf %mul3A_631, %get3A_33 : vector<16xf32>
        tpu.vector_store_idx %arg15[%add3A_525, %add3A_62], %add3A_632 : memref<640x64xf32, #tpu.memory_space<vmem>>[vector<16xi32>, vector<16xi32>], vector<16xf32>,
        %add3A_633 = arith.constant 3 : i32
        %add3A_634 = vector.broadcast %add3A_633 : i32 to vector<16xi32>
        %add3A_635 = arith.addi %broadcast_in_dim3A_306, %add3A_634 : vector<16xi32>
        %gather3A_636 = tpu.vector_load_idx %arg13[%add3A_635] : memref<640xi32, #tpu.memory_space<vmem>>[vector<16xi32>], vector<16xi32>,
        %gather3A_637 = tpu.vector_load_idx %arg15[%add3A_635, %add3A_53] : memref<640x64xf32, #tpu.memory_space<vmem>>[vector<16xi32>, vector<16xi32>], vector<16xf32>,
        %add3A_638 = arith.addi %gather3A_636, %add3A_53 : vector<16xi32>
        %gather3A_639 = tpu.vector_load_idx %arg16[%add3A_638] : memref<25600xf32, #tpu.memory_space<vmem>>[vector<16xi32>], vector<16xf32>,
        %add3A_640 = arith.addf %gather3A_637, %gather3A_639 : vector<16xf32>
        %gather3A_641 = tpu.vector_load_idx %arg15[%add3A_635, %add3A_56] : memref<640x64xf32, #tpu.memory_space<vmem>>[vector<16xi32>, vector<16xi32>], vector<16xf32>,
        %add3A_642 = arith.addi %gather3A_636, %add3A_56 : vector<16xi32>
        %gather3A_643 = tpu.vector_load_idx %arg16[%add3A_642] : memref<25600xf32, #tpu.memory_space<vmem>>[vector<16xi32>], vector<16xf32>,
        %add3A_644 = arith.addf %gather3A_641, %gather3A_643 : vector<16xf32>
        %gather3A_645 = tpu.vector_load_idx %arg15[%add3A_635, %add3A_59] : memref<640x64xf32, #tpu.memory_space<vmem>>[vector<16xi32>, vector<16xi32>], vector<16xf32>,
        %add3A_646 = arith.addi %gather3A_636, %add3A_59 : vector<16xi32>
        %gather3A_647 = tpu.vector_load_idx %arg16[%add3A_646] : memref<25600xf32, #tpu.memory_space<vmem>>[vector<16xi32>], vector<16xf32>,
        %add3A_648 = arith.addf %gather3A_645, %gather3A_647 : vector<16xf32>
        %gather3A_649 = tpu.vector_load_idx %arg15[%add3A_635, %add3A_62] : memref<640x64xf32, #tpu.memory_space<vmem>>[vector<16xi32>, vector<16xi32>], vector<16xf32>,
        %add3A_650 = arith.addi %gather3A_636, %add3A_62 : vector<16xi32>
        %gather3A_651 = tpu.vector_load_idx %arg16[%add3A_650] : memref<25600xf32, #tpu.memory_space<vmem>>[vector<16xi32>], vector<16xf32>,
        %add3A_652 = arith.addf %gather3A_649, %gather3A_651 : vector<16xf32>
        %add3A_653 = arith.addf %add3A_640, %add3A_644 : vector<16xf32>
        %add3A_654 = arith.addf %add3A_648, %add3A_652 : vector<16xf32>
        %add3A_655 = arith.addf %add3A_653, %add3A_654 : vector<16xf32>
        %gather3A_656 = vector.shape_cast %reshape3A : vector<16x1xi32> to vector<16xi32>
        %gather3A_657 = tpu.dynamic_gather %add3A_655[%gather3A_656] in [0] : vector<16xf32>, vector<16xi32> -> vector<16xf32>
        %add3A_658 = arith.addf %add3A_655, %gather3A_657 : vector<16xf32>
        %gather3A_659 = vector.shape_cast %reshape3A_42 : vector<16x1xi32> to vector<16xi32>
        %gather3A_660 = tpu.dynamic_gather %add3A_658[%gather3A_659] in [0] : vector<16xf32>, vector<16xi32> -> vector<16xf32>
        %add3A_661 = arith.addf %add3A_658, %gather3A_660 : vector<16xf32>
        %gather3A_662 = vector.shape_cast %reshape3A_46 : vector<16x1xi32> to vector<16xi32>
        %gather3A_663 = tpu.dynamic_gather %add3A_661[%gather3A_662] in [0] : vector<16xf32>, vector<16xi32> -> vector<16xf32>
        %add3A_664 = arith.addf %add3A_661, %gather3A_663 : vector<16xf32>
        %gather3A_665 = vector.shape_cast %reshape3A_50 : vector<16x1xi32> to vector<16xi32>
        %gather3A_666 = tpu.dynamic_gather %add3A_664[%gather3A_665] in [0] : vector<16xf32>, vector<16xi32> -> vector<16xf32>
        %add3A_667 = arith.addf %add3A_664, %gather3A_666 : vector<16xf32>
        %mul3A_668 = arith.mulf %add3A_640, %add3A_640 : vector<16xf32>
        %mul3A_669 = arith.mulf %add3A_644, %add3A_644 : vector<16xf32>
        %add3A_670 = arith.addf %mul3A_668, %mul3A_669 : vector<16xf32>
        %mul3A_671 = arith.mulf %add3A_648, %add3A_648 : vector<16xf32>
        %mul3A_672 = arith.mulf %add3A_652, %add3A_652 : vector<16xf32>
        %add3A_673 = arith.addf %mul3A_671, %mul3A_672 : vector<16xf32>
        %add3A_674 = arith.addf %add3A_670, %add3A_673 : vector<16xf32>
        %gather3A_675 = vector.shape_cast %reshape3A : vector<16x1xi32> to vector<16xi32>
        %gather3A_676 = tpu.dynamic_gather %add3A_674[%gather3A_675] in [0] : vector<16xf32>, vector<16xi32> -> vector<16xf32>
        %add3A_677 = arith.addf %add3A_674, %gather3A_676 : vector<16xf32>
        %gather3A_678 = vector.shape_cast %reshape3A_42 : vector<16x1xi32> to vector<16xi32>
        %gather3A_679 = tpu.dynamic_gather %add3A_677[%gather3A_678] in [0] : vector<16xf32>, vector<16xi32> -> vector<16xf32>
        %add3A_680 = arith.addf %add3A_677, %gather3A_679 : vector<16xf32>
        %gather3A_681 = vector.shape_cast %reshape3A_46 : vector<16x1xi32> to vector<16xi32>
        %gather3A_682 = tpu.dynamic_gather %add3A_680[%gather3A_681] in [0] : vector<16xf32>, vector<16xi32> -> vector<16xf32>
        %add3A_683 = arith.addf %add3A_680, %gather3A_682 : vector<16xf32>
        %gather3A_684 = vector.shape_cast %reshape3A_50 : vector<16x1xi32> to vector<16xi32>
        %gather3A_685 = tpu.dynamic_gather %add3A_683[%gather3A_684] in [0] : vector<16xf32>, vector<16xi32> -> vector<16xf32>
        %add3A_686 = arith.addf %add3A_683, %gather3A_685 : vector<16xf32>
        %mul3A_687 = arith.constant 1.562500e-02 : f32
        %mul3A_688 = vector.broadcast %mul3A_687 : f32 to vector<16xf32>
        %mul3A_689 = arith.mulf %add3A_667, %mul3A_688 : vector<16xf32>
        %mul3A_690 = arith.constant 1.562500e-02 : f32
        %mul3A_691 = vector.broadcast %mul3A_690 : f32 to vector<16xf32>
        %mul3A_692 = arith.mulf %add3A_686, %mul3A_691 : vector<16xf32>
        %mul3A_693 = arith.mulf %mul3A_689, %mul3A_689 : vector<16xf32>
        %sub3A_694 = arith.subf %mul3A_692, %mul3A_693 : vector<16xf32>
        %add3A_695 = arith.constant 9.99999997E-7 : f32
        %add3A_696 = vector.broadcast %add3A_695 : f32 to vector<16xf32>
        %add3A_697 = arith.addf %sub3A_694, %add3A_696 : vector<16xf32>
        %bitcast_convert_type3A_698 = tpu.bitcast %add3A_697 : vector<16xf32> -> vector<16xi32>
        %broadcast_in_dim3A_699 = arith.constant 1597463007 : i32
        %broadcast_in_dim3A_700 = vector.broadcast %broadcast_in_dim3A_699 : i32 to vector<16xi32>
        %shift_right_logical3A_701 = arith.constant 1 : i32
        %shift_right_logical3A_702 = vector.broadcast %shift_right_logical3A_701 : i32 to vector<16xi32>
        %shift_right_logical3A_703 = arith.shrui %bitcast_convert_type3A_698, %shift_right_logical3A_702 : vector<16xi32>
        %sub3A_704 = arith.subi %broadcast_in_dim3A_700, %shift_right_logical3A_703 : vector<16xi32>
        %bitcast_convert_type3A_705 = tpu.bitcast %sub3A_704 : vector<16xi32> -> vector<16xf32>
        %mul3A_706 = arith.constant 5.000000e-01 : f32
        %mul3A_707 = vector.broadcast %mul3A_706 : f32 to vector<16xf32>
        %mul3A_708 = arith.mulf %add3A_697, %mul3A_707 : vector<16xf32>
        %mul3A_709 = arith.mulf %mul3A_708, %bitcast_convert_type3A_705 : vector<16xf32>
        %mul3A_710 = arith.mulf %mul3A_709, %bitcast_convert_type3A_705 : vector<16xf32>
        %sub3A_711 = arith.constant 1.500000e+00 : f32
        %sub3A_712 = vector.broadcast %sub3A_711 : f32 to vector<16xf32>
        %sub3A_713 = arith.subf %sub3A_712, %mul3A_710 : vector<16xf32>
        %mul3A_714 = arith.mulf %bitcast_convert_type3A_705, %sub3A_713 : vector<16xf32>
        %mul3A_715 = arith.mulf %mul3A_708, %mul3A_714 : vector<16xf32>
        %mul3A_716 = arith.mulf %mul3A_715, %mul3A_714 : vector<16xf32>
        %sub3A_717 = arith.constant 1.500000e+00 : f32
        %sub3A_718 = vector.broadcast %sub3A_717 : f32 to vector<16xf32>
        %sub3A_719 = arith.subf %sub3A_718, %mul3A_716 : vector<16xf32>
        %mul3A_720 = arith.mulf %mul3A_714, %sub3A_719 : vector<16xf32>
        %mul3A_721 = arith.mulf %mul3A_708, %mul3A_720 : vector<16xf32>
        %mul3A_722 = arith.mulf %mul3A_721, %mul3A_720 : vector<16xf32>
        %sub3A_723 = arith.constant 1.500000e+00 : f32
        %sub3A_724 = vector.broadcast %sub3A_723 : f32 to vector<16xf32>
        %sub3A_725 = arith.subf %sub3A_724, %mul3A_722 : vector<16xf32>
        %mul3A_726 = arith.mulf %mul3A_720, %sub3A_725 : vector<16xf32>
        %sub3A_727 = arith.subf %add3A_640, %mul3A_689 : vector<16xf32>
        %mul3A_728 = arith.mulf %sub3A_727, %mul3A_726 : vector<16xf32>
        %mul3A_729 = arith.mulf %mul3A_728, %get3A_19 : vector<16xf32>
        %add3A_730 = arith.addf %mul3A_729, %get3A_27 : vector<16xf32>
        tpu.vector_store_idx %arg15[%add3A_635, %add3A_53], %add3A_730 : memref<640x64xf32, #tpu.memory_space<vmem>>[vector<16xi32>, vector<16xi32>], vector<16xf32>,
        %sub3A_731 = arith.subf %add3A_644, %mul3A_689 : vector<16xf32>
        %mul3A_732 = arith.mulf %sub3A_731, %mul3A_726 : vector<16xf32>
        %mul3A_733 = arith.mulf %mul3A_732, %get3A_21 : vector<16xf32>
        %add3A_734 = arith.addf %mul3A_733, %get3A_29 : vector<16xf32>
        tpu.vector_store_idx %arg15[%add3A_635, %add3A_56], %add3A_734 : memref<640x64xf32, #tpu.memory_space<vmem>>[vector<16xi32>, vector<16xi32>], vector<16xf32>,
        %sub3A_735 = arith.subf %add3A_648, %mul3A_689 : vector<16xf32>
        %mul3A_736 = arith.mulf %sub3A_735, %mul3A_726 : vector<16xf32>
        %mul3A_737 = arith.mulf %mul3A_736, %get3A_23 : vector<16xf32>
        %add3A_738 = arith.addf %mul3A_737, %get3A_31 : vector<16xf32>
        tpu.vector_store_idx %arg15[%add3A_635, %add3A_59], %add3A_738 : memref<640x64xf32, #tpu.memory_space<vmem>>[vector<16xi32>, vector<16xi32>], vector<16xf32>,
        %sub3A_739 = arith.subf %add3A_652, %mul3A_689 : vector<16xf32>
        %mul3A_740 = arith.mulf %sub3A_739, %mul3A_726 : vector<16xf32>
        %mul3A_741 = arith.mulf %mul3A_740, %get3A_25 : vector<16xf32>
        %add3A_742 = arith.addf %mul3A_741, %get3A_33 : vector<16xf32>
        tpu.vector_store_idx %arg15[%add3A_635, %add3A_62], %add3A_742 : memref<640x64xf32, #tpu.memory_space<vmem>>[vector<16xi32>, vector<16xi32>], vector<16xf32>,
      }
      %scan3A_272 = arith.constant 160 : i32
      %add3A_273 = arith.constant 1 : i32
      %add3A_274 = arith.addi %mul3A_150, %add3A_273 : i32
      %mul3A_275 = arith.constant 640 : i32
      %mul3A_276 = arith.muli %add3A_274, %mul3A_275 : i32
      %add3A_277 = arith.addi %mul3A_2, %mul3A_276 : i32
      %multiple_of3A_278 = tpu.assume_multiple %add3A_277, 128 : i32
      %dma_start3A_279 = arith.constant 0 : i32
      %dma_start3A_280 = tpu.memref_slice %arg9[%multiple_of3A_278, %dma_start3A_279] : memref<204800x64xf32, #tpu.memory_space<hbm>> -> memref<640x64xf32, #tpu.memory_space<hbm>>
      %dma_start3A_281 = arith.constant 0 : i32
      %dma_start3A_282 = tpu.memref_slice %arg9[%multiple_of3A_278, %dma_start3A_281] : memref<204800x64xf32, #tpu.memory_space<hbm>> -> memref<640x64xf32, #tpu.memory_space<hbm>>
      tpu.enqueue_dma source(%arg15 : memref<640x64xf32, #tpu.memory_space<vmem>>) target(%dma_start3A_282 : memref<640x64xf32, #tpu.memory_space<hbm>>) target_semaphore(%arg23 : memref<!tpu.dma_semaphore, #tpu.memory_space<semaphore_mem>>)
      %mul3A_283 = arith.constant 640 : i32
      %mul3A_284 = arith.muli %mul3A_150, %mul3A_283 : i32
      %add3A_285 = arith.addi %mul3A_2, %mul3A_284 : i32
      %multiple_of3A_286 = tpu.assume_multiple %add3A_285, 128 : i32
      %dma_wait3A_287 = arith.constant 0 : i32
      %dma_wait3A_288 = tpu.memref_slice %arg9[%multiple_of3A_286, %dma_wait3A_287] : memref<204800x64xf32, #tpu.memory_space<hbm>> -> memref<640x64xf32, #tpu.memory_space<hbm>>
      %dma_wait3A_289 = arith.constant 0 : i32
      %dma_wait3A_290 = tpu.memref_slice %arg9[%multiple_of3A_286, %dma_wait3A_289] : memref<204800x64xf32, #tpu.memory_space<hbm>> -> memref<640x64xf32, #tpu.memory_space<hbm>>
      tpu.wait_dma2 semaphore(%arg22 : memref<!tpu.dma_semaphore, #tpu.memory_space<semaphore_mem>>) src(%arg14 : memref<640x64xf32, #tpu.memory_space<vmem>>) dst(%dma_wait3A_290 : memref<640x64xf32, #tpu.memory_space<hbm>>)
      %lt3A = arith.constant 4 : i32
      %lt3A_291 = arith.cmpi slt, %scan3A_148, %lt3A : i32
      %convert_element_type3A = arith.extui %lt3A_291 : i1 to i32
      %cond3A = arith.constant 0 : i32
      %cond3A_292 = arith.cmpi ne, %convert_element_type3A, %cond3A : i32
      scf.if %cond3A_292 {
        %add3A_303 = arith.constant 2 : i32
        %add3A_304 = arith.addi %mul3A_150, %add3A_303 : i32
        %mul3A_305 = arith.constant 640 : i32
        %mul3A_306 = arith.muli %add3A_304, %mul3A_305 : i32
        %add3A_307 = arith.addi %mul3A_2, %mul3A_306 : i32
        %multiple_of3A_308 = tpu.assume_multiple %add3A_307, 128 : i32
        "tpu.region"() ({
          %run_scoped3A = tpu.sem_alloc : memref<!tpu.dma_semaphore, #tpu.memory_space<semaphore_mem>>
          %dma_start3A_389 = tpu.memref_slice %arg2[%multiple_of3A_308] : memref<204800xi32, #tpu.memory_space<hbm>> -> memref<640xi32, #tpu.memory_space<hbm>>
          %dma_start3A_390 = tpu.memref_slice %arg2[%multiple_of3A_308] : memref<204800xi32, #tpu.memory_space<hbm>> -> memref<640xi32, #tpu.memory_space<hbm>>
          tpu.enqueue_dma source(%dma_start3A_390 : memref<640xi32, #tpu.memory_space<hbm>>) target(%arg10 : memref<640xi32, #tpu.memory_space<vmem>>) target_semaphore(%run_scoped3A : memref<!tpu.dma_semaphore, #tpu.memory_space<semaphore_mem>>)
          %dma_wait3A_391 = tpu.memref_slice %arg2[%multiple_of3A_308] : memref<204800xi32, #tpu.memory_space<hbm>> -> memref<640xi32, #tpu.memory_space<hbm>>
          %dma_wait3A_392 = tpu.memref_slice %arg2[%multiple_of3A_308] : memref<204800xi32, #tpu.memory_space<hbm>> -> memref<640xi32, #tpu.memory_space<hbm>>
          tpu.wait_dma2 semaphore(%run_scoped3A : memref<!tpu.dma_semaphore, #tpu.memory_space<semaphore_mem>>) src(%dma_wait3A_392 : memref<640xi32, #tpu.memory_space<hbm>>) dst(%arg10 : memref<640xi32, #tpu.memory_space<vmem>>)
          tpu.yield
        }) : () -> ()
        "tpu.region"() ({
          %run_scoped3A = tpu.sem_alloc : memref<!tpu.dma_semaphore, #tpu.memory_space<semaphore_mem>>
          %dma_start3A_389 = tpu.memref_slice %arg3[%multiple_of3A_308] : memref<204800xi32, #tpu.memory_space<hbm>> -> memref<640xi32, #tpu.memory_space<hbm>>
          %dma_start3A_390 = tpu.memref_slice %arg3[%multiple_of3A_308] : memref<204800xi32, #tpu.memory_space<hbm>> -> memref<640xi32, #tpu.memory_space<hbm>>
          tpu.enqueue_dma source(%dma_start3A_390 : memref<640xi32, #tpu.memory_space<hbm>>) target(%arg12 : memref<640xi32, #tpu.memory_space<vmem>>) target_semaphore(%run_scoped3A : memref<!tpu.dma_semaphore, #tpu.memory_space<semaphore_mem>>)
          %dma_wait3A_391 = tpu.memref_slice %arg3[%multiple_of3A_308] : memref<204800xi32, #tpu.memory_space<hbm>> -> memref<640xi32, #tpu.memory_space<hbm>>
          %dma_wait3A_392 = tpu.memref_slice %arg3[%multiple_of3A_308] : memref<204800xi32, #tpu.memory_space<hbm>> -> memref<640xi32, #tpu.memory_space<hbm>>
          tpu.wait_dma2 semaphore(%run_scoped3A : memref<!tpu.dma_semaphore, #tpu.memory_space<semaphore_mem>>) src(%dma_wait3A_392 : memref<640xi32, #tpu.memory_space<hbm>>) dst(%arg12 : memref<640xi32, #tpu.memory_space<vmem>>)
          tpu.yield
        }) : () -> ()
        %dma_start3A_309 = arith.constant 0 : i32
        %dma_start3A_310 = arith.constant 0 : i32
        %dma_start3A_311 = tpu.memref_slice %arg14[%dma_start3A_309, %dma_start3A_310] : memref<640x64xf32, #tpu.memory_space<vmem>> -> memref<128x64xf32, #tpu.memory_space<vmem>>
        %dma_start3A_312 = arith.constant 0 : i32
        %dma_start3A_313 = tpu.memref_slice %arg10[%dma_start3A_312] : memref<640xi32, #tpu.memory_space<vmem>> -> memref<128xi32, #tpu.memory_space<vmem>>
        %dma_start3A_314 = arith.constant 0 : i32
        %dma_start3A_315 = arith.constant 0 : i32
        %dma_start3A_316 = tpu.memref_slice %arg4[%dma_start3A_314, %dma_start3A_315] : memref<1000000x64xf32, #tpu.memory_space<hbm>> -> memref<1000000x64xf32, #tpu.memory_space<hbm>>
        tpu.enqueue_indirect_dma source(%dma_start3A_316 : memref<1000000x64xf32, #tpu.memory_space<hbm>>) target(%dma_start3A_311 : memref<128x64xf32, #tpu.memory_space<vmem>>) offsets(%dma_start3A_313 : memref<128xi32, #tpu.memory_space<vmem>>) semaphore(%arg20 : memref<!tpu.dma_semaphore, #tpu.memory_space<semaphore_mem>>)
        %dma_start3A_317 = arith.constant 128 : i32
        %dma_start3A_318 = arith.constant 0 : i32
        %dma_start3A_319 = tpu.memref_slice %arg14[%dma_start3A_317, %dma_start3A_318] : memref<640x64xf32, #tpu.memory_space<vmem>> -> memref<128x64xf32, #tpu.memory_space<vmem>>
        %dma_start3A_320 = arith.constant 128 : i32
        %dma_start3A_321 = tpu.memref_slice %arg10[%dma_start3A_320] : memref<640xi32, #tpu.memory_space<vmem>> -> memref<128xi32, #tpu.memory_space<vmem>>
        %dma_start3A_322 = arith.constant 0 : i32
        %dma_start3A_323 = arith.constant 0 : i32
        %dma_start3A_324 = tpu.memref_slice %arg4[%dma_start3A_322, %dma_start3A_323] : memref<1000000x64xf32, #tpu.memory_space<hbm>> -> memref<1000000x64xf32, #tpu.memory_space<hbm>>
        tpu.enqueue_indirect_dma source(%dma_start3A_324 : memref<1000000x64xf32, #tpu.memory_space<hbm>>) target(%dma_start3A_319 : memref<128x64xf32, #tpu.memory_space<vmem>>) offsets(%dma_start3A_321 : memref<128xi32, #tpu.memory_space<vmem>>) semaphore(%arg20 : memref<!tpu.dma_semaphore, #tpu.memory_space<semaphore_mem>>)
        %dma_start3A_325 = arith.constant 256 : i32
        %dma_start3A_326 = arith.constant 0 : i32
        %dma_start3A_327 = tpu.memref_slice %arg14[%dma_start3A_325, %dma_start3A_326] : memref<640x64xf32, #tpu.memory_space<vmem>> -> memref<128x64xf32, #tpu.memory_space<vmem>>
        %dma_start3A_328 = arith.constant 256 : i32
        %dma_start3A_329 = tpu.memref_slice %arg10[%dma_start3A_328] : memref<640xi32, #tpu.memory_space<vmem>> -> memref<128xi32, #tpu.memory_space<vmem>>
        %dma_start3A_330 = arith.constant 0 : i32
        %dma_start3A_331 = arith.constant 0 : i32
        %dma_start3A_332 = tpu.memref_slice %arg4[%dma_start3A_330, %dma_start3A_331] : memref<1000000x64xf32, #tpu.memory_space<hbm>> -> memref<1000000x64xf32, #tpu.memory_space<hbm>>
        tpu.enqueue_indirect_dma source(%dma_start3A_332 : memref<1000000x64xf32, #tpu.memory_space<hbm>>) target(%dma_start3A_327 : memref<128x64xf32, #tpu.memory_space<vmem>>) offsets(%dma_start3A_329 : memref<128xi32, #tpu.memory_space<vmem>>) semaphore(%arg20 : memref<!tpu.dma_semaphore, #tpu.memory_space<semaphore_mem>>)
        %dma_start3A_333 = arith.constant 384 : i32
        %dma_start3A_334 = arith.constant 0 : i32
        %dma_start3A_335 = tpu.memref_slice %arg14[%dma_start3A_333, %dma_start3A_334] : memref<640x64xf32, #tpu.memory_space<vmem>> -> memref<128x64xf32, #tpu.memory_space<vmem>>
        %dma_start3A_336 = arith.constant 384 : i32
        %dma_start3A_337 = tpu.memref_slice %arg10[%dma_start3A_336] : memref<640xi32, #tpu.memory_space<vmem>> -> memref<128xi32, #tpu.memory_space<vmem>>
        %dma_start3A_338 = arith.constant 0 : i32
        %dma_start3A_339 = arith.constant 0 : i32
        %dma_start3A_340 = tpu.memref_slice %arg4[%dma_start3A_338, %dma_start3A_339] : memref<1000000x64xf32, #tpu.memory_space<hbm>> -> memref<1000000x64xf32, #tpu.memory_space<hbm>>
        tpu.enqueue_indirect_dma source(%dma_start3A_340 : memref<1000000x64xf32, #tpu.memory_space<hbm>>) target(%dma_start3A_335 : memref<128x64xf32, #tpu.memory_space<vmem>>) offsets(%dma_start3A_337 : memref<128xi32, #tpu.memory_space<vmem>>) semaphore(%arg20 : memref<!tpu.dma_semaphore, #tpu.memory_space<semaphore_mem>>)
        %dma_start3A_341 = arith.constant 512 : i32
        %dma_start3A_342 = arith.constant 0 : i32
        %dma_start3A_343 = tpu.memref_slice %arg14[%dma_start3A_341, %dma_start3A_342] : memref<640x64xf32, #tpu.memory_space<vmem>> -> memref<128x64xf32, #tpu.memory_space<vmem>>
        %dma_start3A_344 = arith.constant 512 : i32
        %dma_start3A_345 = tpu.memref_slice %arg10[%dma_start3A_344] : memref<640xi32, #tpu.memory_space<vmem>> -> memref<128xi32, #tpu.memory_space<vmem>>
        %dma_start3A_346 = arith.constant 0 : i32
        %dma_start3A_347 = arith.constant 0 : i32
        %dma_start3A_348 = tpu.memref_slice %arg4[%dma_start3A_346, %dma_start3A_347] : memref<1000000x64xf32, #tpu.memory_space<hbm>> -> memref<1000000x64xf32, #tpu.memory_space<hbm>>
        tpu.enqueue_indirect_dma source(%dma_start3A_348 : memref<1000000x64xf32, #tpu.memory_space<hbm>>) target(%dma_start3A_343 : memref<128x64xf32, #tpu.memory_space<vmem>>) offsets(%dma_start3A_345 : memref<128xi32, #tpu.memory_space<vmem>>) semaphore(%arg20 : memref<!tpu.dma_semaphore, #tpu.memory_space<semaphore_mem>>)
        %dma_wait3A_349 = arith.constant 0 : i32
        %dma_wait3A_350 = arith.constant 0 : i32
        %dma_wait3A_351 = tpu.memref_slice %arg14[%dma_wait3A_349, %dma_wait3A_350] : memref<640x64xf32, #tpu.memory_space<vmem>> -> memref<128x64xf32, #tpu.memory_space<vmem>>
        %dma_wait3A_352 = arith.constant 0 : i32
        %dma_wait3A_353 = tpu.memref_slice %arg10[%dma_wait3A_352] : memref<640xi32, #tpu.memory_space<vmem>> -> memref<128xi32, #tpu.memory_space<vmem>>
        %dma_wait3A_354 = arith.constant 0 : i32
        %dma_wait3A_355 = arith.constant 0 : i32
        %dma_wait3A_356 = tpu.memref_slice %arg4[%dma_wait3A_354, %dma_wait3A_355] : memref<1000000x64xf32, #tpu.memory_space<hbm>> -> memref<1000000x64xf32, #tpu.memory_space<hbm>>
        tpu.wait_indirect_dma semaphore(%arg20 : memref<!tpu.dma_semaphore, #tpu.memory_space<semaphore_mem>>) src(%dma_wait3A_356 : memref<1000000x64xf32, #tpu.memory_space<hbm>>) dst(%dma_wait3A_351 : memref<128x64xf32, #tpu.memory_space<vmem>>)
        %dma_wait3A_357 = arith.constant 128 : i32
        %dma_wait3A_358 = arith.constant 0 : i32
        %dma_wait3A_359 = tpu.memref_slice %arg14[%dma_wait3A_357, %dma_wait3A_358] : memref<640x64xf32, #tpu.memory_space<vmem>> -> memref<128x64xf32, #tpu.memory_space<vmem>>
        %dma_wait3A_360 = arith.constant 128 : i32
        %dma_wait3A_361 = tpu.memref_slice %arg10[%dma_wait3A_360] : memref<640xi32, #tpu.memory_space<vmem>> -> memref<128xi32, #tpu.memory_space<vmem>>
        %dma_wait3A_362 = arith.constant 0 : i32
        %dma_wait3A_363 = arith.constant 0 : i32
        %dma_wait3A_364 = tpu.memref_slice %arg4[%dma_wait3A_362, %dma_wait3A_363] : memref<1000000x64xf32, #tpu.memory_space<hbm>> -> memref<1000000x64xf32, #tpu.memory_space<hbm>>
        tpu.wait_indirect_dma semaphore(%arg20 : memref<!tpu.dma_semaphore, #tpu.memory_space<semaphore_mem>>) src(%dma_wait3A_364 : memref<1000000x64xf32, #tpu.memory_space<hbm>>) dst(%dma_wait3A_359 : memref<128x64xf32, #tpu.memory_space<vmem>>)
        %dma_wait3A_365 = arith.constant 256 : i32
        %dma_wait3A_366 = arith.constant 0 : i32
        %dma_wait3A_367 = tpu.memref_slice %arg14[%dma_wait3A_365, %dma_wait3A_366] : memref<640x64xf32, #tpu.memory_space<vmem>> -> memref<128x64xf32, #tpu.memory_space<vmem>>
        %dma_wait3A_368 = arith.constant 256 : i32
        %dma_wait3A_369 = tpu.memref_slice %arg10[%dma_wait3A_368] : memref<640xi32, #tpu.memory_space<vmem>> -> memref<128xi32, #tpu.memory_space<vmem>>
        %dma_wait3A_370 = arith.constant 0 : i32
        %dma_wait3A_371 = arith.constant 0 : i32
        %dma_wait3A_372 = tpu.memref_slice %arg4[%dma_wait3A_370, %dma_wait3A_371] : memref<1000000x64xf32, #tpu.memory_space<hbm>> -> memref<1000000x64xf32, #tpu.memory_space<hbm>>
        tpu.wait_indirect_dma semaphore(%arg20 : memref<!tpu.dma_semaphore, #tpu.memory_space<semaphore_mem>>) src(%dma_wait3A_372 : memref<1000000x64xf32, #tpu.memory_space<hbm>>) dst(%dma_wait3A_367 : memref<128x64xf32, #tpu.memory_space<vmem>>)
        %dma_wait3A_373 = arith.constant 384 : i32
        %dma_wait3A_374 = arith.constant 0 : i32
        %dma_wait3A_375 = tpu.memref_slice %arg14[%dma_wait3A_373, %dma_wait3A_374] : memref<640x64xf32, #tpu.memory_space<vmem>> -> memref<128x64xf32, #tpu.memory_space<vmem>>
        %dma_wait3A_376 = arith.constant 384 : i32
        %dma_wait3A_377 = tpu.memref_slice %arg10[%dma_wait3A_376] : memref<640xi32, #tpu.memory_space<vmem>> -> memref<128xi32, #tpu.memory_space<vmem>>
        %dma_wait3A_378 = arith.constant 0 : i32
        %dma_wait3A_379 = arith.constant 0 : i32
        %dma_wait3A_380 = tpu.memref_slice %arg4[%dma_wait3A_378, %dma_wait3A_379] : memref<1000000x64xf32, #tpu.memory_space<hbm>> -> memref<1000000x64xf32, #tpu.memory_space<hbm>>
        tpu.wait_indirect_dma semaphore(%arg20 : memref<!tpu.dma_semaphore, #tpu.memory_space<semaphore_mem>>) src(%dma_wait3A_380 : memref<1000000x64xf32, #tpu.memory_space<hbm>>) dst(%dma_wait3A_375 : memref<128x64xf32, #tpu.memory_space<vmem>>)
        %dma_wait3A_381 = arith.constant 512 : i32
        %dma_wait3A_382 = arith.constant 0 : i32
        %dma_wait3A_383 = tpu.memref_slice %arg14[%dma_wait3A_381, %dma_wait3A_382] : memref<640x64xf32, #tpu.memory_space<vmem>> -> memref<128x64xf32, #tpu.memory_space<vmem>>
        %dma_wait3A_384 = arith.constant 512 : i32
        %dma_wait3A_385 = tpu.memref_slice %arg10[%dma_wait3A_384] : memref<640xi32, #tpu.memory_space<vmem>> -> memref<128xi32, #tpu.memory_space<vmem>>
        %dma_wait3A_386 = arith.constant 0 : i32
        %dma_wait3A_387 = arith.constant 0 : i32
        %dma_wait3A_388 = tpu.memref_slice %arg4[%dma_wait3A_386, %dma_wait3A_387] : memref<1000000x64xf32, #tpu.memory_space<hbm>> -> memref<1000000x64xf32, #tpu.memory_space<hbm>>
        tpu.wait_indirect_dma semaphore(%arg20 : memref<!tpu.dma_semaphore, #tpu.memory_space<semaphore_mem>>) src(%dma_wait3A_388 : memref<1000000x64xf32, #tpu.memory_space<hbm>>) dst(%dma_wait3A_383 : memref<128x64xf32, #tpu.memory_space<vmem>>)
      } else {
      }
      %add3A_293 = arith.constant 1 : i32
      %add3A_294 = arith.addi %mul3A_150, %add3A_293 : i32
      %mul3A_295 = arith.constant 640 : i32
      %mul3A_296 = arith.muli %add3A_294, %mul3A_295 : i32
      %add3A_297 = arith.addi %mul3A_2, %mul3A_296 : i32
      %multiple_of3A_298 = tpu.assume_multiple %add3A_297, 128 : i32
      %dma_wait3A_299 = arith.constant 0 : i32
      %dma_wait3A_300 = tpu.memref_slice %arg9[%multiple_of3A_298, %dma_wait3A_299] : memref<204800x64xf32, #tpu.memory_space<hbm>> -> memref<640x64xf32, #tpu.memory_space<hbm>>
      %dma_wait3A_301 = arith.constant 0 : i32
      %dma_wait3A_302 = tpu.memref_slice %arg9[%multiple_of3A_298, %dma_wait3A_301] : memref<204800x64xf32, #tpu.memory_space<hbm>> -> memref<640x64xf32, #tpu.memory_space<hbm>>
      tpu.wait_dma2 semaphore(%arg23 : memref<!tpu.dma_semaphore, #tpu.memory_space<semaphore_mem>>) src(%arg15 : memref<640x64xf32, #tpu.memory_space<vmem>>) dst(%dma_wait3A_302 : memref<640x64xf32, #tpu.memory_space<hbm>>)
    }
    %scan3A_147 = arith.constant 5 : i32
    return
  }
}

</mosaic_0001>

<sc_bundles>
// kernel: kernel.3.cloned.1.call-start
scs
__scs_entry_jumppad:
0x0: {  	(pc) =	sbr.rel $0x88, $3  }
0x1: {  	(tag) =	ssettag $0x0;
	lr =	simm.s32 $0x1  }
0x2: {  	[smem:$0x3F9A] =	sst lr;
	_ =	strace $0xD0000000  }
0x3: {  	_ = 	snop  }
0x4: {  	_ = 	snop  }
0x5: {  	_ = 	snop  }
0x6: {  	_ = 	snop  }
0x7: {  	_ = 	snop  }
__scs_overlays_trampoline_lowered:
0x8: {  	[smem:$0x3FA9] =	sst s0  }
0x9: {  	[smem:$0x3FAA] =	sst s1  }
0xa: {  	[smem:$0x3FAB] =	sst s2  }
0xb: {  	[smem:$0x3FAC] =	sst s3  }
0xc: {  	[smem:$0x3FAD] =	sst s4  }
0xd: {  	[smem:$0x3FAE] =	sst s5  }
0xe: {  	[smem:$0x3FAF] =	sst s6  }
0xf: {  	[smem:$0x3FB0] =	sst s7  }
0x10: {  	[smem:$0x3FB1] =	sst s8  }
0x11: {  	[smem:$0x3FB2] =	sst s9;
	s0 =	simm.s32 @!p0 $0x0  }
0x12: {  	s1 =	sld [smem:$0x3F98];
	s0 =	simm.s32 @p0 $0x1  }
0x13: {  	[smem:$0x3FB3] =	sst s0;
	s0 =	simm.s32 @!p1 $0x0  }
0x14: {  	s2 =	sld [smem:$0x3F97];
	s0 =	simm.s32 @p1 $0x1  }
0x15: {  	[smem:$0x3FB4] =	sst s0;
	s0 =	simm.s32 @!p2 $0x0  }
0x16: {  	s3 =	sld [smem:$0x3FDB];
	s0 =	simm.s32 @p2 $0x1  }
0x17: {  	s4 =	simm.s32 $0x1BF5;
	[smem:$0x3FB6] =	sst s0  }
0x18: {  	s0 =	sld [smem:$0x3F99];
	_ =	swait.ge [sflag:s4], $0x0  }
0x19: {  	s7 =	sld [smem:$0x3F9A]  }
0x1a: {  	s8 =	sadd.s32 $0xFFFFE003, lr  }
0x1b: {  	s9 =	sadd.s32 $0xFFFFFEF7, lr;
	s5 =	simm.s32 $0xFFFFFFFF;
	p2 =	slt.u32 s8, $0xFFFFF086  }
0x1c: {  	p1 =	slt.u32 s9, $0xF7A;
	s5 =	simm.s32 @!p2 $0x0  }
0x1d: {  	s5 =	simm.s32 @p1 $0x1;
	p0 =	seq.s32 s7, s2  }
0x1e: {  	s7 =	smul.u32 @!p0 $0xF7A, s2;
	p2 =	seq.s32 @!p0 s5, $0x0  }
0x1f: {  	s9 =	smul.u32 $0xF7A, s1;
	s8 =	simm.s32 @!p0 $0x1BF5;
	p2 =	por !p2, p0  }
0x20: {  	[sflag:s8] =	ssyncset.s32 @!p0 $0xFFFFF086;
	s6 =	sadd.s32 @!p0 s3, s7;
	s7 =	simm.s32 @!p0 $0x108  }
0x21: {  	s3 =	sadd.s32 s3, s9;
	s6 =	sadd.s32 @!p0 $0x88, s6;
	s7 =	simm.s32 @p2 $0x1082  }
0x22: {  	[simem:s7], [sflag:s8] =	dma.local @!p0 [hbm:s6], $0xF7A  }
0x23: {  	s9 =	sor.u32 $0xD0000000, s2;
	s6 =	simm.s32 $0x108;
	_ =	swait.ge @!p0 [sflag:s8], $0x0  }
0x24: {  	s3 =	sadd.s32 $0x88, s3;
	s6 =	simm.s32 @!p1 $0x1082;
	[sflag:s4] =	ssyncset.s32 $0xFFFFF086  }
0x25: {  	[simem:s6], [sflag:s4] =	dma.local [hbm:s3], $0xF7A  }
0x26: {  	[smem:$0x3F9A] =	sst s1;
	(tag) =	ssettag s2;
	_ =	strace s9  }
0x27: {  	s1 =	sld [smem:$0x3FAA]  }
0x28: {  	s2 =	sld [smem:$0x3FAB]  }
0x29: {  	s4 =	sld [smem:$0x3FAD]  }
0x2a: {  	p0 =	seq.s32 s5, $0x0;
	s5 =	sld [smem:$0x3FAE]  }
0x2b: {  	s6 =	sld [smem:$0x3FAF]  }
0x2c: {  	s7 =	sld [smem:$0x3FB0]  }
0x2d: {  	s3 =	simm.s32 $0x108;
	s8 =	sld [smem:$0x3FB1]  }
0x2e: {  	s3 =	simm.s32 @!p0 $0x1082;
	s9 =	sld [smem:$0x3FB2]  }
0x2f: {  	lr =	sadd.s32 s0, s3;
	s0 =	sld [smem:$0x3FA9]  }
0x30: {  	s3 =	sld [smem:$0x3FAC]  }
0x31: {  	[smem:$0x3FB5] =	sst s10  }
0x32: {  	s10 =	sld [smem:$0x3FB3];
	_ =	sdelay $0x3  }
0x33: {  	p0 =	seq.s32 s10, $0x1;
	s10 =	sld [smem:$0x3FB5];
	_ =	sdelay $0x3  }
0x34: {  	[smem:$0x3FB5] =	sst s10  }
0x35: {  	s10 =	sld [smem:$0x3FB4];
	_ =	sdelay $0x3  }
0x36: {  	p1 =	seq.s32 s10, $0x1;
	s10 =	sld [smem:$0x3FB5];
	_ =	sdelay $0x3  }
0x37: {  	[smem:$0x3FB5] =	sst s10  }
0x38: {  	s10 =	sld [smem:$0x3FB6]  }
0x39: {  	_ = 	snop;
	(pc) =	sbr.ind lr, $3  }
0x3a: {  	_ = 	snop  }
0x3b: {  	_ = 	snop  }
0x3c: {  	p2 =	seq.s32 s10, $0x1;
	s10 =	sld [smem:$0x3FB5]  }
0x3d: {  	_ =	shalt  }
0x3e: {  	_ =	shalt  }
0x3f: {  	_ =	shalt  }
0x40: {  	_ =	shalt  }
0x41: {  	_ =	shalt  }
0x42: {  	_ =	shalt  }
0x43: {  	_ =	shalt  }
0x44: {  	_ =	shalt  }
0x45: {  	_ =	shalt  }
0x46: {  	_ =	shalt  }
0x47: {  	_ =	shalt  }
0x48: {  	_ =	shalt  }
0x49: {  	_ =	shalt  }
0x4a: {  	_ =	shalt  }
0x4b: {  	_ =	shalt  }
0x4c: {  	_ =	shalt  }
0x4d: {  	_ =	shalt  }
0x4e: {  	_ =	shalt  }
0x4f: {  	_ =	shalt  }
0x50: {  	_ =	shalt  }
0x51: {  	_ =	shalt  }
0x52: {  	_ =	shalt  }
0x53: {  	_ =	shalt  }
0x54: {  	_ =	shalt  }
0x55: {  	_ =	shalt  }
0x56: {  	_ =	shalt  }
0x57: {  	_ =	shalt  }
0x58: {  	_ =	shalt  }
0x59: {  	_ =	shalt  }
0x5a: {  	_ =	shalt  }
0x5b: {  	_ =	shalt  }
0x5c: {  	_ =	shalt  }
0x5d: {  	_ =	shalt  }
0x5e: {  	_ =	shalt  }
0x5f: {  	_ =	shalt  }
0x60: {  	_ =	shalt  }
0x61: {  	_ =	shalt  }
0x62: {  	_ =	shalt  }
0x63: {  	_ =	shalt  }
0x64: {  	_ =	shalt  }
0x65: {  	_ =	shalt  }
0x66: {  	_ =	shalt  }
0x67: {  	_ =	shalt  }
0x68: {  	_ =	shalt  }
0x69: {  	_ =	shalt  }
0x6a: {  	_ =	shalt  }
0x6b: {  	_ =	shalt  }
0x6c: {  	_ =	shalt  }
0x6d: {  	_ =	shalt  }
0x6e: {  	_ =	shalt  }
0x6f: {  	_ =	shalt  }
0x70: {  	_ =	shalt  }
0x71: {  	_ =	shalt  }
0x72: {  	_ =	shalt  }
0x73: {  	_ =	shalt  }
0x74: {  	_ =	shalt  }
0x75: {  	_ =	shalt  }
0x76: {  	_ =	shalt  }
0x77: {  	_ =	shalt  }
0x78: {  	_ =	shalt  }
0x79: {  	_ =	shalt  }
0x7a: {  	_ =	shalt  }
0x7b: {  	_ =	shalt  }
0x7c: {  	_ =	shalt  }
0x7d: {  	_ =	shalt  }
0x7e: {  	_ =	shalt  }
0x7f: {  	_ =	shalt  }
0x80: {  	_ =	shalt  }
0x81: {  	_ =	shalt  }
0x82: {  	_ =	shalt  }
0x83: {  	_ =	shalt  }
0x84: {  	_ =	shalt  }
0x85: {  	_ =	shalt  }
0x86: {  	_ =	shalt  }
0x87: {  	_ =	shalt  }
.Lfunc_end0:
.L_simem_size_0:
called_computation.1_lowered:
.L_overlay_start_0:
0x88: {  	s2 =	sld [smem:$0x3FD9]  }
0x89: {  	s3 =	sld [smem:$0x3FFE];
	_ =	sdelay $0x1  }
0x8a: {  	s1 =	srdreg.scid  }
0x8b: {  	s0 =	sand.u32 $0x1, s1  }
0x8c: {  	s17 =	sshll.u32 s0, $0xA;
	s2 =	sadd.s32 s3, s2  }
0x8d: {  	s2 =	sadd.s32 s2, s17  }
0x8e: {  	[smem:$0x3FC1] =	sst s2  }
0x8f: {  	_ = 	snop  }
0x90: {  	s2 =	sld [smem:$0x3FC4]  }
0x91: {  	s18 =	sld [smem:$0x3FC3]  }
0x92: {  	s4 =	sld [smem:$0x3FD0];
	(tm) =	ssettm $0x1  }
0x93: {  	s5 =	sld [smem:$0x3FFB];
	_ =	sdelay $0x3  }
0x94: {  	_ =	strace s5  }
0x95: {  	s5 =	sld [smem:$0x3FFC];
	_ =	sdelay $0x3  }
0x96: {  	_ =	strace s5  }
0x97: {  	s5 =	sld [smem:$0x3FFD];
	_ =	sdelay $0x3  }
0x98: {  	_ =	strace s5  }
0x99: {  	_ =	strace $0x8FFFFFFF  }
0x9a: {  	s19 =	sld [smem:$0x3FDB];
	_ =	sdelay $0x1  }
0x9b: {  	s6 =	simm.s32 $_scs_section_size  }
0x9c: {  	s7 =	simm.s32 $_size__tile_overlayer_lowered;
	s8 =	simm.s32 $_tile_overlayer_lowered  }
0x9d: {  	s22 =	simm.s32 $0x1BFF;
	s21 =	sshll.u32 s8, $0x1;
	s5 =	sadd.s32 s6, s19  }
0x9e: {  	s9 =	simm.s32 $0x0;
	s20 =	sshll.u32 s7, $0x1;
	s7 =	sadd.s32 s21, s5  }
0x9f: {  	[timem:s9], [sflag:s22] =	dma.local [hbm:s7], s20  }
0xa0: {  	_ =	swait.ge [sflag:s22], s20  }
0xa1: {  	s6 =	ssub.s32 $0x0, s20;
	[sflag:s22] =	ssyncset.done $0x0  }
0xa2: {  	[sflag:s22] =	ssyncadd.s32 s6;
	_ =	sdelay $0x1  }
0xa3: {  	s23 =	simm.s32 $0x1B8B  }
0xa4: {  	_ =	swait.ge [sflag:s23], $0x1  }
0xa5: {  	[sflag:s23] =	ssyncset.done $0x0  }
0xa6: {  	s25 =	simm.s32 $0x1B8E;
	s24 =	sld [smem:$0x3FFE];
	[sflag:s23] =	ssyncadd.s32 $0xFFFFFFFF  }
0xa7: {  	s26 =	simm.s32 $execute0_lowered;
	[smem:$0x3FD2] =	sst s25  }
0xa8: {  	s7 =	sshll.u32 s26, $0x1;
	_ =	strace $0x80000046;
	[dreg:$0x1] =	wrdreg $0xFFFFFFFF  }
0xa9: {  	s28 =	simm.s32 $_size_execute0_lowered;
	s5 =	sadd.s32 s5, s7;
	[dreg:$0x0] =	wrdreg $0x0  }
0xaa: {  	s7 =	sshll.u32 s28, $0x1;
	[dreg:$0x2] =	wrdreg s5  }
0xab: {  	[dreg:$0x3] =	wrdreg s7  }
0xac: {  	[dreg:$0x4] =	wrdreg $0xC0  }
0xad: {  	_ =	task [dreg:s9], $0x5FFFF  }
0xae: {  	[dreg:$0x1] =	wrdreg $0xFFFFFFFF  }
0xaf: {  	[dreg:$0x0] =	wrdreg $0x60  }
0xb0: {  	[dreg:$0x2] =	wrdreg s24  }
0xb1: {  	[dreg:$0x3] =	wrdreg s2  }
0xb2: {  	[dreg:$0x4] =	wrdreg s18  }
0xb3: {  	[dreg:$0x5] =	wrdreg s4  }
0xb4: {  	[dreg:$0x6] =	wrdreg $0x9  }
0xb5: {  	_ =	task.clear_ibuf [dreg:s9], $0x7FFFF;
	_ =	strace $0x90000046  }
0xb6: {  	s29 =	simm.s32 $0x9;
	_ =	strace $0x80000048  }
0xb7: {  	_ =	swait.ge [sflag:s29], $0x1  }
0xb8: {  	[sflag:s29] =	ssyncadd.s32 $0xFFFFFFFF  }
0xb9: {  	_ =	strace $0x90000048  }
0xba: {  	_ =	sfence  }
0xbb: {  	s30 =	sld [smem:$0x0];
	_ =	sdelay $0x2  }
0xbc: {  	s31 =	sshll.u32 s1, $0xD;
	s1 =	sshrl.u32 s1, $0x2  }
0xbd: {  	s3 =	sand.u32 $0x4000, s31;
	s1 =	sadd.s32 s1, s30  }
0xbe: {  	s0 =	sor.u32 s3, s0;
	s1 =	sshll.u32 s1, $0x11  }
0xbf: {  	s0 =	sor.u32 s1, s0  }
0xc0: {  	s0 =	sadd.s32 $0x8F2B, s0  }
0xc1: {  	[sflag:s0] =	ssyncadd.remote.s32 $0x1  }
0xc2: {  	_ =	sfence.sel $0xFFFF  }
0xc3: {  	[dreg:$0x0] =	wrdreg $0xFFFFFFFF;
	(pc) =	sbr.abs _section_cstart, $3  }
0xc4: {  	[dreg:$0x1] =	wrdreg $0xFFFFFFFF  }
0xc5: {  	_ =	task.clear_ibuf [dreg:s9], $0x2FFFF;
	_ =	strace $0x9FFFFFFF  }
0xc6: {  	(tm) =	ssettm $0x7FFFFFFF  }
0xc7: {  	_ =	shalt  }
tec
execute0_lowered:
.L_overlay_start_1:
0x0: {  	(tag) =	ssettag $0x1  }
0x1: {  	s0 =	rddreg [dreg:$0x0]  }
0x2: {  	s3 =	rddreg [dreg:$0x3];
	s5 =	simm.s32 $0x0  }
0x3: {  	s1 =	srdreg.scid;
	s9 =	stileid.u32;
	s21 =	simm.s32 $0x5  }
0x4: {  	v1 =	vimm.s32 $0xFEDCBA98;
	s24 =	simm.s32 $0x500;
	s19 =	simm.s32 $0x280;
	s20 =	simm.s32 $0x780  }
0x5: {  	v2 =	vimm.s32 $0x76543210;
	v5 =	vimm.s32 $0x32107654;
	s22 =	simm.s32 $0xAA00;
	s11 =	simm.s32 $0x2;
	s12 =	simm.s32 $0x3  }
0x6: {  	v6 =	vimm.s32 $0xDCFE98BA;
	v7 =	vimm.s32 $0x54761032;
	s13 =	simm.s32 $0x4;
	s18 =	simm.s32 $0x0;
	[smem:$0x7FF] =	sst s5  }
0x7: {  	v0 =	vlaneseq.u32;
	v8 =	vimm.s32 $0xEFCDAB89;
	v9 =	vimm.s32 $0x67452301;
	s6 =	sadd.s32 $0x7400, s0;
	s1 =	sand.u32 $0x1, s1;
	s2 =	sshll.u32 s9, $0x1  }
0x8: {  	s7 =	sadd.s32 $0x1000, s0;
	s8 =	sadd.s32 $0xF43400, s0;
	s4 =	sadd.s32 $0xD800, s0;
	v3 =	vunpack.c.l.s4.s8 v1;
	v1 =	vor.u32 $0x10, v0  }
0x9: {  	s0 =	sadd.s32 $0xE000, s0;
	s28 =	smul.u32 $0x3200, s9;
	v4 =	vunpack.c.l.s4.s8 v2;
	v2 =	vimm.s32 $0xBA98FEDC;
	v5 =	vunpack.c.l.s4.s8 v5;
	s9 =	simm.s32 $0x14A00  }
0xa: {  	v6 =	vunpack.c.l.s4.s8 v6;
	v7 =	vunpack.c.l.s4.s8 v7;
	v8 =	vunpack.c.l.s4.s8 v8;
	_ =	strace $0x80000047;
	s2 =	sor.u32 s1, s2;
	[dreg:$0x5] =	wrdreg s4  }
0xb: {  	v9 =	vunpack.c.l.s4.s8 v9;
	v11 =	vor.u32 $0xF0, v0;
	s25 =	ssub.s32 $0x2, s1;
	[dreg:$0x6] =	wrdreg s0;
	s1 =	smul.u32 $0x1900, s1;
	v2 =	vunpack.c.l.s4.s8 v2  }
0xc: {  	s10 =	smul.u32 $0x1900, s2;
	s26 =	sshrl.u32 s25, $0x1;
	v3 =	vunpack.c.0.s8.s32 v3;
	v5 =	vunpack.c.0.s8.s32 v5;
	v6 =	vunpack.c.0.s8.s32 v6;
	s2 =	simm.s32 $0x0  }
0xd: {  	v7 =	vunpack.c.0.s8.s32 v7;
	v8 =	vunpack.c.0.s8.s32 v8;
	v9 =	vunpack.c.0.s8.s32 v9;
	s0 =	ssub.s32 s25, s26;
	s31 =	sadd.s32 s1, s28;
	s25 =	simm.s32 $0x80  }
0xe: {  	v4 =	vunpack.c.0.s8.s32 v4;
	v10 =	vunpack.c.0.s8.s32 v2;
	v2 =	vor.u32 $0x20, v0;
	s29 =	sshrl.u32 s10, $0x3;
	s0 =	smax.u32 s0, $0x1;
	[dreg:$0xa] =	wrdreg s31  }
0xf: {  	s26 =	simm.s32 $0xA00;
	v6 =	vcombine.low v7, v6;
	v7 =	vcombine.low v9, v8;
	v8 =	vor.u32 $0xC0, v0;
	s30 =	sadd.s32 s6, s29;
	[dreg:$0x9] =	wrdreg s0  }
0x10: {  	s1 =	simm.s32 $0x12A00;
	v9 =	vor.u32 $0xD0, v0;
	s4 =	sadd.s32 s7, s29;
	v5 =	vcombine.low v5, v10;
	v10 =	vand.u32 $0xF, v3;
	[dreg:$0x7] =	wrdreg s30  }
0x11: {  	s14 =	sadd.s32 $0x280, s10;
	s0 =	sadd.s32 $0x280, s31;
	v3 =	vor.u32 $0x30, v0;
	[dreg:$0x8] =	wrdreg s4;
	v4 =	vcombine.low v10, v4;
	v6 =	vand.u32 $0xF, v6  }
0x12: {  	s15 =	sadd.s32 $0x500, s10;
	[dreg:$0xb] =	wrdreg s0;
	s4 =	simm.s32 $0x480;
	v7 =	vand.u32 $0xF, v7;
	v10 =	vor.u32 $0xE0, v0;
	v5 =	vand.u32 $0xF, v5  }
.LBB2_1:
0x13: {  	[dreg:$0xc] =	wrdreg s2  }
0x14: {  	s0 =	rddreg [dreg:$0x5];
	s16 =	simm.s32 $0x17C00  }
0x15: {  	[tilespmem:s16], [sflag:$0x5] =	stream.linear.gather [hbm4b:s0+s5], $0x3200, $0x38;
	[tilespmem:$0x1AF00] =	vst v63  }
0x16: {  	_ =	swait.ge [sflag:s21], $0x3200  }
0x17: {  	[sflag:s21] =	ssyncset.done $0x0  }
0x18: {  	s23 =	simm.s32 $0x1AE00;
	s17 =	rddreg [dreg:$0x6];
	[sflag:s21] =	ssyncadd.s32 $0xFFFFCE00  }
0x19: {  	[tilespmem:s23], [sflag:$0x5] =	stream.linear.gather [hbm4b:s17+s5], $0x80, $0x38;
	[tilespmem:$0x1AF00] =	vst v63  }
0x1a: {  	_ =	swait.ge [sflag:s21], $0x80  }
0x1b: {  	[sflag:s21] =	ssyncset.done $0x0  }
0x1c: {  	[sflag:s21] =	ssyncadd.s32 $0xFFFFFF80  }
0x1d: {  	s29 =	simm.s32 $0x1AE80;
	s28 =	rddreg [dreg:$0x1]  }
0x1e: {  	[tilespmem:s29], [sflag:$0x5] =	stream.linear.gather [hbm4b:s28+s5], $0x40, $0x38;
	[tilespmem:$0x1AF00] =	vst v63  }
0x1f: {  	_ =	swait.ge [sflag:s21], $0x40  }
0x20: {  	[sflag:s21] =	ssyncset.done $0x0  }
0x21: {  	[sflag:s21] =	ssyncadd.s32 $0xFFFFFFC0  }
0x22: {  	s31 =	simm.s32 $0x1AEC0;
	s30 =	rddreg [dreg:$0x2]  }
0x23: {  	[tilespmem:s31], [sflag:$0x5] =	stream.linear.gather [hbm4b:s30+s5], $0x40, $0x38;
	[tilespmem:$0x1AF00] =	vst v63  }
0x24: {  	_ =	swait.ge [sflag:s21], $0x40  }
0x25: {  	[sflag:s21] =	ssyncset.done $0x0  }
0x26: {  	[sflag:s21] =	ssyncadd.s32 $0xFFFFFFC0  }
0x27: {  	v23 =	vld [tilespmem:$0x1AE00]  }
0x28: {  	v22 =	vld [tilespmem:$0x1AE10]  }
0x29: {  	v21 =	vld [tilespmem:$0x1AE20]  }
0x2a: {  	v20 =	vld [tilespmem:$0x1AE30]  }
0x2b: {  	v27 =	vld [tilespmem:$0x1AE40]  }
0x2c: {  	v26 =	vld [tilespmem:$0x1AE50]  }
0x2d: {  	v25 =	vld [tilespmem:$0x1AE60]  }
0x2e: {  	v24 =	vld [tilespmem:$0x1AE70]  }
0x2f: {  	v12 =	vld [tilespmem:$0x1AE80]  }
0x30: {  	v13 =	vld [tilespmem:$0x1AE90]  }
0x31: {  	v14 =	vld [tilespmem:$0x1AEA0]  }
0x32: {  	s16 =	simm.s32 $0x20;
	v15 =	vld [tilespmem:$0x1AEB0]  }
0x33: {  	v29 =	vld [tilespmem:s16+$0x17BE0]  }
0x34: {  	v32 =	vld [tilespmem:s16+$0x17BF0]  }
0x35: {  	v33 =	vld [tilespmem:s16+$0x17C00]  }
0x36: {  	v34 =	vld [tilespmem:s16+$0x17C10]  }
0x37: {  	v16 =	vld [tilespmem:$0x1AEC0]  }
0x38: {  	v17 =	vld [tilespmem:$0x1AED0];
	v28 =	vadd.f32 v29, v27  }
0x39: {  	v18 =	vld [tilespmem:$0x1AEE0];
	v30 =	vadd.f32 v32, v26  }
0x3a: {  	s2 =	simm.s32 $0x60;
	v19 =	vld [tilespmem:$0x1AEF0];
	v31 =	vadd.f32 v33, v25;
	[tilespmem:s16+$0x17BE0] =	vst v28  }
0x3b: {  	v35 =	vadd.f32 v34, v24;
	v28 =	vld [tilespmem:s2+$0x17BE0];
	[tilespmem:s16+$0x17BF0] =	vst v30  }
0x3c: {  	v32 =	vadd.f32 v32, v22;
	v30 =	vld [tilespmem:s2+$0x17BF0];
	[tilespmem:s16+$0x17C00] =	vst v31;
	v31 =	vadd.f32 v29, v23  }
0x3d: {  	s17 =	simm.s32 $0x280;
	v33 =	vadd.f32 v33, v21;
	v34 =	vadd.f32 v34, v20;
	v29 =	vld [tilespmem:s2+$0x17C00];
	[tilespmem:s16+$0x17C10] =	vst v35  }
.LBB2_2:
0x3e: {  	p0 =	sne.s32 s17, $0xC780;
	v35 =	vld [tilespmem:s2+$0x17C10];
	[tilespmem:s16+$0x149E0] =	vst v31  }
0x3f: {  	[tilespmem:s16+$0x149F0] =	vst v32  }
0x40: {  	v31 =	vadd.f32 v28, v23;
	v28 =	vadd.f32 v28, v27;
	[tilespmem:s16+$0x14A00] =	vst v33  }
.Ltmp0:
0x41: {  	v32 =	vadd.f32 v30, v22;
	v30 =	vadd.f32 v30, v26;
	[tilespmem:s16+$0x14A10] =	vst v34;
	s16 =	smov.u32 s2;
	(pc) =	sbr.rel @p0 .LBB2_2-.Ltmp0, $4  }
0x42: {  	s2 =	sshra.s32 s17, $0x2;
	[tilespmem:s16+$0x17BE0] =	vst v28;
	v33 =	vadd.f32 v29, v21;
	v29 =	vadd.f32 v29, v25  }
0x43: {  	v28 =	vld [tilespmem:s2+$0x17BE0];
	[tilespmem:s16+$0x17BF0] =	vst v30;
	v34 =	vadd.f32 v35, v20;
	v35 =	vadd.f32 v35, v24  }
0x44: {  	v30 =	vld [tilespmem:s2+$0x17BF0];
	[tilespmem:s16+$0x17C00] =	vst v29  }
0x45: {  	s17 =	sadd.s32 $0x100, s17;
	v29 =	vld [tilespmem:s2+$0x17C00];
	[tilespmem:s16+$0x17C10] =	vst v35  }
0x46: {  	v35 =	vld [tilespmem:s2+$0x17C10];
	[tilespmem:s16+$0x149E0] =	vst v31  }
0x47: {  	[tilespmem:s16+$0x149F0] =	vst v32  }
0x48: {  	[tilespmem:s16+$0x14A00] =	vst v33;
	v27 =	vadd.f32 v28, v27  }
0x49: {  	[tilespmem:s16+$0x14A10] =	vst v34;
	v23 =	vadd.f32 v28, v23  }
0x4a: {  	v26 =	vadd.f32 v30, v26;
	[tilespmem:s2+$0x17BE0] =	vst v27  }
0x4b: {  	v22 =	vadd.f32 v30, v22;
	[tilespmem:s2+$0x149E0] =	vst v23  }
0x4c: {  	v25 =	vadd.f32 v29, v25;
	[tilespmem:s2+$0x17BF0] =	vst v26  }
0x4d: {  	v21 =	vadd.f32 v29, v21;
	[tilespmem:s2+$0x149F0] =	vst v22  }
0x4e: {  	v24 =	vadd.f32 v35, v24;
	[tilespmem:s2+$0x17C00] =	vst v25  }
0x4f: {  	v20 =	vadd.f32 v35, v20;
	[tilespmem:s2+$0x14A00] =	vst v21  }
0x50: {  	[tilespmem:s2+$0x17C10] =	vst v24  }
0x51: {  	s0 =	rddreg [dreg:$0x7];
	[tilespmem:s2+$0x14A10] =	vst v20  }
0x52: {  	[tilespmem:s18], [sflag:$0x5] =	stream.linear.gather [hbm4b:s0+s18], $0x280, $0x38;
	[tilespmem:$0x1AF00] =	vst v63  }
0x53: {  	_ =	swait.ge [sflag:s21], $0x280  }
0x54: {  	[sflag:s21] =	ssyncset.done $0x0  }
0x55: {  	s31 =	rddreg [dreg:$0x8];
	[sflag:s21] =	ssyncadd.s32 $0xFFFFFD80  }
0x56: {  	[tilespmem:s24], [sflag:$0x5] =	stream.linear.gather [hbm4b:s31+s18], $0x280, $0x38;
	[tilespmem:$0x1AF00] =	vst v63  }
0x57: {  	_ =	swait.ge [sflag:s21], $0x280  }
0x58: {  	[sflag:s21] =	ssyncset.done $0x0  }
0x59: {  	[sflag:s21] =	ssyncadd.s32 $0xFFFFFD80  }
0x5a: {  	[tilespmem:s26], [sflag:$0x1] =	stream.indirect.gather [hbm4b:s8+s25], $0x40, s18, s25, $0xb8;
	[tilespmem:$0x1AF00] =	vst v63  }
0x5b: {  	s2 =	simm.s32 $0x2A00  }
0x5c: {  	[tilespmem:s2], [sflag:$0x1] =	stream.indirect.gather [hbm4b:s8+s25], $0x40, s25, s25, $0xb8;
	[tilespmem:$0x1AF00] =	vst v63  }
0x5d: {  	s16 =	simm.s32 $0x100;
	s17 =	simm.s32 $0x4A00  }
0x5e: {  	[tilespmem:s17], [sflag:$0x1] =	stream.indirect.gather [hbm4b:s8+s25], $0x40, s16, s25, $0xb8;
	[tilespmem:$0x1AF00] =	vst v63  }
0x5f: {  	s23 =	simm.s32 $0x180;
	s28 =	simm.s32 $0x6A00  }
0x60: {  	[tilespmem:s28], [sflag:$0x1] =	stream.indirect.gather [hbm4b:s8+s25], $0x40, s23, s25, $0xb8;
	[tilespmem:$0x1AF00] =	vst v63  }
0x61: {  	s29 =	simm.s32 $0x200;
	s30 =	simm.s32 $0x8A00;
	s31 =	simm.s32 $0x1  }
0x62: {  	[tilespmem:s30], [sflag:$0x1] =	stream.indirect.gather [hbm4b:s8+s25], $0x40, s29, s25, $0xb8;
	[tilespmem:$0x1AF00] =	vst v63  }
0x63: {  	_ =	swait.ge [sflag:s31], $0x2000  }
0x64: {  	[sflag:s31] =	ssyncset.done $0x0  }
0x65: {  	[sflag:s31] =	ssyncadd.s32 $0xFFFFE000  }
0x66: {  	_ =	swait.ge [sflag:s31], $0x2000  }
0x67: {  	[sflag:s31] =	ssyncset.done $0x0  }
0x68: {  	[sflag:s31] =	ssyncadd.s32 $0xFFFFE000  }
0x69: {  	_ =	swait.ge [sflag:s31], $0x2000  }
0x6a: {  	[sflag:s31] =	ssyncset.done $0x0  }
0x6b: {  	[sflag:s31] =	ssyncadd.s32 $0xFFFFE000  }
0x6c: {  	_ =	swait.ge [sflag:s31], $0x2000  }
0x6d: {  	[sflag:s31] =	ssyncset.done $0x0  }
0x6e: {  	[sflag:s31] =	ssyncadd.s32 $0xFFFFE000  }
0x6f: {  	_ =	swait.ge [sflag:s31], $0x2000  }
0x70: {  	[sflag:s31] =	ssyncset.done $0x0;
	s0 =	rddreg [dreg:$0xb]  }
0x71: {  	s2 =	simm.s32 $0x0;
	s16 =	rddreg [dreg:$0xa];
	[sflag:s31] =	ssyncadd.s32 $0xFFFFE000  }
.LBB2_4:
0x72: {  	s23 =	smul.u32 $0x500, s2;
	_ =	sdelay $0x1  }
0x73: {  	s28 =	sadd.s32 s23, s14  }
0x74: {  	s17 =	sshrl.u32 s28, $0x3  }
0x75: {  	s29 =	sadd.s32 s6, s17  }
0x76: {  	[tilespmem:s19], [sflag:$0x5] =	stream.linear.gather [hbm4b:s29+s18], $0x280, $0x38;
	[tilespmem:$0x1AF00] =	vst v63  }
0x77: {  	_ =	swait.ge [sflag:s21], $0x280  }
0x78: {  	[sflag:s21] =	ssyncset.done $0x0  }
0x79: {  	s17 =	sadd.s32 s7, s17;
	[sflag:s21] =	ssyncadd.s32 $0xFFFFFD80  }
0x7a: {  	[tilespmem:s20], [sflag:$0x5] =	stream.linear.gather [hbm4b:s17+s18], $0x280, $0x38;
	[tilespmem:$0x1AF00] =	vst v63  }
0x7b: {  	_ =	swait.ge [sflag:s21], $0x280  }
0x7c: {  	[sflag:s21] =	ssyncset.done $0x0  }
0x7d: {  	[sflag:s21] =	ssyncadd.s32 $0xFFFFFD80  }
0x7e: {  	[tilespmem:s22], [sflag:$0x2] =	stream.indirect.gather [hbm4b:s8+s25], $0x40, s19, s25, $0xb8;
	[tilespmem:$0x1AF00] =	vst v63  }
0x7f: {  	s29 =	simm.s32 $0xCA00;
	s17 =	simm.s32 $0x300  }
0x80: {  	[tilespmem:s29], [sflag:$0x2] =	stream.indirect.gather [hbm4b:s8+s25], $0x40, s17, s25, $0xb8;
	[tilespmem:$0x1AF00] =	vst v63  }
0x81: {  	s17 =	simm.s32 $0x380;
	s29 =	simm.s32 $0xEA00  }
0x82: {  	[tilespmem:s29], [sflag:$0x2] =	stream.indirect.gather [hbm4b:s8+s25], $0x40, s17, s25, $0xb8;
	[tilespmem:$0x1AF00] =	vst v63  }
0x83: {  	s30 =	simm.s32 $0x0;
	s17 =	simm.s32 $0x400;
	s29 =	simm.s32 $0x10A00  }
0x84: {  	[tilespmem:s29], [sflag:$0x2] =	stream.indirect.gather [hbm4b:s8+s25], $0x40, s17, s25, $0xb8;
	[tilespmem:$0x1AF00] =	vst v63  }
0x85: {  	s31 =	simm.s32 $0x40;
	s29 =	sadd.s32 s10, s23;
	s17 =	smov.u32 s16  }
0x86: {  	v20 =	vor.u32 s16, v0;
	[tilespmem:s1], [sflag:$0x2] =	stream.indirect.gather [hbm4b:s8+s25], $0x40, s4, s25, $0xb8;
	[tilespmem:$0x1AF00] =	vst v63  }
.LBB2_5:
0x87: {  	p0 =	sne.s32 s31, $0x9C0;
	v21 =	vld [tilespmem:s30+$0x500];
	v22 =	vmulhi.u32 $0x51EB851F, v20;
	_ =	sdelay $0x1  }
0x88: {  	v22 =	vshrl.u32 v22, $0x6  }
0x89: {  	v22 =	vmul.u32 $0xC8, v22  }
.Ltmp1:
0x8a: {  	(pc) =	sbr.rel @p0 .LBB2_5-.Ltmp1, $4  }
0x8b: {  	v20 =	vsub.s32 v20, v22;
	v21 =	vmul.u32 $0x3200, v21  }
0x8c: {  	v20 =	vshll.u32 v20, $0x6  }
0x8d: {  	s17 =	sadd.s32 $0x10, s17;
	v21 =	vadd.s32 v20, v21  }
0x8e: {  	v20 =	vor.u32 s17, v0;
	[tilespmem:s30+$0x500] =	vst v21;
	s30 =	sshra.s32 s31, $0x2;
	s31 =	sadd.s32 $0x40, s31  }
0x8f: {  	v21 =	vld [tilespmem:s30+$0x500];
	v22 =	vmulhi.u32 $0x51EB851F, v20;
	_ =	sdelay $0x1  }
0x90: {  	v22 =	vshrl.u32 v22, $0x6  }
0x91: {  	v22 =	vmul.u32 $0xC8, v22;
	_ =	sdelay $0x1  }
0x92: {  	v20 =	vsub.s32 v20, v22;
	v21 =	vmul.u32 $0x3200, v21  }
0x93: {  	v20 =	vshll.u32 v20, $0x6  }
0x94: {  	v20 =	vadd.s32 v20, v21  }
0x95: {  	[tilespmem:s30+$0x500] =	vst v20;
	s30 =	simm.s32 $0x0  }
.LBB2_7:
0x96: {  	v21 =	vmov s30;
	_ =	sdelay $0x4  }
0x97: {  	v20 =	vshll.u32 v21, $0x6;
	v22 =	vld.idx.msk [tilespmem:v21+s24+$0x0], $0xffff  }
0x98: {  	v23 =	vor.u32 v0, v20  }
0x99: {  	v25 =	vor.u32 v1, v20  }
0x9a: {  	v27 =	vor.u32 v2, v20  }
0x9b: {  	v30 =	vor.u32 v3, v20  }
0x9c: {  	v24 =	vadd.s32 v0, v22  }
0x9d: {  	v28 =	vld.idx.msk [tilespmem:v23+s26+$0x0], $0xffff;
	v26 =	vadd.s32 v1, v22  }
0x9e: {  	v31 =	vld.idx.msk [tilespmem:v25+s26+$0x0], $0xffff;
	v29 =	vadd.s32 v2, v22  }
0x9f: {  	v32 =	vld.idx.msk [tilespmem:v27+s26+$0x0], $0xffff;
	v22 =	vadd.s32 v3, v22  }
0xa0: {  	v33 =	vld.idx.msk [tilespmem:v30+s26+$0x0], $0xffff  }
0xa1: {  	v24 =	vld.idx.msk [tilespmem:v24+s9+$0x0], $0xffff  }
0xa2: {  	v26 =	vld.idx.msk [tilespmem:v26+s9+$0x0], $0xffff  }
0xa3: {  	v29 =	vld.idx.msk [tilespmem:v29+s9+$0x0], $0xffff  }
0xa4: {  	v22 =	vld.idx.msk [tilespmem:v22+s9+$0x0], $0xffff;
	_ =	sdelay $0x3  }
0xa5: {  	v24 =	vadd.f32 v24, v28;
	v26 =	vadd.f32 v26, v31  }
0xa6: {  	v61 =	vadd.f32 v29, v32;
	v22 =	vadd.f32 v22, v33  }
0xa7: {  	v62 =	vadd.f32 v26, v24  }
0xa8: {  	v63 =	vadd.f32 v22, v61;
	v36 =	vmul.f32 v24, v24;
	v37 =	vmul.f32 v26, v26  }
0xa9: {  	v34 =	vmul.f32 v61, v61;
	v35 =	vmul.f32 v22, v22  }
0xaa: {  	v29 =	vadd.f32 v63, v62  }
0xab: {  	v38 =	vadd.f32 v37, v36;
	v39 =	vadd.f32 v35, v34;
	_ =	sdelay $0x1  }
0xac: {  	v40 =	vperm.xlane v29, v4;
	v31 =	vadd.f32 v39, v38;
	_ =	sdelay $0x1  }
0xad: {  	v29 =	vadd.f32 v29, v40;
	v32 =	vperm.xlane v31, v4;
	_ =	sdelay $0x1  }
0xae: {  	v33 =	vperm.xlane v29, v5;
	v31 =	vadd.f32 v32, v31;
	_ =	sdelay $0x1  }
0xaf: {  	v29 =	vadd.f32 v29, v33;
	v32 =	vperm.xlane v31, v5;
	_ =	sdelay $0x1  }
0xb0: {  	v33 =	vperm.xlane v29, v6;
	v31 =	vadd.f32 v32, v31;
	_ =	sdelay $0x1  }
0xb1: {  	v29 =	vadd.f32 v29, v33;
	v32 =	vperm.xlane v31, v6;
	_ =	sdelay $0x1  }
0xb2: {  	v33 =	vperm.xlane v29, v7;
	v31 =	vadd.f32 v32, v31;
	_ =	sdelay $0x1  }
0xb3: {  	v29 =	vadd.f32 v29, v33;
	v32 =	vperm.xlane v31, v7;
	_ =	sdelay $0x1  }
0xb4: {  	v31 =	vadd.f32 v32, v31;
	v29 =	vmul.f32 $1.562500000e-02, v29;
	_ =	sdelay $0x1  }
0xb5: {  	v31 =	vmul.f32 $1.562500000e-02, v31;
	v41 =	vmul.f32 v29, v29;
	_ =	sdelay $0x1  }
0xb6: {  	v31 =	vsub.f32 v31, v41;
	_ =	sdelay $0x1  }
0xb7: {  	v31 =	vadd.f32 $9.999999970e-07, v31;
	_ =	sdelay $0x1  }
0xb8: {  	v42 =	vshrl.u32 v31, $0x1;
	v31 =	vmul.f32 $5.000000000e-01, v31  }
0xb9: {  	v32 =	vsub.s32 $0x5F3759DF, v42  }
0xba: {  	v43 =	vmul.f32 v32, v31;
	_ =	sdelay $0x1  }
0xbb: {  	v33 =	vmul.f32 v32, v43;
	_ =	sdelay $0x1  }
0xbc: {  	v33 =	vsub.f32 $1.500000000e+00, v33;
	_ =	sdelay $0x1  }
0xbd: {  	v32 =	vmul.f32 v32, v33;
	_ =	sdelay $0x1  }
0xbe: {  	v33 =	vmul.f32 v32, v31;
	_ =	sdelay $0x1  }
0xbf: {  	v33 =	vmul.f32 v33, v32;
	_ =	sdelay $0x1  }
0xc0: {  	v33 =	vsub.f32 $1.500000000e+00, v33;
	_ =	sdelay $0x1  }
0xc1: {  	v32 =	vmul.f32 v33, v32;
	_ =	sdelay $0x1  }
0xc2: {  	v31 =	vmul.f32 v32, v31;
	_ =	sdelay $0x1  }
0xc3: {  	v31 =	vmul.f32 v31, v32;
	_ =	sdelay $0x1  }
0xc4: {  	v31 =	vsub.f32 $1.500000000e+00, v31;
	_ =	sdelay $0x1  }
0xc5: {  	v24 =	vsub.f32 v24, v29;
	v31 =	vmul.f32 v31, v32  }
0xc6: {  	v26 =	vsub.f32 v26, v29  }
0xc7: {  	v28 =	vsub.f32 v61, v29;
	v24 =	vmul.f32 v31, v24  }
0xc8: {  	v22 =	vsub.f32 v22, v29;
	v26 =	vmul.f32 v31, v26  }
0xc9: {  	v28 =	vmul.f32 v31, v28;
	v24 =	vmul.f32 v24, v12  }
0xca: {  	v22 =	vmul.f32 v31, v22;
	v26 =	vmul.f32 v26, v13  }
0xcb: {  	v28 =	vmul.f32 v28, v14;
	v24 =	vadd.f32 v24, v16  }
0xcc: {  	v44 =	vor.u32 $0x1, v21;
	v22 =	vmul.f32 v22, v15;
	v26 =	vadd.f32 v26, v17  }
0xcd: {  	v45 =	vadd.f32 v28, v18;
	[tilespmem:v23+s26+$0x0] =	vst.idx.msk $0xffff, v24  }
0xce: {  	v22 =	vadd.f32 v22, v19;
	[tilespmem:v25+s26+$0x0] =	vst.idx.msk $0xffff, v26  }
0xcf: {  	[tilespmem:v27+s26+$0x0] =	vst.idx.msk $0xffff, v45  }
0xd0: {  	[tilespmem:v30+s26+$0x0] =	vst.idx.msk $0xffff, v22  }
0xd1: {  	v46 =	vshll.u32 v44, $0x6;
	v22 =	vld.idx.msk [tilespmem:v44+s24+$0x0], $0xffff  }
0xd2: {  	v47 =	vor.u32 v0, v46  }
0xd3: {  	v49 =	vor.u32 v1, v46  }
0xd4: {  	v51 =	vor.u32 v2, v46  }
0xd5: {  	v23 =	vor.u32 v3, v46  }
0xd6: {  	v48 =	vadd.s32 v0, v22  }
0xd7: {  	v52 =	vld.idx.msk [tilespmem:v47+s26+$0x0], $0xffff;
	v50 =	vadd.s32 v1, v22  }
0xd8: {  	v54 =	vld.idx.msk [tilespmem:v49+s26+$0x0], $0xffff;
	v53 =	vadd.s32 v2, v22  }
0xd9: {  	v55 =	vld.idx.msk [tilespmem:v51+s26+$0x0], $0xffff;
	v22 =	vadd.s32 v3, v22  }
0xda: {  	v56 =	vld.idx.msk [tilespmem:v23+s26+$0x0], $0xffff  }
0xdb: {  	v25 =	vld.idx.msk [tilespmem:v48+s9+$0x0], $0xffff  }
0xdc: {  	v27 =	vld.idx.msk [tilespmem:v50+s9+$0x0], $0xffff  }
0xdd: {  	v30 =	vld.idx.msk [tilespmem:v53+s9+$0x0], $0xffff  }
0xde: {  	v22 =	vld.idx.msk [tilespmem:v22+s9+$0x0], $0xffff;
	_ =	sdelay $0x3  }
0xdf: {  	v25 =	vadd.f32 v25, v52;
	v27 =	vadd.f32 v27, v54  }
0xe0: {  	v57 =	vadd.f32 v30, v55;
	v22 =	vadd.f32 v22, v56  }
0xe1: {  	v58 =	vadd.f32 v27, v25  }
0xe2: {  	v59 =	vadd.f32 v22, v57;
	v60 =	vmul.f32 v25, v25;
	v61 =	vmul.f32 v27, v27  }
0xe3: {  	v62 =	vmul.f32 v57, v57;
	v63 =	vmul.f32 v22, v22  }
0xe4: {  	v30 =	vadd.f32 v59, v58  }
0xe5: {  	v36 =	vadd.f32 v61, v60;
	v37 =	vadd.f32 v63, v62;
	_ =	sdelay $0x1  }
0xe6: {  	v38 =	vperm.xlane v30, v4;
	v31 =	vadd.f32 v37, v36;
	_ =	sdelay $0x1  }
0xe7: {  	v30 =	vadd.f32 v30, v38;
	v32 =	vperm.xlane v31, v4;
	_ =	sdelay $0x1  }
0xe8: {  	v33 =	vperm.xlane v30, v5;
	v31 =	vadd.f32 v32, v31;
	_ =	sdelay $0x1  }
0xe9: {  	v30 =	vadd.f32 v30, v33;
	v32 =	vperm.xlane v31, v5;
	_ =	sdelay $0x1  }
0xea: {  	v33 =	vperm.xlane v30, v6;
	v31 =	vadd.f32 v32, v31;
	_ =	sdelay $0x1  }
0xeb: {  	v30 =	vadd.f32 v30, v33;
	v32 =	vperm.xlane v31, v6;
	_ =	sdelay $0x1  }
0xec: {  	v33 =	vperm.xlane v30, v7;
	v31 =	vadd.f32 v32, v31;
	_ =	sdelay $0x1  }
0xed: {  	v30 =	vadd.f32 v30, v33;
	v32 =	vperm.xlane v31, v7;
	_ =	sdelay $0x1  }
0xee: {  	v31 =	vadd.f32 v32, v31;
	v30 =	vmul.f32 $1.562500000e-02, v30;
	_ =	sdelay $0x1  }
0xef: {  	v31 =	vmul.f32 $1.562500000e-02, v31;
	v39 =	vmul.f32 v30, v30;
	_ =	sdelay $0x1  }
0xf0: {  	v31 =	vsub.f32 v31, v39;
	_ =	sdelay $0x1  }
0xf1: {  	v31 =	vadd.f32 $9.999999970e-07, v31;
	_ =	sdelay $0x1  }
0xf2: {  	v40 =	vshrl.u32 v31, $0x1;
	v31 =	vmul.f32 $5.000000000e-01, v31  }
0xf3: {  	v32 =	vsub.s32 $0x5F3759DF, v40  }
0xf4: {  	v41 =	vmul.f32 v32, v31;
	_ =	sdelay $0x1  }
0xf5: {  	v33 =	vmul.f32 v32, v41;
	_ =	sdelay $0x1  }
0xf6: {  	v33 =	vsub.f32 $1.500000000e+00, v33;
	_ =	sdelay $0x1  }
0xf7: {  	v32 =	vmul.f32 v32, v33;
	_ =	sdelay $0x1  }
0xf8: {  	v33 =	vmul.f32 v32, v31;
	_ =	sdelay $0x1  }
0xf9: {  	v33 =	vmul.f32 v33, v32;
	_ =	sdelay $0x1  }
0xfa: {  	v33 =	vsub.f32 $1.500000000e+00, v33;
	_ =	sdelay $0x1  }
0xfb: {  	v32 =	vmul.f32 v33, v32;
	_ =	sdelay $0x1  }
0xfc: {  	v31 =	vmul.f32 v32, v31;
	_ =	sdelay $0x1  }
0xfd: {  	v31 =	vmul.f32 v31, v32;
	_ =	sdelay $0x1  }
0xfe: {  	v31 =	vsub.f32 $1.500000000e+00, v31;
	_ =	sdelay $0x1  }
0xff: {  	v25 =	vsub.f32 v25, v30;
	v31 =	vmul.f32 v31, v32  }
0x100: {  	v27 =	vsub.f32 v27, v30  }
0x101: {  	v29 =	vsub.f32 v57, v30;
	v25 =	vmul.f32 v31, v25  }
0x102: {  	v22 =	vsub.f32 v22, v30;
	v27 =	vmul.f32 v31, v27  }
0x103: {  	v29 =	vmul.f32 v31, v29;
	v25 =	vmul.f32 v25, v12  }
0x104: {  	v22 =	vmul.f32 v31, v22;
	v27 =	vmul.f32 v27, v13  }
0x105: {  	v29 =	vmul.f32 v29, v14;
	v25 =	vadd.f32 v25, v16  }
0x106: {  	v42 =	vor.u32 $0x2, v21;
	v22 =	vmul.f32 v22, v15;
	v27 =	vadd.f32 v27, v17  }
0x107: {  	v43 =	vadd.f32 v29, v18;
	[tilespmem:v47+s26+$0x0] =	vst.idx.msk $0xffff, v25  }
0x108: {  	v22 =	vadd.f32 v22, v19;
	[tilespmem:v49+s26+$0x0] =	vst.idx.msk $0xffff, v27  }
0x109: {  	[tilespmem:v51+s26+$0x0] =	vst.idx.msk $0xffff, v43  }
0x10a: {  	[tilespmem:v23+s26+$0x0] =	vst.idx.msk $0xffff, v22  }
0x10b: {  	v44 =	vshll.u32 v42, $0x6;
	v22 =	vld.idx.msk [tilespmem:v42+s24+$0x0], $0xffff  }
0x10c: {  	v45 =	vor.u32 v0, v44  }
0x10d: {  	v47 =	vor.u32 v1, v44  }
0x10e: {  	v49 =	vor.u32 v2, v44  }
0x10f: {  	v23 =	vor.u32 v3, v44  }
0x110: {  	v46 =	vadd.s32 v0, v22  }
0x111: {  	v50 =	vld.idx.msk [tilespmem:v45+s26+$0x0], $0xffff;
	v48 =	vadd.s32 v1, v22  }
0x112: {  	v52 =	vld.idx.msk [tilespmem:v47+s26+$0x0], $0xffff;
	v51 =	vadd.s32 v2, v22  }
0x113: {  	v53 =	vld.idx.msk [tilespmem:v49+s26+$0x0], $0xffff;
	v22 =	vadd.s32 v3, v22  }
0x114: {  	v54 =	vld.idx.msk [tilespmem:v23+s26+$0x0], $0xffff  }
0x115: {  	v25 =	vld.idx.msk [tilespmem:v46+s9+$0x0], $0xffff  }
0x116: {  	v27 =	vld.idx.msk [tilespmem:v48+s9+$0x0], $0xffff  }
0x117: {  	v30 =	vld.idx.msk [tilespmem:v51+s9+$0x0], $0xffff  }
0x118: {  	v22 =	vld.idx.msk [tilespmem:v22+s9+$0x0], $0xffff;
	_ =	sdelay $0x3  }
0x119: {  	v25 =	vadd.f32 v25, v50;
	v27 =	vadd.f32 v27, v52  }
0x11a: {  	v55 =	vadd.f32 v30, v53;
	v22 =	vadd.f32 v22, v54  }
0x11b: {  	v56 =	vadd.f32 v27, v25  }
0x11c: {  	v57 =	vadd.f32 v22, v55;
	v58 =	vmul.f32 v25, v25;
	v59 =	vmul.f32 v27, v27  }
0x11d: {  	v60 =	vmul.f32 v55, v55;
	v61 =	vmul.f32 v22, v22  }
0x11e: {  	v30 =	vadd.f32 v57, v56  }
0x11f: {  	v62 =	vadd.f32 v59, v58;
	v63 =	vadd.f32 v61, v60;
	_ =	sdelay $0x1  }
0x120: {  	v36 =	vperm.xlane v30, v4;
	v31 =	vadd.f32 v63, v62;
	_ =	sdelay $0x1  }
0x121: {  	v30 =	vadd.f32 v30, v36;
	v32 =	vperm.xlane v31, v4;
	_ =	sdelay $0x1  }
0x122: {  	v33 =	vperm.xlane v30, v5;
	v31 =	vadd.f32 v32, v31;
	_ =	sdelay $0x1  }
0x123: {  	v30 =	vadd.f32 v30, v33;
	v32 =	vperm.xlane v31, v5;
	_ =	sdelay $0x1  }
0x124: {  	v33 =	vperm.xlane v30, v6;
	v31 =	vadd.f32 v32, v31;
	_ =	sdelay $0x1  }
0x125: {  	v30 =	vadd.f32 v30, v33;
	v32 =	vperm.xlane v31, v6;
	_ =	sdelay $0x1  }
0x126: {  	v33 =	vperm.xlane v30, v7;
	v31 =	vadd.f32 v32, v31;
	_ =	sdelay $0x1  }
0x127: {  	v30 =	vadd.f32 v30, v33;
	v32 =	vperm.xlane v31, v7;
	_ =	sdelay $0x1  }
0x128: {  	v31 =	vadd.f32 v32, v31;
	v30 =	vmul.f32 $1.562500000e-02, v30;
	_ =	sdelay $0x1  }
0x129: {  	v31 =	vmul.f32 $1.562500000e-02, v31;
	v37 =	vmul.f32 v30, v30;
	_ =	sdelay $0x1  }
0x12a: {  	v31 =	vsub.f32 v31, v37;
	_ =	sdelay $0x1  }
0x12b: {  	v31 =	vadd.f32 $9.999999970e-07, v31;
	_ =	sdelay $0x1  }
0x12c: {  	v38 =	vshrl.u32 v31, $0x1;
	v31 =	vmul.f32 $5.000000000e-01, v31  }
0x12d: {  	v32 =	vsub.s32 $0x5F3759DF, v38  }
0x12e: {  	v39 =	vmul.f32 v32, v31;
	_ =	sdelay $0x1  }
0x12f: {  	v33 =	vmul.f32 v32, v39;
	_ =	sdelay $0x1  }
0x130: {  	v33 =	vsub.f32 $1.500000000e+00, v33;
	_ =	sdelay $0x1  }
0x131: {  	v32 =	vmul.f32 v32, v33;
	_ =	sdelay $0x1  }
0x132: {  	v33 =	vmul.f32 v32, v31;
	_ =	sdelay $0x1  }
0x133: {  	v33 =	vmul.f32 v33, v32;
	_ =	sdelay $0x1  }
0x134: {  	v33 =	vsub.f32 $1.500000000e+00, v33;
	_ =	sdelay $0x1  }
0x135: {  	v32 =	vmul.f32 v33, v32;
	_ =	sdelay $0x1  }
0x136: {  	v31 =	vmul.f32 v32, v31;
	_ =	sdelay $0x1  }
0x137: {  	v31 =	vmul.f32 v31, v32;
	_ =	sdelay $0x1  }
0x138: {  	v31 =	vsub.f32 $1.500000000e+00, v31;
	_ =	sdelay $0x1  }
0x139: {  	v25 =	vsub.f32 v25, v30;
	v31 =	vmul.f32 v31, v32  }
0x13a: {  	v27 =	vsub.f32 v27, v30  }
0x13b: {  	v29 =	vsub.f32 v55, v30;
	v25 =	vmul.f32 v31, v25  }
0x13c: {  	v22 =	vsub.f32 v22, v30;
	v27 =	vmul.f32 v31, v27  }
0x13d: {  	v29 =	vmul.f32 v31, v29;
	v25 =	vmul.f32 v25, v12  }
0x13e: {  	v22 =	vmul.f32 v31, v22;
	v27 =	vmul.f32 v27, v13  }
0x13f: {  	v29 =	vmul.f32 v29, v14;
	v25 =	vadd.f32 v25, v16  }
0x140: {  	v21 =	vor.u32 $0x3, v21;
	v22 =	vmul.f32 v22, v15;
	v27 =	vadd.f32 v27, v17  }
0x141: {  	v40 =	vadd.f32 v29, v18;
	[tilespmem:v45+s26+$0x0] =	vst.idx.msk $0xffff, v25  }
0x142: {  	v22 =	vadd.f32 v22, v19;
	[tilespmem:v47+s26+$0x0] =	vst.idx.msk $0xffff, v27  }
0x143: {  	[tilespmem:v49+s26+$0x0] =	vst.idx.msk $0xffff, v40  }
0x144: {  	[tilespmem:v23+s26+$0x0] =	vst.idx.msk $0xffff, v22  }
0x145: {  	v21 =	vld.idx.msk [tilespmem:v21+s24+$0x0], $0xffff  }
0x146: {  	v41 =	vor.u32 v8, v20  }
0x147: {  	v43 =	vor.u32 v9, v20  }
0x148: {  	v45 =	vor.u32 v10, v20  }
0x149: {  	v20 =	vor.u32 v11, v20  }
0x14a: {  	v42 =	vadd.s32 v0, v21  }
0x14b: {  	v27 =	vld.idx.msk [tilespmem:v41+s26+$0x0], $0xffff;
	v44 =	vadd.s32 v1, v21  }
0x14c: {  	v47 =	vld.idx.msk [tilespmem:v43+s26+$0x0], $0xffff;
	v46 =	vadd.s32 v2, v21  }
0x14d: {  	v48 =	vld.idx.msk [tilespmem:v45+s26+$0x0], $0xffff;
	v21 =	vadd.s32 v3, v21  }
0x14e: {  	v49 =	vld.idx.msk [tilespmem:v20+s26+$0x0], $0xffff  }
0x14f: {  	v23 =	vld.idx.msk [tilespmem:v42+s9+$0x0], $0xffff  }
0x150: {  	v25 =	vld.idx.msk [tilespmem:v44+s9+$0x0], $0xffff  }
0x151: {  	v28 =	vld.idx.msk [tilespmem:v46+s9+$0x0], $0xffff  }
0x152: {  	v21 =	vld.idx.msk [tilespmem:v21+s9+$0x0], $0xffff;
	_ =	sdelay $0x3  }
0x153: {  	v23 =	vadd.f32 v23, v27;
	v25 =	vadd.f32 v25, v47  }
0x154: {  	v50 =	vadd.f32 v28, v48;
	v21 =	vadd.f32 v21, v49  }
0x155: {  	v51 =	vadd.f32 v25, v23  }
0x156: {  	v52 =	vadd.f32 v21, v50;
	v53 =	vmul.f32 v23, v23;
	v54 =	vmul.f32 v25, v25  }
0x157: {  	v55 =	vmul.f32 v50, v50;
	v56 =	vmul.f32 v21, v21  }
0x158: {  	v28 =	vadd.f32 v52, v51  }
0x159: {  	v57 =	vadd.f32 v54, v53;
	v58 =	vadd.f32 v56, v55;
	_ =	sdelay $0x1  }
0x15a: {  	v59 =	vperm.xlane v28, v4;
	v29 =	vadd.f32 v58, v57;
	_ =	sdelay $0x1  }
0x15b: {  	v28 =	vadd.f32 v28, v59;
	v30 =	vperm.xlane v29, v4;
	_ =	sdelay $0x1  }
0x15c: {  	v31 =	vperm.xlane v28, v5;
	v29 =	vadd.f32 v30, v29;
	_ =	sdelay $0x1  }
0x15d: {  	v28 =	vadd.f32 v28, v31;
	v30 =	vperm.xlane v29, v5;
	_ =	sdelay $0x1  }
0x15e: {  	v31 =	vperm.xlane v28, v6;
	v29 =	vadd.f32 v30, v29;
	_ =	sdelay $0x1  }
0x15f: {  	v28 =	vadd.f32 v28, v31;
	v30 =	vperm.xlane v29, v6;
	_ =	sdelay $0x1  }
0x160: {  	v31 =	vperm.xlane v28, v7;
	v29 =	vadd.f32 v30, v29;
	_ =	sdelay $0x1  }
0x161: {  	v28 =	vadd.f32 v28, v31;
	v30 =	vperm.xlane v29, v7;
	_ =	sdelay $0x1  }
0x162: {  	v29 =	vadd.f32 v30, v29;
	v28 =	vmul.f32 $1.562500000e-02, v28;
	_ =	sdelay $0x1  }
0x163: {  	v29 =	vmul.f32 $1.562500000e-02, v29;
	v60 =	vmul.f32 v28, v28;
	_ =	sdelay $0x1  }
0x164: {  	v29 =	vsub.f32 v29, v60;
	_ =	sdelay $0x1  }
0x165: {  	v29 =	vadd.f32 $9.999999970e-07, v29;
	_ =	sdelay $0x1  }
0x166: {  	v61 =	vshrl.u32 v29, $0x1;
	v29 =	vmul.f32 $5.000000000e-01, v29  }
0x167: {  	v30 =	vsub.s32 $0x5F3759DF, v61  }
0x168: {  	v62 =	vmul.f32 v30, v29;
	_ =	sdelay $0x1  }
0x169: {  	v31 =	vmul.f32 v30, v62;
	_ =	sdelay $0x1  }
0x16a: {  	v31 =	vsub.f32 $1.500000000e+00, v31;
	_ =	sdelay $0x1  }
0x16b: {  	v30 =	vmul.f32 v30, v31;
	_ =	sdelay $0x1  }
0x16c: {  	v31 =	vmul.f32 v30, v29;
	_ =	sdelay $0x1  }
0x16d: {  	v31 =	vmul.f32 v31, v30;
	_ =	sdelay $0x1  }
0x16e: {  	v31 =	vsub.f32 $1.500000000e+00, v31;
	_ =	sdelay $0x1  }
0x16f: {  	v30 =	vmul.f32 v31, v30;
	_ =	sdelay $0x1  }
0x170: {  	v29 =	vmul.f32 v30, v29;
	_ =	sdelay $0x1  }
0x171: {  	v29 =	vmul.f32 v29, v30;
	_ =	sdelay $0x1  }
0x172: {  	v29 =	vsub.f32 $1.500000000e+00, v29;
	_ =	sdelay $0x1  }
0x173: {  	v23 =	vsub.f32 v23, v28;
	v29 =	vmul.f32 v29, v30  }
0x174: {  	v25 =	vsub.f32 v25, v28  }
0x175: {  	v27 =	vsub.f32 v50, v28;
	v23 =	vmul.f32 v29, v23  }
0x176: {  	v21 =	vsub.f32 v21, v28;
	v25 =	vmul.f32 v29, v25  }
0x177: {  	v27 =	vmul.f32 v29, v27;
	v23 =	vmul.f32 v23, v12  }
0x178: {  	v21 =	vmul.f32 v29, v21;
	v25 =	vmul.f32 v25, v13  }
0x179: {  	p0 =	sne.s32 s30, $0x27C;
	v27 =	vmul.f32 v27, v14;
	v23 =	vadd.f32 v23, v16  }
.Ltmp2:
0x17a: {  	v21 =	vmul.f32 v21, v15;
	v25 =	vadd.f32 v25, v17;
	(pc) =	sbr.rel @p0 .LBB2_7-.Ltmp2, $4  }
0x17b: {  	v63 =	vadd.f32 v27, v18;
	[tilespmem:v41+s26+$0x0] =	vst.idx.msk $0xffff, v23  }
0x17c: {  	v21 =	vadd.f32 v21, v19;
	[tilespmem:v43+s26+$0x0] =	vst.idx.msk $0xffff, v25  }
0x17d: {  	[tilespmem:v45+s26+$0x0] =	vst.idx.msk $0xffff, v63  }
0x17e: {  	s30 =	sadd.s32 $0x4, s30;
	[tilespmem:v20+s26+$0x0] =	vst.idx.msk $0xffff, v21  }
0x17f: {  	s17 =	sshll.u32 s29, $0x3  }
0x180: {  	s29 =	simm.s32 $0x0;
	s17 =	sadd.s32 s3, s17  }
0x181: {  	[hbm4b:s17+s29] =	stream.linear.scatter [tilespmem:s26], [sflag:$0x3], $0xA000, $0x38;
	[tilespmem:$0x1AF00] =	vst v63  }
0x182: {  	_ =	swait.ge [sflag:s11], $0x2000  }
0x183: {  	[sflag:s11] =	ssyncset.done $0x0  }
0x184: {  	[sflag:s11] =	ssyncadd.s32 $0xFFFFE000  }
0x185: {  	_ =	swait.ge [sflag:s11], $0x2000  }
0x186: {  	[sflag:s11] =	ssyncset.done $0x0  }
0x187: {  	[sflag:s11] =	ssyncadd.s32 $0xFFFFE000  }
0x188: {  	_ =	swait.ge [sflag:s11], $0x2000  }
0x189: {  	[sflag:s11] =	ssyncset.done $0x0  }
0x18a: {  	[sflag:s11] =	ssyncadd.s32 $0xFFFFE000  }
0x18b: {  	_ =	swait.ge [sflag:s11], $0x2000  }
0x18c: {  	[sflag:s11] =	ssyncset.done $0x0  }
0x18d: {  	[sflag:s11] =	ssyncadd.s32 $0xFFFFE000  }
0x18e: {  	_ =	swait.ge [sflag:s11], $0x2000  }
0x18f: {  	s30 =	simm.s32 $0x0;
	[sflag:s11] =	ssyncset.done $0x0  }
0x190: {  	v20 =	vor.u32 s0, v0;
	s31 =	simm.s32 $0x40;
	s17 =	smov.u32 s0;
	[sflag:s11] =	ssyncadd.s32 $0xFFFFE000  }
.LBB2_9:
0x191: {  	p0 =	sne.s32 s31, $0x9C0;
	v21 =	vld [tilespmem:s30+$0x780];
	v22 =	vmulhi.u32 $0x51EB851F, v20;
	_ =	sdelay $0x1  }
0x192: {  	v22 =	vshrl.u32 v22, $0x6  }
0x193: {  	v22 =	vmul.u32 $0xC8, v22  }
.Ltmp3:
0x194: {  	(pc) =	sbr.rel @p0 .LBB2_9-.Ltmp3, $4  }
0x195: {  	v20 =	vsub.s32 v20, v22;
	v21 =	vmul.u32 $0x3200, v21  }
0x196: {  	v20 =	vshll.u32 v20, $0x6  }
0x197: {  	s17 =	sadd.s32 $0x10, s17;
	v21 =	vadd.s32 v20, v21  }
0x198: {  	v20 =	vor.u32 s17, v0;
	[tilespmem:s30+$0x780] =	vst v21;
	s30 =	sshra.s32 s31, $0x2;
	s31 =	sadd.s32 $0x40, s31  }
0x199: {  	v21 =	vld [tilespmem:s30+$0x780];
	v22 =	vmulhi.u32 $0x51EB851F, v20;
	_ =	sdelay $0x1  }
0x19a: {  	v22 =	vshrl.u32 v22, $0x6  }
0x19b: {  	v22 =	vmul.u32 $0xC8, v22;
	_ =	sdelay $0x1  }
0x19c: {  	v20 =	vsub.s32 v20, v22;
	v21 =	vmul.u32 $0x3200, v21  }
0x19d: {  	v20 =	vshll.u32 v20, $0x6  }
0x19e: {  	v20 =	vadd.s32 v20, v21  }
0x19f: {  	[tilespmem:s30+$0x780] =	vst v20  }
.LBB2_11:
0x1a0: {  	v21 =	vmov s29;
	_ =	sdelay $0x4  }
0x1a1: {  	v20 =	vshll.u32 v21, $0x6;
	v22 =	vld.idx.msk [tilespmem:v21+s20+$0x0], $0xffff  }
0x1a2: {  	v23 =	vor.u32 v0, v20  }
0x1a3: {  	v25 =	vor.u32 v1, v20  }
0x1a4: {  	v27 =	vor.u32 v2, v20  }
0x1a5: {  	v30 =	vor.u32 v3, v20  }
0x1a6: {  	v24 =	vadd.s32 v0, v22  }
0x1a7: {  	v28 =	vld.idx.msk [tilespmem:v23+s22+$0x0], $0xffff;
	v26 =	vadd.s32 v1, v22  }
0x1a8: {  	v31 =	vld.idx.msk [tilespmem:v25+s22+$0x0], $0xffff;
	v29 =	vadd.s32 v2, v22  }
0x1a9: {  	v32 =	vld.idx.msk [tilespmem:v27+s22+$0x0], $0xffff;
	v22 =	vadd.s32 v3, v22  }
0x1aa: {  	v33 =	vld.idx.msk [tilespmem:v30+s22+$0x0], $0xffff  }
0x1ab: {  	v24 =	vld.idx.msk [tilespmem:v24+s9+$0x0], $0xffff  }
0x1ac: {  	v26 =	vld.idx.msk [tilespmem:v26+s9+$0x0], $0xffff  }
0x1ad: {  	v29 =	vld.idx.msk [tilespmem:v29+s9+$0x0], $0xffff  }
0x1ae: {  	v22 =	vld.idx.msk [tilespmem:v22+s9+$0x0], $0xffff;
	_ =	sdelay $0x3  }
0x1af: {  	v24 =	vadd.f32 v24, v28;
	v26 =	vadd.f32 v26, v31  }
0x1b0: {  	v61 =	vadd.f32 v29, v32;
	v22 =	vadd.f32 v22, v33  }
0x1b1: {  	v62 =	vadd.f32 v26, v24  }
0x1b2: {  	v63 =	vadd.f32 v22, v61;
	v36 =	vmul.f32 v24, v24;
	v37 =	vmul.f32 v26, v26  }
0x1b3: {  	v34 =	vmul.f32 v61, v61;
	v35 =	vmul.f32 v22, v22  }
0x1b4: {  	v29 =	vadd.f32 v63, v62  }
0x1b5: {  	v38 =	vadd.f32 v37, v36;
	v39 =	vadd.f32 v35, v34;
	_ =	sdelay $0x1  }
0x1b6: {  	v40 =	vperm.xlane v29, v4;
	v31 =	vadd.f32 v39, v38;
	_ =	sdelay $0x1  }
0x1b7: {  	v29 =	vadd.f32 v29, v40;
	v32 =	vperm.xlane v31, v4;
	_ =	sdelay $0x1  }
0x1b8: {  	v33 =	vperm.xlane v29, v5;
	v31 =	vadd.f32 v32, v31;
	_ =	sdelay $0x1  }
0x1b9: {  	v29 =	vadd.f32 v29, v33;
	v32 =	vperm.xlane v31, v5;
	_ =	sdelay $0x1  }
0x1ba: {  	v33 =	vperm.xlane v29, v6;
	v31 =	vadd.f32 v32, v31;
	_ =	sdelay $0x1  }
0x1bb: {  	v29 =	vadd.f32 v29, v33;
	v32 =	vperm.xlane v31, v6;
	_ =	sdelay $0x1  }
0x1bc: {  	v33 =	vperm.xlane v29, v7;
	v31 =	vadd.f32 v32, v31;
	_ =	sdelay $0x1  }
0x1bd: {  	v29 =	vadd.f32 v29, v33;
	v32 =	vperm.xlane v31, v7;
	_ =	sdelay $0x1  }
0x1be: {  	v31 =	vadd.f32 v32, v31;
	v29 =	vmul.f32 $1.562500000e-02, v29;
	_ =	sdelay $0x1  }
0x1bf: {  	v31 =	vmul.f32 $1.562500000e-02, v31;
	v41 =	vmul.f32 v29, v29;
	_ =	sdelay $0x1  }
0x1c0: {  	v31 =	vsub.f32 v31, v41;
	_ =	sdelay $0x1  }
0x1c1: {  	v31 =	vadd.f32 $9.999999970e-07, v31;
	_ =	sdelay $0x1  }
0x1c2: {  	v42 =	vshrl.u32 v31, $0x1;
	v31 =	vmul.f32 $5.000000000e-01, v31  }
0x1c3: {  	v32 =	vsub.s32 $0x5F3759DF, v42  }
0x1c4: {  	v43 =	vmul.f32 v32, v31;
	_ =	sdelay $0x1  }
0x1c5: {  	v33 =	vmul.f32 v32, v43;
	_ =	sdelay $0x1  }
0x1c6: {  	v33 =	vsub.f32 $1.500000000e+00, v33;
	_ =	sdelay $0x1  }
0x1c7: {  	v32 =	vmul.f32 v32, v33;
	_ =	sdelay $0x1  }
0x1c8: {  	v33 =	vmul.f32 v32, v31;
	_ =	sdelay $0x1  }
0x1c9: {  	v33 =	vmul.f32 v33, v32;
	_ =	sdelay $0x1  }
0x1ca: {  	v33 =	vsub.f32 $1.500000000e+00, v33;
	_ =	sdelay $0x1  }
0x1cb: {  	v32 =	vmul.f32 v33, v32;
	_ =	sdelay $0x1  }
0x1cc: {  	v31 =	vmul.f32 v32, v31;
	_ =	sdelay $0x1  }
0x1cd: {  	v31 =	vmul.f32 v31, v32;
	_ =	sdelay $0x1  }
0x1ce: {  	v31 =	vsub.f32 $1.500000000e+00, v31;
	_ =	sdelay $0x1  }
0x1cf: {  	v24 =	vsub.f32 v24, v29;
	v31 =	vmul.f32 v31, v32  }
0x1d0: {  	v26 =	vsub.f32 v26, v29  }
0x1d1: {  	v28 =	vsub.f32 v61, v29;
	v24 =	vmul.f32 v31, v24  }
0x1d2: {  	v22 =	vsub.f32 v22, v29;
	v26 =	vmul.f32 v31, v26  }
0x1d3: {  	v28 =	vmul.f32 v31, v28;
	v24 =	vmul.f32 v24, v12  }
0x1d4: {  	v22 =	vmul.f32 v31, v22;
	v26 =	vmul.f32 v26, v13  }
0x1d5: {  	v28 =	vmul.f32 v28, v14;
	v24 =	vadd.f32 v24, v16  }
0x1d6: {  	v44 =	vor.u32 $0x1, v21;
	v22 =	vmul.f32 v22, v15;
	v26 =	vadd.f32 v26, v17  }
0x1d7: {  	v45 =	vadd.f32 v28, v18;
	[tilespmem:v23+s22+$0x0] =	vst.idx.msk $0xffff, v24  }
0x1d8: {  	v22 =	vadd.f32 v22, v19;
	[tilespmem:v25+s22+$0x0] =	vst.idx.msk $0xffff, v26  }
0x1d9: {  	[tilespmem:v27+s22+$0x0] =	vst.idx.msk $0xffff, v45  }
0x1da: {  	[tilespmem:v30+s22+$0x0] =	vst.idx.msk $0xffff, v22  }
0x1db: {  	v46 =	vshll.u32 v44, $0x6;
	v22 =	vld.idx.msk [tilespmem:v44+s20+$0x0], $0xffff  }
0x1dc: {  	v47 =	vor.u32 v0, v46  }
0x1dd: {  	v49 =	vor.u32 v1, v46  }
0x1de: {  	v51 =	vor.u32 v2, v46  }
0x1df: {  	v23 =	vor.u32 v3, v46  }
0x1e0: {  	v48 =	vadd.s32 v0, v22  }
0x1e1: {  	v52 =	vld.idx.msk [tilespmem:v47+s22+$0x0], $0xffff;
	v50 =	vadd.s32 v1, v22  }
0x1e2: {  	v54 =	vld.idx.msk [tilespmem:v49+s22+$0x0], $0xffff;
	v53 =	vadd.s32 v2, v22  }
0x1e3: {  	v55 =	vld.idx.msk [tilespmem:v51+s22+$0x0], $0xffff;
	v22 =	vadd.s32 v3, v22  }
0x1e4: {  	v56 =	vld.idx.msk [tilespmem:v23+s22+$0x0], $0xffff  }
0x1e5: {  	v25 =	vld.idx.msk [tilespmem:v48+s9+$0x0], $0xffff  }
0x1e6: {  	v27 =	vld.idx.msk [tilespmem:v50+s9+$0x0], $0xffff  }
0x1e7: {  	v30 =	vld.idx.msk [tilespmem:v53+s9+$0x0], $0xffff  }
0x1e8: {  	v22 =	vld.idx.msk [tilespmem:v22+s9+$0x0], $0xffff;
	_ =	sdelay $0x3  }
0x1e9: {  	v25 =	vadd.f32 v25, v52;
	v27 =	vadd.f32 v27, v54  }
0x1ea: {  	v57 =	vadd.f32 v30, v55;
	v22 =	vadd.f32 v22, v56  }
0x1eb: {  	v58 =	vadd.f32 v27, v25  }
0x1ec: {  	v59 =	vadd.f32 v22, v57;
	v60 =	vmul.f32 v25, v25;
	v61 =	vmul.f32 v27, v27  }
0x1ed: {  	v62 =	vmul.f32 v57, v57;
	v63 =	vmul.f32 v22, v22  }
0x1ee: {  	v30 =	vadd.f32 v59, v58  }
0x1ef: {  	v36 =	vadd.f32 v61, v60;
	v37 =	vadd.f32 v63, v62;
	_ =	sdelay $0x1  }
0x1f0: {  	v38 =	vperm.xlane v30, v4;
	v31 =	vadd.f32 v37, v36;
	_ =	sdelay $0x1  }
0x1f1: {  	v30 =	vadd.f32 v30, v38;
	v32 =	vperm.xlane v31, v4;
	_ =	sdelay $0x1  }
0x1f2: {  	v33 =	vperm.xlane v30, v5;
	v31 =	vadd.f32 v32, v31;
	_ =	sdelay $0x1  }
0x1f3: {  	v30 =	vadd.f32 v30, v33;
	v32 =	vperm.xlane v31, v5;
	_ =	sdelay $0x1  }
0x1f4: {  	v33 =	vperm.xlane v30, v6;
	v31 =	vadd.f32 v32, v31;
	_ =	sdelay $0x1  }
0x1f5: {  	v30 =	vadd.f32 v30, v33;
	v32 =	vperm.xlane v31, v6;
	_ =	sdelay $0x1  }
0x1f6: {  	v33 =	vperm.xlane v30, v7;
	v31 =	vadd.f32 v32, v31;
	_ =	sdelay $0x1  }
0x1f7: {  	v30 =	vadd.f32 v30, v33;
	v32 =	vperm.xlane v31, v7;
	_ =	sdelay $0x1  }
0x1f8: {  	v31 =	vadd.f32 v32, v31;
	v30 =	vmul.f32 $1.562500000e-02, v30;
	_ =	sdelay $0x1  }
0x1f9: {  	v31 =	vmul.f32 $1.562500000e-02, v31;
	v39 =	vmul.f32 v30, v30;
	_ =	sdelay $0x1  }
0x1fa: {  	v31 =	vsub.f32 v31, v39;
	_ =	sdelay $0x1  }
0x1fb: {  	v31 =	vadd.f32 $9.999999970e-07, v31;
	_ =	sdelay $0x1  }
0x1fc: {  	v40 =	vshrl.u32 v31, $0x1;
	v31 =	vmul.f32 $5.000000000e-01, v31  }
0x1fd: {  	v32 =	vsub.s32 $0x5F3759DF, v40  }
0x1fe: {  	v41 =	vmul.f32 v32, v31;
	_ =	sdelay $0x1  }
0x1ff: {  	v33 =	vmul.f32 v32, v41;
	_ =	sdelay $0x1  }
0x200: {  	v33 =	vsub.f32 $1.500000000e+00, v33;
	_ =	sdelay $0x1  }
0x201: {  	v32 =	vmul.f32 v32, v33;
	_ =	sdelay $0x1  }
0x202: {  	v33 =	vmul.f32 v32, v31;
	_ =	sdelay $0x1  }
0x203: {  	v33 =	vmul.f32 v33, v32;
	_ =	sdelay $0x1  }
0x204: {  	v33 =	vsub.f32 $1.500000000e+00, v33;
	_ =	sdelay $0x1  }
0x205: {  	v32 =	vmul.f32 v33, v32;
	_ =	sdelay $0x1  }
0x206: {  	v31 =	vmul.f32 v32, v31;
	_ =	sdelay $0x1  }
0x207: {  	v31 =	vmul.f32 v31, v32;
	_ =	sdelay $0x1  }
0x208: {  	v31 =	vsub.f32 $1.500000000e+00, v31;
	_ =	sdelay $0x1  }
0x209: {  	v25 =	vsub.f32 v25, v30;
	v31 =	vmul.f32 v31, v32  }
0x20a: {  	v27 =	vsub.f32 v27, v30  }
0x20b: {  	v29 =	vsub.f32 v57, v30;
	v25 =	vmul.f32 v31, v25  }
0x20c: {  	v22 =	vsub.f32 v22, v30;
	v27 =	vmul.f32 v31, v27  }
0x20d: {  	v29 =	vmul.f32 v31, v29;
	v25 =	vmul.f32 v25, v12  }
0x20e: {  	v22 =	vmul.f32 v31, v22;
	v27 =	vmul.f32 v27, v13  }
0x20f: {  	v29 =	vmul.f32 v29, v14;
	v25 =	vadd.f32 v25, v16  }
0x210: {  	v42 =	vor.u32 $0x2, v21;
	v22 =	vmul.f32 v22, v15;
	v27 =	vadd.f32 v27, v17  }
0x211: {  	v43 =	vadd.f32 v29, v18;
	[tilespmem:v47+s22+$0x0] =	vst.idx.msk $0xffff, v25  }
0x212: {  	v22 =	vadd.f32 v22, v19;
	[tilespmem:v49+s22+$0x0] =	vst.idx.msk $0xffff, v27  }
0x213: {  	[tilespmem:v51+s22+$0x0] =	vst.idx.msk $0xffff, v43  }
0x214: {  	[tilespmem:v23+s22+$0x0] =	vst.idx.msk $0xffff, v22  }
0x215: {  	v44 =	vshll.u32 v42, $0x6;
	v22 =	vld.idx.msk [tilespmem:v42+s20+$0x0], $0xffff  }
0x216: {  	v45 =	vor.u32 v0, v44  }
0x217: {  	v47 =	vor.u32 v1, v44  }
0x218: {  	v49 =	vor.u32 v2, v44  }
0x219: {  	v23 =	vor.u32 v3, v44  }
0x21a: {  	v46 =	vadd.s32 v0, v22  }
0x21b: {  	v50 =	vld.idx.msk [tilespmem:v45+s22+$0x0], $0xffff;
	v48 =	vadd.s32 v1, v22  }
0x21c: {  	v52 =	vld.idx.msk [tilespmem:v47+s22+$0x0], $0xffff;
	v51 =	vadd.s32 v2, v22  }
0x21d: {  	v53 =	vld.idx.msk [tilespmem:v49+s22+$0x0], $0xffff;
	v22 =	vadd.s32 v3, v22  }
0x21e: {  	v54 =	vld.idx.msk [tilespmem:v23+s22+$0x0], $0xffff  }
0x21f: {  	v25 =	vld.idx.msk [tilespmem:v46+s9+$0x0], $0xffff  }
0x220: {  	v27 =	vld.idx.msk [tilespmem:v48+s9+$0x0], $0xffff  }
0x221: {  	v30 =	vld.idx.msk [tilespmem:v51+s9+$0x0], $0xffff  }
0x222: {  	v22 =	vld.idx.msk [tilespmem:v22+s9+$0x0], $0xffff;
	_ =	sdelay $0x3  }
0x223: {  	v25 =	vadd.f32 v25, v50;
	v27 =	vadd.f32 v27, v52  }
0x224: {  	v55 =	vadd.f32 v30, v53;
	v22 =	vadd.f32 v22, v54  }
0x225: {  	v56 =	vadd.f32 v27, v25  }
0x226: {  	v57 =	vadd.f32 v22, v55;
	v58 =	vmul.f32 v25, v25;
	v59 =	vmul.f32 v27, v27  }
0x227: {  	v60 =	vmul.f32 v55, v55;
	v61 =	vmul.f32 v22, v22  }
0x228: {  	v30 =	vadd.f32 v57, v56  }
0x229: {  	v62 =	vadd.f32 v59, v58;
	v63 =	vadd.f32 v61, v60;
	_ =	sdelay $0x1  }
0x22a: {  	v36 =	vperm.xlane v30, v4;
	v31 =	vadd.f32 v63, v62;
	_ =	sdelay $0x1  }
0x22b: {  	v30 =	vadd.f32 v30, v36;
	v32 =	vperm.xlane v31, v4;
	_ =	sdelay $0x1  }
0x22c: {  	v33 =	vperm.xlane v30, v5;
	v31 =	vadd.f32 v32, v31;
	_ =	sdelay $0x1  }
0x22d: {  	v30 =	vadd.f32 v30, v33;
	v32 =	vperm.xlane v31, v5;
	_ =	sdelay $0x1  }
0x22e: {  	v33 =	vperm.xlane v30, v6;
	v31 =	vadd.f32 v32, v31;
	_ =	sdelay $0x1  }
0x22f: {  	v30 =	vadd.f32 v30, v33;
	v32 =	vperm.xlane v31, v6;
	_ =	sdelay $0x1  }
0x230: {  	v33 =	vperm.xlane v30, v7;
	v31 =	vadd.f32 v32, v31;
	_ =	sdelay $0x1  }
0x231: {  	v30 =	vadd.f32 v30, v33;
	v32 =	vperm.xlane v31, v7;
	_ =	sdelay $0x1  }
0x232: {  	v31 =	vadd.f32 v32, v31;
	v30 =	vmul.f32 $1.562500000e-02, v30;
	_ =	sdelay $0x1  }
0x233: {  	v31 =	vmul.f32 $1.562500000e-02, v31;
	v37 =	vmul.f32 v30, v30;
	_ =	sdelay $0x1  }
0x234: {  	v31 =	vsub.f32 v31, v37;
	_ =	sdelay $0x1  }
0x235: {  	v31 =	vadd.f32 $9.999999970e-07, v31;
	_ =	sdelay $0x1  }
0x236: {  	v38 =	vshrl.u32 v31, $0x1;
	v31 =	vmul.f32 $5.000000000e-01, v31  }
0x237: {  	v32 =	vsub.s32 $0x5F3759DF, v38  }
0x238: {  	v39 =	vmul.f32 v32, v31;
	_ =	sdelay $0x1  }
0x239: {  	v33 =	vmul.f32 v32, v39;
	_ =	sdelay $0x1  }
0x23a: {  	v33 =	vsub.f32 $1.500000000e+00, v33;
	_ =	sdelay $0x1  }
0x23b: {  	v32 =	vmul.f32 v32, v33;
	_ =	sdelay $0x1  }
0x23c: {  	v33 =	vmul.f32 v32, v31;
	_ =	sdelay $0x1  }
0x23d: {  	v33 =	vmul.f32 v33, v32;
	_ =	sdelay $0x1  }
0x23e: {  	v33 =	vsub.f32 $1.500000000e+00, v33;
	_ =	sdelay $0x1  }
0x23f: {  	v32 =	vmul.f32 v33, v32;
	_ =	sdelay $0x1  }
0x240: {  	v31 =	vmul.f32 v32, v31;
	_ =	sdelay $0x1  }
0x241: {  	v31 =	vmul.f32 v31, v32;
	_ =	sdelay $0x1  }
0x242: {  	v31 =	vsub.f32 $1.500000000e+00, v31;
	_ =	sdelay $0x1  }
0x243: {  	v25 =	vsub.f32 v25, v30;
	v31 =	vmul.f32 v31, v32  }
0x244: {  	v27 =	vsub.f32 v27, v30  }
0x245: {  	v29 =	vsub.f32 v55, v30;
	v25 =	vmul.f32 v31, v25  }
0x246: {  	v22 =	vsub.f32 v22, v30;
	v27 =	vmul.f32 v31, v27  }
0x247: {  	v29 =	vmul.f32 v31, v29;
	v25 =	vmul.f32 v25, v12  }
0x248: {  	v22 =	vmul.f32 v31, v22;
	v27 =	vmul.f32 v27, v13  }
0x249: {  	v29 =	vmul.f32 v29, v14;
	v25 =	vadd.f32 v25, v16  }
0x24a: {  	v21 =	vor.u32 $0x3, v21;
	v22 =	vmul.f32 v22, v15;
	v27 =	vadd.f32 v27, v17  }
0x24b: {  	v40 =	vadd.f32 v29, v18;
	[tilespmem:v45+s22+$0x0] =	vst.idx.msk $0xffff, v25  }
0x24c: {  	v22 =	vadd.f32 v22, v19;
	[tilespmem:v47+s22+$0x0] =	vst.idx.msk $0xffff, v27  }
0x24d: {  	[tilespmem:v49+s22+$0x0] =	vst.idx.msk $0xffff, v40  }
0x24e: {  	[tilespmem:v23+s22+$0x0] =	vst.idx.msk $0xffff, v22  }
0x24f: {  	v21 =	vld.idx.msk [tilespmem:v21+s20+$0x0], $0xffff  }
0x250: {  	v41 =	vor.u32 v8, v20  }
0x251: {  	v43 =	vor.u32 v9, v20  }
0x252: {  	v45 =	vor.u32 v10, v20  }
0x253: {  	v20 =	vor.u32 v11, v20  }
0x254: {  	v42 =	vadd.s32 v0, v21  }
0x255: {  	v27 =	vld.idx.msk [tilespmem:v41+s22+$0x0], $0xffff;
	v44 =	vadd.s32 v1, v21  }
0x256: {  	v47 =	vld.idx.msk [tilespmem:v43+s22+$0x0], $0xffff;
	v46 =	vadd.s32 v2, v21  }
0x257: {  	v48 =	vld.idx.msk [tilespmem:v45+s22+$0x0], $0xffff;
	v21 =	vadd.s32 v3, v21  }
0x258: {  	v49 =	vld.idx.msk [tilespmem:v20+s22+$0x0], $0xffff  }
0x259: {  	v23 =	vld.idx.msk [tilespmem:v42+s9+$0x0], $0xffff  }
0x25a: {  	v25 =	vld.idx.msk [tilespmem:v44+s9+$0x0], $0xffff  }
0x25b: {  	v28 =	vld.idx.msk [tilespmem:v46+s9+$0x0], $0xffff  }
0x25c: {  	v21 =	vld.idx.msk [tilespmem:v21+s9+$0x0], $0xffff;
	_ =	sdelay $0x3  }
0x25d: {  	v23 =	vadd.f32 v23, v27;
	v25 =	vadd.f32 v25, v47  }
0x25e: {  	v50 =	vadd.f32 v28, v48;
	v21 =	vadd.f32 v21, v49  }
0x25f: {  	v51 =	vadd.f32 v25, v23  }
0x260: {  	v52 =	vadd.f32 v21, v50;
	v53 =	vmul.f32 v23, v23;
	v54 =	vmul.f32 v25, v25  }
0x261: {  	v55 =	vmul.f32 v50, v50;
	v56 =	vmul.f32 v21, v21  }
0x262: {  	v28 =	vadd.f32 v52, v51  }
0x263: {  	v57 =	vadd.f32 v54, v53;
	v58 =	vadd.f32 v56, v55;
	_ =	sdelay $0x1  }
0x264: {  	v59 =	vperm.xlane v28, v4;
	v29 =	vadd.f32 v58, v57;
	_ =	sdelay $0x1  }
0x265: {  	v28 =	vadd.f32 v28, v59;
	v30 =	vperm.xlane v29, v4;
	_ =	sdelay $0x1  }
0x266: {  	v31 =	vperm.xlane v28, v5;
	v29 =	vadd.f32 v30, v29;
	_ =	sdelay $0x1  }
0x267: {  	v28 =	vadd.f32 v28, v31;
	v30 =	vperm.xlane v29, v5;
	_ =	sdelay $0x1  }
0x268: {  	v31 =	vperm.xlane v28, v6;
	v29 =	vadd.f32 v30, v29;
	_ =	sdelay $0x1  }
0x269: {  	v28 =	vadd.f32 v28, v31;
	v30 =	vperm.xlane v29, v6;
	_ =	sdelay $0x1  }
0x26a: {  	v31 =	vperm.xlane v28, v7;
	v29 =	vadd.f32 v30, v29;
	_ =	sdelay $0x1  }
0x26b: {  	v28 =	vadd.f32 v28, v31;
	v30 =	vperm.xlane v29, v7;
	_ =	sdelay $0x1  }
0x26c: {  	v29 =	vadd.f32 v30, v29;
	v28 =	vmul.f32 $1.562500000e-02, v28;
	_ =	sdelay $0x1  }
0x26d: {  	v29 =	vmul.f32 $1.562500000e-02, v29;
	v60 =	vmul.f32 v28, v28;
	_ =	sdelay $0x1  }
0x26e: {  	v29 =	vsub.f32 v29, v60;
	_ =	sdelay $0x1  }
0x26f: {  	v29 =	vadd.f32 $9.999999970e-07, v29;
	_ =	sdelay $0x1  }
0x270: {  	v61 =	vshrl.u32 v29, $0x1;
	v29 =	vmul.f32 $5.000000000e-01, v29  }
0x271: {  	v30 =	vsub.s32 $0x5F3759DF, v61  }
0x272: {  	v62 =	vmul.f32 v30, v29;
	_ =	sdelay $0x1  }
0x273: {  	v31 =	vmul.f32 v30, v62;
	_ =	sdelay $0x1  }
0x274: {  	v31 =	vsub.f32 $1.500000000e+00, v31;
	_ =	sdelay $0x1  }
0x275: {  	v30 =	vmul.f32 v30, v31;
	_ =	sdelay $0x1  }
0x276: {  	v31 =	vmul.f32 v30, v29;
	_ =	sdelay $0x1  }
0x277: {  	v31 =	vmul.f32 v31, v30;
	_ =	sdelay $0x1  }
0x278: {  	v31 =	vsub.f32 $1.500000000e+00, v31;
	_ =	sdelay $0x1  }
0x279: {  	v30 =	vmul.f32 v31, v30;
	_ =	sdelay $0x1  }
0x27a: {  	v29 =	vmul.f32 v30, v29;
	_ =	sdelay $0x1  }
0x27b: {  	v29 =	vmul.f32 v29, v30;
	_ =	sdelay $0x1  }
0x27c: {  	v29 =	vsub.f32 $1.500000000e+00, v29;
	_ =	sdelay $0x1  }
0x27d: {  	v23 =	vsub.f32 v23, v28;
	v29 =	vmul.f32 v29, v30  }
0x27e: {  	v25 =	vsub.f32 v25, v28  }
0x27f: {  	v27 =	vsub.f32 v50, v28;
	v23 =	vmul.f32 v29, v23  }
0x280: {  	v21 =	vsub.f32 v21, v28;
	v25 =	vmul.f32 v29, v25  }
0x281: {  	v27 =	vmul.f32 v29, v27;
	v23 =	vmul.f32 v23, v12  }
0x282: {  	v21 =	vmul.f32 v29, v21;
	v25 =	vmul.f32 v25, v13  }
0x283: {  	p0 =	sne.s32 s29, $0x27C;
	v27 =	vmul.f32 v27, v14;
	v23 =	vadd.f32 v23, v16  }
.Ltmp4:
0x284: {  	v21 =	vmul.f32 v21, v15;
	v25 =	vadd.f32 v25, v17;
	(pc) =	sbr.rel @p0 .LBB2_11-.Ltmp4, $4  }
0x285: {  	v63 =	vadd.f32 v27, v18;
	[tilespmem:v41+s22+$0x0] =	vst.idx.msk $0xffff, v23  }
0x286: {  	v21 =	vadd.f32 v21, v19;
	[tilespmem:v43+s22+$0x0] =	vst.idx.msk $0xffff, v25  }
0x287: {  	[tilespmem:v45+s22+$0x0] =	vst.idx.msk $0xffff, v63  }
0x288: {  	s29 =	sadd.s32 $0x4, s29;
	[tilespmem:v20+s22+$0x0] =	vst.idx.msk $0xffff, v21  }
0x289: {  	s17 =	sshll.u32 s28, $0x3  }
0x28a: {  	s17 =	sand.u32 $0x1FFFFC00, s17  }
0x28b: {  	p0 =	seq.s32 s2, $0x4;
	s17 =	sadd.s32 s3, s17  }
0x28c: {  	[hbm4b:s17+s5] =	stream.linear.scatter [tilespmem:s22], [sflag:$0x4], $0xA000, $0x38;
	[tilespmem:$0x1AF00] =	vst v63  }
0x28d: {  	s17 =	sadd.s32 @!p0 s23, s15;
	_ =	swait.ge [sflag:s12], $0xA000  }
0x28e: {  	s17 =	sshrl.u32 @!p0 s17, $0x3;
	[sflag:s12] =	ssyncset.done $0x0  }
0x28f: {  	s28 =	simm.s32 @!p0 $0x0;
	s23 =	sadd.s32 @!p0 s6, s17;
	[sflag:s12] =	ssyncadd.s32 $0xFFFF6000  }
0x290: {  	[tilespmem:s28], [sflag:$0x5] =	stream.linear.gather @!p0 [hbm4b:s23+s28], $0x280, $0x38;
	[tilespmem:$0x1AF00] =	vst v63  }
0x291: {  	s23 =	simm.s32 @!p0 $0x5  }
0x292: {  	_ =	swait.ge @!p0 [sflag:s23], $0x280  }
0x293: {  	[sflag:s23] =	ssyncset.done @!p0 $0x0  }
0x294: {  	s29 =	simm.s32 @!p0 $0x500;
	s17 =	sadd.s32 @!p0 s7, s17;
	[sflag:s23] =	ssyncadd.s32 @!p0 $0xFFFFFD80  }
0x295: {  	[tilespmem:s29], [sflag:$0x5] =	stream.linear.gather @!p0 [hbm4b:s17+s28], $0x280, $0x38;
	[tilespmem:$0x1AF00] =	vst v63  }
0x296: {  	_ =	swait.ge @!p0 [sflag:s23], $0x280  }
0x297: {  	[sflag:s23] =	ssyncset.done @!p0 $0x0  }
0x298: {  	s17 =	simm.s32 @!p0 $0x80;
	[sflag:s23] =	ssyncadd.s32 @!p0 $0xFFFFFD80;
	s23 =	simm.s32 @!p0 $0xA00  }
0x299: {  	[tilespmem:s23], [sflag:$0x1] =	stream.indirect.gather @!p0 [hbm4b:s8+s17], $0x40, s28, s17, $0xb8;
	[tilespmem:$0x1AF00] =	vst v63  }
0x29a: {  	s23 =	simm.s32 @!p0 $0x2A00  }
0x29b: {  	[tilespmem:s23], [sflag:$0x1] =	stream.indirect.gather @!p0 [hbm4b:s8+s17], $0x40, s17, s17, $0xb8;
	[tilespmem:$0x1AF00] =	vst v63  }
0x29c: {  	s28 =	simm.s32 @!p0 $0x4A00;
	s23 =	simm.s32 @!p0 $0x100  }
0x29d: {  	[tilespmem:s28], [sflag:$0x1] =	stream.indirect.gather @!p0 [hbm4b:s8+s17], $0x40, s23, s17, $0xb8;
	[tilespmem:$0x1AF00] =	vst v63  }
0x29e: {  	s23 =	simm.s32 @!p0 $0x180;
	s28 =	simm.s32 @!p0 $0x6A00  }
0x29f: {  	[tilespmem:s28], [sflag:$0x1] =	stream.indirect.gather @!p0 [hbm4b:s8+s17], $0x40, s23, s17, $0xb8;
	[tilespmem:$0x1AF00] =	vst v63  }
0x2a0: {  	s23 =	simm.s32 @!p0 $0x200;
	s28 =	simm.s32 @!p0 $0x8A00  }
0x2a1: {  	[tilespmem:s28], [sflag:$0x1] =	stream.indirect.gather @!p0 [hbm4b:s8+s17], $0x40, s23, s17, $0xb8;
	[tilespmem:$0x1AF00] =	vst v63  }
0x2a2: {  	s17 =	simm.s32 @!p0 $0x1  }
0x2a3: {  	_ =	swait.ge @!p0 [sflag:s17], $0x2000  }
0x2a4: {  	[sflag:s17] =	ssyncset.done @!p0 $0x0  }
0x2a5: {  	[sflag:s17] =	ssyncadd.s32 @!p0 $0xFFFFE000  }
0x2a6: {  	_ =	swait.ge @!p0 [sflag:s17], $0x2000  }
0x2a7: {  	[sflag:s17] =	ssyncset.done @!p0 $0x0  }
0x2a8: {  	[sflag:s17] =	ssyncadd.s32 @!p0 $0xFFFFE000  }
0x2a9: {  	_ =	swait.ge @!p0 [sflag:s17], $0x2000  }
0x2aa: {  	[sflag:s17] =	ssyncset.done @!p0 $0x0  }
0x2ab: {  	[sflag:s17] =	ssyncadd.s32 @!p0 $0xFFFFE000  }
0x2ac: {  	_ =	swait.ge @!p0 [sflag:s17], $0x2000  }
0x2ad: {  	[sflag:s17] =	ssyncset.done @!p0 $0x0  }
0x2ae: {  	[sflag:s17] =	ssyncadd.s32 @!p0 $0xFFFFE000  }
0x2af: {  	_ =	swait.ge @!p0 [sflag:s17], $0x2000  }
0x2b0: {  	s2 =	sadd.s32 $0x1, s2;
	[sflag:s17] =	ssyncset.done @!p0 $0x0  }
0x2b1: {  	[sflag:s17] =	ssyncadd.s32 @!p0 $0xFFFFE000;
	p0 =	sne.s32 s2, $0x5  }
.Ltmp5:
0x2b2: {  	_ = 	snop;
	(pc) =	sbr.rel @p0 .LBB2_4-.Ltmp5, $4  }
0x2b3: {  	_ = 	snop  }
0x2b4: {  	_ =	swait.ge [sflag:s13], $0xA000  }
0x2b5: {  	[sflag:s13] =	ssyncset.done $0x0  }
0x2b6: {  	s16 =	sadd.s32 $0x500, s16;
	s0 =	sadd.s32 $0x500, s0;
	[sflag:s13] =	ssyncadd.s32 $0xFFFF6000  }
0x2b7: {  	s2 =	rddreg [dreg:$0xc]  }
0x2b8: {  	s0 =	rddreg [dreg:$0x9];
	s2 =	sadd.s32 $0x1, s2  }
0x2b9: {  	p0 =	sne.s32 s2, s0  }
.Ltmp6:
0x2ba: {  	_ = 	snop;
	(pc) =	sbr.rel @p0 .LBB2_1-.Ltmp6, $1  }
0x2bb: {  	_ =	sdelay $0x3  }
0x2bc: {  	_ =	sfence.sel $0x180000  }
0x2bd: {  	[bflag:$0x0] =	sbarrier.arrive $0xFFFF  }
0x2be: {  	_ =	strace $0x90000047  }
0x2bf: {  	s0 =	stileid.u32;
	[bflag:$0x2] =	sbarrier.arrive $0xFFFF  }
0x2c0: {  	p0 =	sne.s32 s0, $0x0;
	s0 =	rddreg [dreg:$0x4]  }
0x2c1: {  	s0 =	sadd.s32 @!p0 $0x100000, s0  }
0x2c2: {  	[sflag:s0] =	ssyncadd.tile.s32 @!p0 $0x1;
	_ =	shalt  }
.Lfunc_end2:
_tile_overlayer_lowered:
.L_overlay_start_2:
0x2c3: {  	(tag) =	ssettag $0x2  }
0x2c4: {  	s0 =	rddreg [dreg:$0x0];
	s2 =	stileid.u32  }
0x2c5: {  	s1 =	rddreg [dreg:$0x1];
	p0 =	sne.s32 s2, $0x0  }
0x2c6: {  	s3 =	rddreg [dreg:$0x2];
	[bflag:$0x3] =	sbarrier.arrive $0xFFFF;
	s2 =	simm.s32 @!p0 $0x1C05  }
0x2c7: {  	[timem:s3], [sflag:s2] =	dma.local @!p0 [hbm:s0], s1  }
0x2c8: {  	s0 =	simm.s32 @!p0 $0x5  }
0x2c9: {  	_ =	swait.ge @!p0 [sflag:s0], s1  }
0x2ca: {  	s1 =	ssub.s32 @!p0 $0x0, s1;
	[sflag:s0] =	ssyncset.done @!p0 $0x0  }
0x2cb: {  	[sflag:s0] =	ssyncadd.s32 @!p0 s1  }
0x2cc: {  	[bflag:$0x3] =	sbarrier.arrive $0xFFFF  }
0x2cd: {  	_ =	shalt  }

// kernel: sparse-core-data-format-call.cloned.1.call-start
scs
called_computation_lowered:
.L_overlay_start_0:
0x0: {  	s2 =	sld [smem:$0x3FD9]  }
0x1: {  	s3 =	sld [smem:$0x3FFE];
	_ =	sdelay $0x1  }
0x2: {  	s1 =	srdreg.scid  }
0x3: {  	s0 =	sand.u32 $0x1, s1  }
0x4: {  	s18 =	sshll.u32 s0, $0xA;
	s2 =	sadd.s32 s3, s2  }
0x5: {  	s2 =	sadd.s32 s2, s18  }
0x6: {  	[smem:$0x3FC1] =	sst s2  }
0x7: {  	_ = 	snop  }
0x8: {  	s2 =	sld [smem:$0x3FD0];
	(tm) =	ssettm $0x1  }
0x9: {  	s19 =	sld [smem:$0x3FFB];
	_ =	sdelay $0x3  }
0xa: {  	_ =	strace s19  }
0xb: {  	s3 =	sld [smem:$0x3FFC];
	_ =	sdelay $0x3  }
0xc: {  	_ =	strace s3  }
0xd: {  	s3 =	sld [smem:$0x3FFD];
	_ =	sdelay $0x3  }
0xe: {  	_ =	strace s3  }
0xf: {  	_ =	strace $0x8FFFFFFF  }
0x10: {  	s20 =	sld [smem:$0x3FDB];
	_ =	sdelay $0x1  }
0x11: {  	s4 =	simm.s32 $_scs_section_size  }
0x12: {  	s5 =	simm.s32 $_size__tile_overlayer_lowered;
	s6 =	simm.s32 $_tile_overlayer_lowered  }
0x13: {  	s23 =	simm.s32 $0x1BFF;
	s22 =	sshll.u32 s6, $0x1;
	s3 =	sadd.s32 s4, s20  }
0x14: {  	s7 =	simm.s32 $0x0;
	s21 =	sshll.u32 s5, $0x1;
	s5 =	sadd.s32 s22, s3  }
0x15: {  	[timem:s7], [sflag:s23] =	dma.local [hbm:s5], s21  }
0x16: {  	_ =	swait.ge [sflag:s23], s21  }
0x17: {  	s4 =	ssub.s32 $0x0, s21;
	[sflag:s23] =	ssyncset.done $0x0  }
0x18: {  	[sflag:s23] =	ssyncadd.s32 s4;
	_ =	sdelay $0x1  }
0x19: {  	s24 =	simm.s32 $0x1B8B  }
0x1a: {  	_ =	swait.ge [sflag:s24], $0x1  }
0x1b: {  	[sflag:s24] =	ssyncset.done $0x0  }
0x1c: {  	s26 =	simm.s32 $0x1B8E;
	s25 =	sld [smem:$0x3FFE];
	[sflag:s24] =	ssyncadd.s32 $0xFFFFFFFF  }
0x1d: {  	s27 =	simm.s32 $execute0_lowered;
	[smem:$0x3FD2] =	sst s26  }
0x1e: {  	s5 =	sshll.u32 s27, $0x1;
	_ =	strace $0x80000049;
	[dreg:$0x1] =	wrdreg $0xFFFFFFFF  }
0x1f: {  	s28 =	simm.s32 $_size_execute0_lowered;
	s3 =	sadd.s32 s3, s5;
	[dreg:$0x0] =	wrdreg $0x0  }
0x20: {  	s5 =	sshll.u32 s28, $0x1;
	[dreg:$0x2] =	wrdreg s3  }
0x21: {  	[dreg:$0x3] =	wrdreg s5  }
0x22: {  	[dreg:$0x4] =	wrdreg $0xC0  }
0x23: {  	_ =	task [dreg:s7], $0x5FFFF  }
0x24: {  	[dreg:$0x1] =	wrdreg $0xFFFFFFFF  }
0x25: {  	[dreg:$0x0] =	wrdreg $0x60  }
0x26: {  	[dreg:$0x2] =	wrdreg s25  }
0x27: {  	[dreg:$0x3] =	wrdreg s2  }
0x28: {  	[dreg:$0x4] =	wrdreg $0x9  }
0x29: {  	_ =	task.clear_ibuf [dreg:s7], $0x5FFFF;
	_ =	strace $0x90000049  }
0x2a: {  	s29 =	simm.s32 $0x9;
	_ =	strace $0x8000004B  }
0x2b: {  	_ =	swait.ge [sflag:s29], $0x1  }
0x2c: {  	[sflag:s29] =	ssyncadd.s32 $0xFFFFFFFF  }
0x2d: {  	_ =	strace $0x9000004B  }
0x2e: {  	_ =	sfence  }
0x2f: {  	s30 =	sld [smem:$0x0];
	_ =	sdelay $0x2  }
0x30: {  	s31 =	sshll.u32 s1, $0xD;
	s1 =	sshrl.u32 s1, $0x2  }
0x31: {  	s3 =	sand.u32 $0x4000, s31;
	s1 =	sadd.s32 s1, s30  }
0x32: {  	s0 =	sor.u32 s3, s0;
	s1 =	sshll.u32 s1, $0x11  }
0x33: {  	s0 =	sor.u32 s1, s0  }
0x34: {  	s0 =	sadd.s32 $0x8F2B, s0  }
0x35: {  	[sflag:s0] =	ssyncadd.remote.s32 $0x1  }
0x36: {  	_ =	sfence.sel $0xFFFF  }
0x37: {  	[dreg:$0x0] =	wrdreg $0xFFFFFFFF;
	(pc) =	sbr.abs _section_cstart, $3  }
0x38: {  	[dreg:$0x1] =	wrdreg $0xFFFFFFFF  }
0x39: {  	_ =	task.clear_ibuf [dreg:s7], $0x2FFFF;
	_ =	strace $0x9FFFFFFF  }
0x3a: {  	(tm) =	ssettm $0x7FFFFFFF  }
0x3b: {  	_ =	shalt  }
tec
execute0_lowered:
.L_overlay_start_1:
0x0: {  	(tag) =	ssettag $0x1  }
0x1: {  	s0 =	stileid.u32;
	s6 =	rddreg [dreg:$0x0]  }
0x2: {  	s2 =	rddreg [dreg:$0x1];
	s5 =	srdreg.scid  }
0x3: {  	s31 =	simm.s32 $0x2;
	s13 =	simm.s32 $0x0;
	s1 =	sshll.u32 s0, $0x7  }
0x4: {  	s14 =	simm.s32 $0x0;
	s12 =	simm.s32 $0x0;
	s3 =	sand.u32 $0x380, s1  }
0x5: {  	s5 =	sshll.u32 s5, $0x4;
	s6 =	sadd.s32 $0x1000, s6;
	s4 =	ssub.s32 $0x400, s3  }
0x6: {  	s1 =	rddreg [dreg:$0x2];
	_ =	strace $0x8000004A;
	s7 =	sand.u32 $0x380, s4  }
0x7: {  	s5 =	sand.u32 $0x10, s5;
	p0 =	sne.s32 s7, $0x0;
	s7 =	simm.s32 $0x1  }
.Ltmp0:
0x8: {  	s8 =	sshrl.u32 s4, $0xA;
	s7 =	simm.s32 @!p0 $0x0;
	(pc) =	sbr.rel .LBB1_1-.Ltmp0, $4  }
0x9: {  	s9 =	sor.u32 s0, s5;
	s4 =	simm.s32 $0x1;
	s30 =	sadd.s32 s7, s8  }
0xa: {  	s11 =	smov.u32 s3;
	[sflag:s4] =	ssyncpa.u1 $0x0;
	s5 =	smul.u32 $0x32, s30  }
0xb: {  	[sflag:s31] =	ssyncpa.u1 $0x0;
	p0 =	por $0x0, $0x0;
	s7 =	sshrl.u32 s9, $0x3  }
0xc: {  	s9 =	simm.s32 $0x2000;
	s10 =	smov.u32 s7;
	s8 =	sor.u32 $0x1, s5  }
.LBB1_4:
0xd: {  	s17 =	sand.u32 $0x1F80, s14;
	s13 =	sshll.u32 s13, $0xD  }
0xe: {  	[tilespmem:s16+$0x810 ss:$0x81] =	vst.msk $0xffff, v2;
	s18 =	sshrl.u32 s14, $0x3;
	s31 =	sand.u32 $0x7, s14;
	s17 =	sadd.s32 s2, s17  }
0xf: {  	[tilespmem:s16+$0x1020 ss:$0x81] =	vst.msk $0xffff, v0;
	s18 =	sand.u32 $0xF, s18;
	s14 =	sshll.u32 s31, $0x12;
	s13 =	sadd.s32 s13, s17  }
0x10: {  	[tilespmem:s16+$0x0 ss:$0x81] =	vst.msk $0xffff, v1;
	s14 =	sor.u32 $0x400, s14;
	s13 =	sadd.s32 s18, s13  }
0x11: {  	[hbm4b:s13+s14] =	stream.strided.scatter [tilespmem:s15], [sflag:$0x2], $0x2000, s9, s14, $0x20;
	[tilespmem:$0x8080] =	vst v63  }
.LBB1_5:
0x12: {  	s15 =	sadd.s32 $0x4, s10  }
0x13: {  	s13 =	sadd.s32 $0x400, s11;
	s17 =	smov.u32 s11;
	p2 =	sgt.s32 s15, $0xC7  }
0x14: {  	s17 =	smov.u32 @p2 s13  }
0x15: {  	s15 =	smov.u32 @p2 s7;
	p2 =	sgt.s32 s17, $0x3FF  }
0x16: {  	s17 =	smov.u32 @p2 s3;
	p2 =	sne.s32 s12, s8  }
.Ltmp1:
0x17: {  	p1 =	slt.u32 s12, $0x2;
	(pc) =	sbr.rel @!p2 .LBB1_6-.Ltmp1, $4  }
0x18: {  	s16 =	simm.s32 @!p1 $0x2  }
0x19: {  	s14 =	smov.u32 s11;
	p0 =	por !p0, !p0;
	_ =	swait.ge @!p1 [sflag:s16], $0x2000  }
0x1a: {  	s13 =	smov.u32 s10;
	[sflag:s16] =	ssyncset.done @!p1 $0x0;
	s10 =	smov.u32 s15  }
0x1b: {  	s12 =	sadd.s32 $0x1, s12;
	[sflag:s16] =	ssyncadd.s32 @!p1 $0xFFFFE000;
	s11 =	smov.u32 s17  }
.LBB1_1:
0x1c: {  	p1 =	sge.u32 s12, s5  }
0x1d: {  	s15 =	sand.u32 @!p1 $0x1FFFFFF, s10  }
0x1e: {  	s16 =	smulhi.u32 @!p1 $0x147AE15, s15;
	_ =	sdelay $0x1  }
0x1f: {  	s16 =	smul.u32 @!p1 $0xC8, s16  }
0x20: {  	s17 =	sxor.u32 @!p1 $0xFFFFFFFF, s12;
	s18 =	smul.u32 @!p1 $0xC80, s11  }
0x21: {  	s31 =	sadd.s32 $0xFFFFFFFF, s12;
	s17 =	sshll.u32 @!p1 s17, $0xD;
	s15 =	ssub.s32 @!p1 s15, s16  }
0x22: {  	s16 =	sand.u32 @!p1 $0x2000, s17;
	s17 =	sadd.s32 @!p1 s6, s18;
	s15 =	sshll.u32 @!p1 s15, $0x4  }
0x23: {  	s18 =	simm.s32 @!p1 $0x6400;
	s15 =	sadd.s32 @!p1 s15, s17;
	s17 =	simm.s32 @!p1 $0x40  }
0x24: {  	[tilespmem:s16], [sflag:$0x1] =	stream.strided.gather @!p1 [hbm4b:s15+s17], $0x2000, s18, s17, $0x38;
	[tilespmem:$0x8080] =	vst v63  }
0x25: {  	p1 =	sge.u32 s31, s5  }
.Ltmp2:
0x26: {  	_ = 	snop;
	(pc) =	sbr.rel @p1 .LBB1_5-.Ltmp2, $1  }
0x27: {  	_ =	sdelay $0x3  }
0x28: {  	s15 =	simm.s32 $0x1  }
0x29: {  	_ =	swait.ge [sflag:s4], $0x2000;
	s15 =	simm.s32 @!p0 $0x0  }
0x2a: {  	[sflag:s4] =	ssyncset.done $0x0;
	s16 =	sshll.u32 s15, $0xD  }
0x2b: {  	[sflag:s4] =	ssyncadd.s32 $0xFFFFE000;
	s19 =	sor.u32 $0x20, s16  }
0x2c: {  	s15 =	smul.u32 $0x8100, s15;
	v3 =	vld [tilespmem:s19+$0x10]  }
0x2d: {  	s30 =	sand.u32 $0x1, s12;
	v2 =	vld [tilespmem:s19+$0xFFFFFFF0]  }
0x2e: {  	s16 =	smul.u32 $0x8100, s30;
	s15 =	sshrl.u32 s15, $0x2;
	v0 =	vld [tilespmem:s19+$0x0]  }
0x2f: {  	v1 =	vld [tilespmem:s19+$0xFFFFFFE0];
	s17 =	sor.u32 $0x4000, s15  }
0x30: {  	s31 =	sshrl.u32 s16, $0x2;
	s16 =	sadd.s32 $0x0, s17  }
0x31: {  	s18 =	simm.s32 $0x4;
	s19 =	sadd.s32 $0x40, s19;
	s15 =	sor.u32 $0x4000, s31;
	[tilespmem:s16+$0x1830 ss:$0x81] =	vst.msk $0xffff, v3  }
.LBB1_3:
0x32: {  	v3 =	vld [tilespmem:s19+$0x10];
	p1 =	sne.s32 s18, $0x1FC;
	[tilespmem:s16+$0x810 ss:$0x81] =	vst.msk $0xffff, v2;
	s20 =	smov.u32 s18;
	s18 =	sadd.s32 $0x4, s18  }
.Ltmp3:
0x33: {  	v2 =	vld [tilespmem:s19+$0xFFFFFFF0];
	[tilespmem:s16+$0x1020 ss:$0x81] =	vst.msk $0xffff, v0;
	(pc) =	sbr.rel @p1 .LBB1_3-.Ltmp3, $4  }
0x34: {  	v0 =	vld [tilespmem:s19+$0x0];
	[tilespmem:s16+$0x0 ss:$0x81] =	vst.msk $0xffff, v1  }
0x35: {  	s16 =	sshra.s32 s20, $0x2;
	v1 =	vld [tilespmem:s19+$0xFFFFFFE0]  }
0x36: {  	s16 =	sadd.s32 s16, s17  }
0x37: {  	s19 =	sadd.s32 $0x40, s19;
	[tilespmem:s16+$0x1830 ss:$0x81] =	vst.msk $0xffff, v3  }
.Ltmp4:
0x38: {  	_ = 	snop;
	(pc) =	sbr.rel .LBB1_4-.Ltmp4, $1  }
0x39: {  	_ =	sdelay $0x3  }
.LBB1_6:
0x3a: {  	_ =	sfence.sel $0x180000  }
0x3b: {  	s2 =	simm.s32 $0x1;
	[bflag:$0x0] =	sbarrier.arrive $0xFFFF  }
0x3c: {  	s31 =	simm.s32 $0x2;
	[sflag:s2] =	ssyncpa.u1 $0x1  }
0x3d: {  	[sflag:s31] =	ssyncpa.u1 $0x1  }
0x3e: {  	p0 =	sne.s32 s0, $0x0;
	_ =	strace $0x9000004A  }
0x3f: {  	s0 =	sadd.s32 @!p0 $0x100000, s1;
	[bflag:$0x2] =	sbarrier.arrive $0xFFFF  }
0x40: {  	[sflag:s0] =	ssyncadd.tile.s32 @!p0 $0x1;
	_ =	shalt  }
.Lfunc_end1:
_tile_overlayer_lowered:
.L_overlay_start_2:
0x41: {  	(tag) =	ssettag $0x2  }
0x42: {  	s0 =	rddreg [dreg:$0x0];
	s2 =	stileid.u32  }
0x43: {  	s1 =	rddreg [dreg:$0x1];
	p0 =	sne.s32 s2, $0x0  }
0x44: {  	s3 =	rddreg [dreg:$0x2];
	[bflag:$0x3] =	sbarrier.arrive $0xFFFF;
	s2 =	simm.s32 @!p0 $0x1C01  }
0x45: {  	[timem:s3], [sflag:s2] =	dma.local @!p0 [hbm:s0], s1  }
0x46: {  	s0 =	simm.s32 @!p0 $0x1  }
0x47: {  	_ =	swait.ge @!p0 [sflag:s0], s1  }
0x48: {  	s1 =	ssub.s32 @!p0 $0x0, s1;
	[sflag:s0] =	ssyncset.done @!p0 $0x0  }
0x49: {  	[sflag:s0] =	ssyncadd.s32 @!p0 s1  }
0x4a: {  	[bflag:$0x3] =	sbarrier.arrive $0xFFFF  }
0x4b: {  	_ =	shalt  }

</sc_bundles>
